<compile_context>
chip_gen: v7x
topology: tpu7x:2x2x1
jax: 0.10.2.dev20260603
libtpu: 0.0.44.dev20260713+nightly
codegen_flags: <defaults>
</compile_context>

<pallas_src>
import jax
import jax.numpy as jnp
from jax import lax
from jax.experimental import pallas as pl
from jax.experimental.pallas import tpu as pltpu
from jax.experimental.pallas import tpu_sc as plsc

Q = 1024
D = 16
N = 100000
NCLS = 1000
KNN = 8

CHUNK = 1024
NPAD = 100352
NCHUNKS = NPAD // CHUNK
GROUP = 8
CAPQ = 176
CPQ = CAPQ + 16
NCVREG = CPQ // 16

NW = 32
QPW = Q // NW

F32MAX = 3.4e38
IMAX = 2**31 - 1


def _tc_dist_body(x_ref, xt_ref, tn_ref, out_ref):
    d = lax.dot_general(x_ref[...], xt_ref[...], (((1,), (1,)), ((), ())),
                        preferred_element_type=jnp.float32)
    s = tn_ref[...] - 2.0 * d
    out_ref[...] = s.reshape(1, NW, QPW, 1024)


def _tc_dists(x, xp, tn2):
    return pl.pallas_call(
        _tc_dist_body,
        grid=(NPAD // 1024,),
        in_specs=[
            pl.BlockSpec((Q, D), lambda i: (0, 0)),
            pl.BlockSpec((1024, D), lambda i: (i, 0)),
            pl.BlockSpec((1, 1024), lambda i: (0, i)),
        ],
        out_specs=pl.BlockSpec((1, NW, QPW, 1024), lambda i: (i, 0, 0, 0)),
        out_shape=jax.ShapeDtypeStruct((NCHUNKS, NW, QPW, 1024), jnp.float32),
    )(x, xp, tn2)


def _top8_of_cands(cand_v, cand_i, base):
    lanes = lax.iota(jnp.int32, 16)

    def pass_body(k, st):
        win_v, win_i, pv, pi = st

        def vreg_body(j, bst):
            best, besti = bst
            v = cand_v[pl.ds(base + j * 16, 16)]
            iv = cand_i[pl.ds(base + j * 16, 16)]
            valid = (v > pv) | ((v == pv) & (iv > pi))
            v2 = jnp.where(valid, v, F32MAX)
            iv2 = jnp.where(valid, iv, IMAX)
            better = (v2 < best) | ((v2 == best) & (iv2 < besti))
            return (jnp.where(better, v2, best), jnp.where(better, iv2, besti))

        best, besti = lax.fori_loop(
            0, NCVREG, vreg_body,
            (jnp.full((16,), F32MAX, jnp.float32),
             jnp.full((16,), IMAX, jnp.int32)))
        s = jnp.min(best)
        iw = jnp.min(jnp.where(best == s, besti, IMAX))
        win_v = jnp.where(lanes == k, s, win_v)
        win_i = jnp.where(lanes == k, iw, win_i)
        return (win_v, win_i, s, iw)

    init = (jnp.full((16,), F32MAX, jnp.float32),
            jnp.full((16,), IMAX, jnp.int32),
            jnp.float32(-F32MAX), jnp.int32(-2**31))
    win_v, win_i, _, _ = lax.fori_loop(0, KNN, pass_body, init)
    return win_v, win_i


def _reset_cands(cand_v, cand_i, base, win_v, win_i):
    cand_v[pl.ds(base, 16)] = win_v
    cand_i[pl.ds(base, 16)] = win_i
    fill_v = jnp.full((16,), F32MAX, jnp.float32)
    fill_i = jnp.full((16,), IMAX, jnp.int32)

    def fill(j, _):
        cand_v[pl.ds(base + j * 16, 16)] = fill_v
        cand_i[pl.ds(base + j * 16, 16)] = fill_i
        return 0

    lax.fori_loop(1, NCVREG, fill, 0)


def _sc_body(s_hbm, x_hbm, y_hbm, out_hbm,
             sbufa, sbufb, cand_v, cand_i, logits_l, xq, idxbuf, ybuf,
             tst, cst, sema, semb, gsem):
    cid = lax.axis_index("c")
    sid = lax.axis_index("s")
    wid = sid * 2 + cid
    qbase = wid * QPW
    lanes = lax.iota(jnp.int32, 16)
    zeros16 = jnp.zeros((16,), jnp.float32)
    fill_v = jnp.full((16,), F32MAX, jnp.float32)
    fill_i = jnp.full((16,), IMAX, jnp.int32)

    pltpu.sync_copy(x_hbm.at[pl.ds(qbase, QPW), :], xq)

    def zrow(r, _):
        def zcol(c, _2):
            logits_l[r, pl.ds(c * 16, 16)] = zeros16
            return 0
        lax.fori_loop(0, 1024 // 16, zcol, 0)
        return 0
    lax.fori_loop(0, QPW, zrow, 0)

    def cfill(j, _):
        cand_v[pl.ds(j * 16, 16)] = fill_v
        cand_i[pl.ds(j * 16, 16)] = fill_i
        return 0
    lax.fori_loop(0, QPW * NCVREG, cfill, 0)

    def sinit(ql, _):
        tst[ql] = jnp.float32(F32MAX)
        cst[ql] = jnp.int32(0)
        return 0
    lax.fori_loop(0, QPW, sinit, 0)

    def scan_block(buf, cbase):
        def per_q(ql, _):
            qb = ql * CPQ
            t0 = tst[ql]
            tv0 = jnp.full((16,), t0)

            nacc = 8
            accs = [buf[ql, pl.ds(j * 16, 16)] < tv0 for j in range(nacc)]
            for j in range(nacc, CHUNK // 16):
                accs[j % nacc] = accs[j % nacc] | (
                    buf[ql, pl.ds(j * 16, 16)] < tv0)
            rowhit = accs[0]
            for a in accs[1:]:
                rowhit = rowhit | a

            def per_group(g, gst):
                t, cnt = gst
                tv = jnp.full((16,), t)
                vs = [buf[ql, pl.ds(g * (GROUP * 16) + j * 16, 16)]
                      for j in range(GROUP)]
                ms = [v < tv for v in vs]
                hit = ms[0]
                for m in ms[1:]:
                    hit = hit | m
                anyhit = jnp.any(hit)

                def do_append(cnt):
                    pcs = [plsc.all_reduce_population_count(ms[j])[0]
                           for j in range(GROUP)]
                    off = cnt
                    for j in range(GROUP):
                        iv = (cbase + g * (GROUP * 16) + j * 16) + lanes
                        plsc.store_compressed(
                            cand_v.at[pl.ds(qb + off, 16)], vs[j], mask=ms[j])
                        plsc.store_compressed(
                            cand_i.at[pl.ds(qb + off, 16)], iv, mask=ms[j])
                        off = off + pcs[j]
                    return off

                cnt = lax.cond(anyhit, do_append, lambda c: c, cnt)

                def do_rebuild(_):
                    wv, wi = _top8_of_cands(cand_v, cand_i, qb)
                    _reset_cands(cand_v, cand_i, qb, wv, wi)
                    return (wv[KNN - 1], jnp.int32(16))

                t, cnt = lax.cond(cnt >= CAPQ - GROUP * 16,
                                  do_rebuild, lambda _: (t, cnt), 0)
                return (t, cnt)

            @pl.when(jnp.any(rowhit))
            def _():
                t, cnt = lax.fori_loop(0, CHUNK // (GROUP * 16), per_group,
                                       (t0, cst[ql]))
                tst[ql] = t
                cst[ql] = cnt
            return 0

        lax.fori_loop(0, QPW, per_q, 0)

    pltpu.async_copy(s_hbm.at[0, wid], sbufa, sema)
    pltpu.async_copy(s_hbm.at[1, wid], sbufb, semb)

    def per_pair(cp, _):
        c0 = 2 * cp

        pltpu.make_async_copy(s_hbm.at[c0, wid], sbufa, sema).wait()
        scan_block(sbufa, c0 * CHUNK)

        @pl.when(c0 + 2 < NCHUNKS)
        def _():
            pltpu.async_copy(s_hbm.at[c0 + 2, wid], sbufa, sema)

        pltpu.make_async_copy(s_hbm.at[c0 + 1, wid], sbufb, semb).wait()
        scan_block(sbufb, (c0 + 1) * CHUNK)

        @pl.when(c0 + 3 < NCHUNKS)
        def _():
            pltpu.async_copy(s_hbm.at[c0 + 3, wid], sbufb, semb)

        return 0

    lax.fori_loop(0, NCHUNKS // 2, per_pair, 0)

    def finalize(ql, _):
        qb = ql * CPQ
        win_v, win_i = _top8_of_cands(cand_v, cand_i, qb)

        qv = xq[ql]
        xn = jnp.sum(qv * qv)
        w = 1.0 / jnp.maximum(win_v + xn, jnp.float32(1e-6))

        kmask = lanes < KNN
        idxbuf[...] = jnp.where(kmask, win_i, 0)
        pltpu.async_copy(y_hbm.at[idxbuf], ybuf, gsem).wait()
        labels = ybuf[...]

        row = jnp.full((16,), ql, jnp.int32)
        for k in range(KNN):
            plsc.addupdate_scatter(logits_l, [row, labels], w,
                                   mask=lanes == k)
        return 0

    lax.fori_loop(0, QPW, finalize, 0)

    pltpu.sync_copy(logits_l, out_hbm.at[pl.ds(qbase, QPW), :])


@jax.jit
def kernel(x, Xtrain, ytrain):
    pad = jnp.zeros((NPAD - N, D), jnp.float32).at[:, 0].set(1e18)
    xp = jnp.concatenate([Xtrain.astype(jnp.float32), pad], axis=0)
    tn2 = jnp.sum(xp * xp, axis=1).reshape(1, NPAD)
    s = _tc_dists(x.astype(jnp.float32), xp, tn2)

    mesh = plsc.VectorSubcoreMesh(core_axis_name="c", subcore_axis_name="s")
    sc = pl.kernel(
        _sc_body,
        out_type=jax.ShapeDtypeStruct((Q, 1024), jnp.float32),
        mesh=mesh,
        compiler_params=pltpu.CompilerParams(needs_layout_passes=False),
        scratch_types=[
            pltpu.VMEM((QPW, CHUNK), jnp.float32),
            pltpu.VMEM((QPW, CHUNK), jnp.float32),
            pltpu.VMEM((QPW * CPQ,), jnp.float32),
            pltpu.VMEM((QPW * CPQ,), jnp.int32),
            pltpu.VMEM((QPW, 1024), jnp.float32),
            pltpu.VMEM((QPW, D), jnp.float32),
            pltpu.VMEM((16,), jnp.int32),
            pltpu.VMEM((16,), jnp.int32),
            pltpu.SMEM((QPW,), jnp.float32),
            pltpu.SMEM((QPW,), jnp.int32),
            pltpu.SemaphoreType.DMA,
            pltpu.SemaphoreType.DMA,
            pltpu.SemaphoreType.DMA,
        ],
    )
    out = sc(s, x.astype(jnp.float32), ytrain.astype(jnp.int32))
    return out[:, :NCLS]

# --- scband reference (transcript-rebuilt; emitter-appended) ---
"""Pipeline reference for scband-knnclassifier-15908558865114 (READ-ONLY COPY).

The authoritative reference and input builder live on the scoring server;
editing this copy changes nothing except your own understanding.
"""

import jax, jax.numpy as jnp
import numpy as np

NUM_CLASSES = 1000
K = 8

def setup_inputs(seed: int = 0) -> dict:
    key = jax.random.key(seed)
    k1, k2, k3 = jax.random.split(key, 3)
    x = jax.random.normal(k1, (1024, 16), dtype=jnp.float32)
    Xtrain = jax.random.normal(k2, (100000, 16), dtype=jnp.float32)
    ytrain = jax.random.randint(k3, (100000,), 0, NUM_CLASSES)
    return {"x": x, "Xtrain": Xtrain, "ytrain": ytrain}

def reference(x, Xtrain, ytrain):
    train_norm2 = jnp.sum(Xtrain * Xtrain, axis=1)
    x_norm2 = jnp.sum(x * x, axis=1, keepdims=True)
    dists = x_norm2 + train_norm2[None, :] - 2.0 * (x @ Xtrain.T)
    # k > 1 branch: k smallest distances via top_k on negated dists
    neg_vals, idx = jax.lax.top_k(-dists, K)
    vals = -neg_vals
    neigh = jnp.take(ytrain, idx, axis=0)  # ytrain[idx], shape [Q, K]
    w = 1.0 / jnp.maximum(vals, 1e-06)
    logits = jnp.zeros((x.shape[0], NUM_CLASSES), dtype=x.dtype)
    rows = jnp.arange(x.shape[0])[:, None]
    logits = logits.at[rows, neigh].add(w)  # scatter_add_ along dim 1
    return logits

if __name__ == "__main__":
    import jax
    _d = setup_inputs()
    print(jax.jit(kernel)(*tuple(_d.values())))

</pallas_src>

<mosaic_0001>
#map = affine_map<(d0, d1) -> (0, 0, 0, 0)>
#map1 = affine_map<(d0, d1) -> (0, 0)>
#map2 = affine_map<(d0, d1) -> (0)>
module attributes {stable_mosaic.version = 14 : i64} {
  func.func @_sc_body(%arg0: i32, %arg1: i32, %arg2: memref<98x32x32x1024xf32, #tpu.memory_space<hbm>>, %arg3: memref<1024x16xf32, #tpu.memory_space<hbm>>, %arg4: memref<100000xi32, #tpu.memory_space<hbm>>, %arg5: memref<1024x1024xf32, #tpu.memory_space<hbm>>, %arg6: memref<32x1024xf32, #tpu.memory_space<vmem>>, %arg7: memref<32x1024xf32, #tpu.memory_space<vmem>>, %arg8: memref<6144xf32, #tpu.memory_space<vmem>>, %arg9: memref<6144xi32, #tpu.memory_space<vmem>>, %arg10: memref<32x1024xf32, #tpu.memory_space<vmem>>, %arg11: memref<32x16xf32, #tpu.memory_space<vmem>>, %arg12: memref<16xi32, #tpu.memory_space<vmem>>, %arg13: memref<16xi32, #tpu.memory_space<vmem>>, %arg14: memref<32xf32, #tpu.memory_space<smem>>, %arg15: memref<32xi32, #tpu.memory_space<smem>>, %arg16: memref<!tpu.dma_semaphore, #tpu.memory_space<semaphore_mem>>, %arg17: memref<!tpu.dma_semaphore, #tpu.memory_space<semaphore_mem>>, %arg18: memref<!tpu.dma_semaphore, #tpu.memory_space<semaphore_mem>>) attributes {dimension_semantics = [#tpu.dimension_semantics<core_parallel>, #tpu.dimension_semantics<subcore_parallel>], iteration_bounds = array<i64: 2, 16>, scalar_prefetch = 0 : i64, scratch_operands = 13 : i64, tpu.core_type = #tpu.core_type<sc_vector_subcore>, window_params = [{transform_indices = #map}, {transform_indices = #map1}, {transform_indices = #map2}, {transform_indices = #map1}]} {
    %mul3A = arith.constant 2 : i32
    %mul3A_0 = arith.muli %arg1, %mul3A : i32
    %add3A = arith.addi %mul3A_0, %arg0 : i32
    %mul3A_1 = arith.constant 32 : i32
    %mul3A_2 = arith.muli %add3A, %mul3A_1 : i32
    %iota3A = tpu.iota {dimensions = array<i32: 0>} : vector<16xi32>
    %broadcast_in_dim3A = arith.constant 0.000000e+00 : f32
    %broadcast_in_dim3A_3 = vector.broadcast %broadcast_in_dim3A : f32 to vector<16xf32>
    %broadcast_in_dim3A_4 = arith.constant 3.400000e+38 : f32
    %broadcast_in_dim3A_5 = vector.broadcast %broadcast_in_dim3A_4 : f32 to vector<16xf32>
    %broadcast_in_dim3A_6 = arith.constant 2147483647 : i32
    %broadcast_in_dim3A_7 = vector.broadcast %broadcast_in_dim3A_6 : i32 to vector<16xi32>
    "tpu.region"() ({
      %run_scoped3A = tpu.sem_alloc : memref<!tpu.dma_semaphore, #tpu.memory_space<semaphore_mem>>
      %dma_start3A_59 = arith.constant 0 : i32
      %dma_start3A_60 = tpu.memref_slice %arg3[%mul3A_2, %dma_start3A_59] : memref<1024x16xf32, #tpu.memory_space<hbm>> -> memref<32x16xf32, #tpu.memory_space<hbm>>
      %dma_start3A_61 = arith.constant 0 : i32
      %dma_start3A_62 = tpu.memref_slice %arg3[%mul3A_2, %dma_start3A_61] : memref<1024x16xf32, #tpu.memory_space<hbm>> -> memref<32x16xf32, #tpu.memory_space<hbm>>
      tpu.enqueue_dma source(%dma_start3A_62 : memref<32x16xf32, #tpu.memory_space<hbm>>) target(%arg11 : memref<32x16xf32, #tpu.memory_space<vmem>>) target_semaphore(%run_scoped3A : memref<!tpu.dma_semaphore, #tpu.memory_space<semaphore_mem>>)
      %dma_wait3A = arith.constant 0 : i32
      %dma_wait3A_63 = tpu.memref_slice %arg3[%mul3A_2, %dma_wait3A] : memref<1024x16xf32, #tpu.memory_space<hbm>> -> memref<32x16xf32, #tpu.memory_space<hbm>>
      %dma_wait3A_64 = arith.constant 0 : i32
      %dma_wait3A_65 = tpu.memref_slice %arg3[%mul3A_2, %dma_wait3A_64] : memref<1024x16xf32, #tpu.memory_space<hbm>> -> memref<32x16xf32, #tpu.memory_space<hbm>>
      tpu.wait_dma2 semaphore(%run_scoped3A : memref<!tpu.dma_semaphore, #tpu.memory_space<semaphore_mem>>) src(%dma_wait3A_65 : memref<32x16xf32, #tpu.memory_space<hbm>>) dst(%arg11 : memref<32x16xf32, #tpu.memory_space<vmem>>)
      tpu.yield
    }) : () -> ()
    %scan3A = arith.constant 0 : i32
    %scan3A_8 = arith.constant 0 : i32
    %scan3A_9 = arith.constant 32 : i32
    %scan3A_10 = arith.addi %scan3A_8, %scan3A_9 : i32
    %scan3A_11 = arith.constant 1 : i32
    %scan3A_12 = scf.for %scan3A_59 = %scan3A_8 to %scan3A_10 step %scan3A_11 iter_args(%scan3A_60 = %scan3A) -> (i32)  : i32 {
      %scan3A_61 = arith.constant 0 : i32
      %scan3A_62 = arith.constant 0 : i32
      %scan3A_63 = arith.constant 64 : i32
      %scan3A_64 = arith.addi %scan3A_62, %scan3A_63 : i32
      %scan3A_65 = arith.constant 1 : i32
      %scan3A_66 = scf.for %scan3A_69 = %scan3A_62 to %scan3A_64 step %scan3A_65 iter_args(%scan3A_70 = %scan3A_61) -> (i32)  : i32 {
        %mul3A_71 = arith.constant 16 : i32
        %mul3A_72 = arith.muli %scan3A_69, %mul3A_71 : i32
        %swap3A = arith.index_cast %scan3A_59 : i32 to index
        %swap3A_73 = arith.index_cast %mul3A_72 : i32 to index
        %swap3A_74 = tpu.vector_load %arg10[%swap3A, %swap3A_73] {strides = array<i32>} : memref<32x1024xf32, #tpu.memory_space<vmem>>, vector<16xf32>,
        tpu.vector_store %arg10[%swap3A, %swap3A_73], %broadcast_in_dim3A_3 {strides = array<i32>} : memref<32x1024xf32, #tpu.memory_space<vmem>>, vector<16xf32>,
        %scan3A_75 = arith.constant 0 : i32
        scf.yield %scan3A_75 : i32
      }
      %scan3A_67 = arith.constant 64 : i32
      %scan3A_68 = arith.constant 0 : i32
      scf.yield %scan3A_68 : i32
    }
    %scan3A_13 = arith.constant 32 : i32
    %scan3A_14 = arith.constant 0 : i32
    %scan3A_15 = arith.constant 0 : i32
    %scan3A_16 = arith.constant 384 : i32
    %scan3A_17 = arith.addi %scan3A_15, %scan3A_16 : i32
    %scan3A_18 = arith.constant 1 : i32
    %scan3A_19 = scf.for %scan3A_59 = %scan3A_15 to %scan3A_17 step %scan3A_18 iter_args(%scan3A_60 = %scan3A_14) -> (i32)  : i32 {
      %mul3A_61 = arith.constant 16 : i32
      %mul3A_62 = arith.muli %scan3A_59, %mul3A_61 : i32
      %swap3A = arith.index_cast %mul3A_62 : i32 to index
      %swap3A_63 = tpu.vector_load %arg8[%swap3A] {strides = array<i32>} : memref<6144xf32, #tpu.memory_space<vmem>>, vector<16xf32>,
      tpu.vector_store %arg8[%swap3A], %broadcast_in_dim3A_5 {strides = array<i32>} : memref<6144xf32, #tpu.memory_space<vmem>>, vector<16xf32>,
      %mul3A_64 = arith.constant 16 : i32
      %mul3A_65 = arith.muli %scan3A_59, %mul3A_64 : i32
      %swap3A_66 = arith.index_cast %mul3A_65 : i32 to index
      %swap3A_67 = tpu.vector_load %arg9[%swap3A_66] {strides = array<i32>} : memref<6144xi32, #tpu.memory_space<vmem>>, vector<16xi32>,
      tpu.vector_store %arg9[%swap3A_66], %broadcast_in_dim3A_7 {strides = array<i32>} : memref<6144xi32, #tpu.memory_space<vmem>>, vector<16xi32>,
      %scan3A_68 = arith.constant 0 : i32
      scf.yield %scan3A_68 : i32
    }
    %scan3A_20 = arith.constant 384 : i32
    %scan3A_21 = arith.constant 0 : i32
    %scan3A_22 = arith.constant 0 : i32
    %scan3A_23 = arith.constant 32 : i32
    %scan3A_24 = arith.addi %scan3A_22, %scan3A_23 : i32
    %scan3A_25 = arith.constant 1 : i32
    %scan3A_26 = scf.for %scan3A_59 = %scan3A_22 to %scan3A_24 step %scan3A_25 iter_args(%scan3A_60 = %scan3A_21) -> (i32)  : i32 {
      %swap3A = arith.constant 3.400000e+38 : f32
      %swap3A_61 = arith.index_cast %scan3A_59 : i32 to index
      %swap3A_62 = memref.load %arg14[%swap3A_61] : memref<32xf32, #tpu.memory_space<smem>>
      memref.store %swap3A, %arg14[%swap3A_61] : memref<32xf32, #tpu.memory_space<smem>>
      %swap3A_63 = arith.constant 0 : i32
      %swap3A_64 = arith.index_cast %scan3A_59 : i32 to index
      %swap3A_65 = memref.load %arg15[%swap3A_64] : memref<32xi32, #tpu.memory_space<smem>>
      memref.store %swap3A_63, %arg15[%swap3A_64] : memref<32xi32, #tpu.memory_space<smem>>
      %scan3A_66 = arith.constant 0 : i32
      scf.yield %scan3A_66 : i32
    }
    %scan3A_27 = arith.constant 32 : i32
    %dma_start3A = arith.constant 0 : i32
    %dma_start3A_28 = arith.constant 0 : i32
    %dma_start3A_29 = arith.constant 0 : i32
    %dma_start3A_30 = tpu.memref_slice %arg2[%dma_start3A, %add3A, %dma_start3A_28, %dma_start3A_29] : memref<98x32x32x1024xf32, #tpu.memory_space<hbm>> -> memref<1x1x32x1024xf32, #tpu.memory_space<hbm>>
    %dma_start3A_31 = tpu.memref_squeeze %dma_start3A_30 : memref<1x1x32x1024xf32, #tpu.memory_space<hbm>> -> memref<32x1024xf32, #tpu.memory_space<hbm>>
    %dma_start3A_32 = arith.constant 0 : i32
    %dma_start3A_33 = arith.constant 0 : i32
    %dma_start3A_34 = tpu.memref_slice %arg2[%dma_start3A, %add3A, %dma_start3A_32, %dma_start3A_33] : memref<98x32x32x1024xf32, #tpu.memory_space<hbm>> -> memref<1x1x32x1024xf32, #tpu.memory_space<hbm>>
    %dma_start3A_35 = tpu.memref_squeeze %dma_start3A_34 : memref<1x1x32x1024xf32, #tpu.memory_space<hbm>> -> memref<32x1024xf32, #tpu.memory_space<hbm>>
    tpu.enqueue_dma source(%dma_start3A_35 : memref<32x1024xf32, #tpu.memory_space<hbm>>) target(%arg6 : memref<32x1024xf32, #tpu.memory_space<vmem>>) target_semaphore(%arg16 : memref<!tpu.dma_semaphore, #tpu.memory_space<semaphore_mem>>)
    %dma_start3A_36 = arith.constant 1 : i32
    %dma_start3A_37 = arith.constant 0 : i32
    %dma_start3A_38 = arith.constant 0 : i32
    %dma_start3A_39 = tpu.memref_slice %arg2[%dma_start3A_36, %add3A, %dma_start3A_37, %dma_start3A_38] : memref<98x32x32x1024xf32, #tpu.memory_space<hbm>> -> memref<1x1x32x1024xf32, #tpu.memory_space<hbm>>
    %dma_start3A_40 = tpu.memref_squeeze %dma_start3A_39 : memref<1x1x32x1024xf32, #tpu.memory_space<hbm>> -> memref<32x1024xf32, #tpu.memory_space<hbm>>
    %dma_start3A_41 = arith.constant 0 : i32
    %dma_start3A_42 = arith.constant 0 : i32
    %dma_start3A_43 = tpu.memref_slice %arg2[%dma_start3A_36, %add3A, %dma_start3A_41, %dma_start3A_42] : memref<98x32x32x1024xf32, #tpu.memory_space<hbm>> -> memref<1x1x32x1024xf32, #tpu.memory_space<hbm>>
    %dma_start3A_44 = tpu.memref_squeeze %dma_start3A_43 : memref<1x1x32x1024xf32, #tpu.memory_space<hbm>> -> memref<32x1024xf32, #tpu.memory_space<hbm>>
    tpu.enqueue_dma source(%dma_start3A_44 : memref<32x1024xf32, #tpu.memory_space<hbm>>) target(%arg7 : memref<32x1024xf32, #tpu.memory_space<vmem>>) target_semaphore(%arg17 : memref<!tpu.dma_semaphore, #tpu.memory_space<semaphore_mem>>)
    %scan3A_45 = arith.constant 0 : i32
    %scan3A_46 = arith.constant 0 : i32
    %scan3A_47 = arith.constant 49 : i32
    %scan3A_48 = arith.addi %scan3A_46, %scan3A_47 : i32
    %scan3A_49 = arith.constant 1 : i32
    %scan3A_50 = scf.for %scan3A_59 = %scan3A_46 to %scan3A_48 step %scan3A_49 iter_args(%scan3A_60 = %scan3A_45) -> (i32)  : i32 {
      %mul3A_61 = arith.constant 2 : i32
      %mul3A_62 = arith.muli %mul3A_61, %scan3A_59 : i32
      %dma_wait3A = arith.constant 0 : i32
      %dma_wait3A_63 = arith.constant 0 : i32
      %dma_wait3A_64 = tpu.memref_slice %arg2[%mul3A_62, %add3A, %dma_wait3A, %dma_wait3A_63] : memref<98x32x32x1024xf32, #tpu.memory_space<hbm>> -> memref<1x1x32x1024xf32, #tpu.memory_space<hbm>>
      %dma_wait3A_65 = tpu.memref_squeeze %dma_wait3A_64 : memref<1x1x32x1024xf32, #tpu.memory_space<hbm>> -> memref<32x1024xf32, #tpu.memory_space<hbm>>
      %dma_wait3A_66 = arith.constant 0 : i32
      %dma_wait3A_67 = arith.constant 0 : i32
      %dma_wait3A_68 = tpu.memref_slice %arg2[%mul3A_62, %add3A, %dma_wait3A_66, %dma_wait3A_67] : memref<98x32x32x1024xf32, #tpu.memory_space<hbm>> -> memref<1x1x32x1024xf32, #tpu.memory_space<hbm>>
      %dma_wait3A_69 = tpu.memref_squeeze %dma_wait3A_68 : memref<1x1x32x1024xf32, #tpu.memory_space<hbm>> -> memref<32x1024xf32, #tpu.memory_space<hbm>>
      tpu.wait_dma2 semaphore(%arg16 : memref<!tpu.dma_semaphore, #tpu.memory_space<semaphore_mem>>) src(%dma_wait3A_69 : memref<32x1024xf32, #tpu.memory_space<hbm>>) dst(%arg6 : memref<32x1024xf32, #tpu.memory_space<vmem>>)
      %mul3A_70 = arith.constant 1024 : i32
      %mul3A_71 = arith.muli %mul3A_62, %mul3A_70 : i32
      %scan3A_72 = arith.constant 0 : i32
      %scan3A_73 = arith.constant 0 : i32
      %scan3A_74 = arith.constant 32 : i32
      %scan3A_75 = arith.addi %scan3A_73, %scan3A_74 : i32
      %scan3A_76 = arith.constant 1 : i32
      %scan3A_77 = scf.for %scan3A_112 = %scan3A_73 to %scan3A_75 step %scan3A_76 iter_args(%scan3A_113 = %scan3A_72) -> (i32)  : i32 {
        %mul3A_114 = arith.constant 192 : i32
        %mul3A_115 = arith.muli %scan3A_112, %mul3A_114 : i32
        %get3A = arith.index_cast %scan3A_112 : i32 to index
        %get3A_116 = memref.load %arg14[%get3A] : memref<32xf32, #tpu.memory_space<smem>>
        %broadcast_in_dim3A_117 = vector.broadcast %get3A_116 : f32 to vector<16xf32>
        %get3A_118 = arith.index_cast %scan3A_112 : i32 to index
        %get3A_119 = arith.constant 0 : index
        %get3A_120 = tpu.vector_load %arg6[%get3A_118, %get3A_119] {strides = array<i32>} : memref<32x1024xf32, #tpu.memory_space<vmem>>, vector<16xf32>,
        %lt3A_121 = arith.cmpf olt, %get3A_120, %broadcast_in_dim3A_117 : vector<16xf32>
        %get3A_122 = arith.index_cast %scan3A_112 : i32 to index
        %get3A_123 = arith.constant 16 : index
        %get3A_124 = tpu.vector_load %arg6[%get3A_122, %get3A_123] {strides = array<i32>} : memref<32x1024xf32, #tpu.memory_space<vmem>>, vector<16xf32>,
        %lt3A_125 = arith.cmpf olt, %get3A_124, %broadcast_in_dim3A_117 : vector<16xf32>
        %get3A_126 = arith.index_cast %scan3A_112 : i32 to index
        %get3A_127 = arith.constant 32 : index
        %get3A_128 = tpu.vector_load %arg6[%get3A_126, %get3A_127] {strides = array<i32>} : memref<32x1024xf32, #tpu.memory_space<vmem>>, vector<16xf32>,
        %lt3A_129 = arith.cmpf olt, %get3A_128, %broadcast_in_dim3A_117 : vector<16xf32>
        %get3A_130 = arith.index_cast %scan3A_112 : i32 to index
        %get3A_131 = arith.constant 48 : index
        %get3A_132 = tpu.vector_load %arg6[%get3A_130, %get3A_131] {strides = array<i32>} : memref<32x1024xf32, #tpu.memory_space<vmem>>, vector<16xf32>,
        %lt3A_133 = arith.cmpf olt, %get3A_132, %broadcast_in_dim3A_117 : vector<16xf32>
        %get3A_134 = arith.index_cast %scan3A_112 : i32 to index
        %get3A_135 = arith.constant 64 : index
        %get3A_136 = tpu.vector_load %arg6[%get3A_134, %get3A_135] {strides = array<i32>} : memref<32x1024xf32, #tpu.memory_space<vmem>>, vector<16xf32>,
        %lt3A_137 = arith.cmpf olt, %get3A_136, %broadcast_in_dim3A_117 : vector<16xf32>
        %get3A_138 = arith.index_cast %scan3A_112 : i32 to index
        %get3A_139 = arith.constant 80 : index
        %get3A_140 = tpu.vector_load %arg6[%get3A_138, %get3A_139] {strides = array<i32>} : memref<32x1024xf32, #tpu.memory_space<vmem>>, vector<16xf32>,
        %lt3A_141 = arith.cmpf olt, %get3A_140, %broadcast_in_dim3A_117 : vector<16xf32>
        %get3A_142 = arith.index_cast %scan3A_112 : i32 to index
        %get3A_143 = arith.constant 96 : index
        %get3A_144 = tpu.vector_load %arg6[%get3A_142, %get3A_143] {strides = array<i32>} : memref<32x1024xf32, #tpu.memory_space<vmem>>, vector<16xf32>,
        %lt3A_145 = arith.cmpf olt, %get3A_144, %broadcast_in_dim3A_117 : vector<16xf32>
        %get3A_146 = arith.index_cast %scan3A_112 : i32 to index
        %get3A_147 = arith.constant 112 : index
        %get3A_148 = tpu.vector_load %arg6[%get3A_146, %get3A_147] {strides = array<i32>} : memref<32x1024xf32, #tpu.memory_space<vmem>>, vector<16xf32>,
        %lt3A_149 = arith.cmpf olt, %get3A_148, %broadcast_in_dim3A_117 : vector<16xf32>
        %get3A_150 = arith.index_cast %scan3A_112 : i32 to index
        %get3A_151 = arith.constant 128 : index
        %get3A_152 = tpu.vector_load %arg6[%get3A_150, %get3A_151] {strides = array<i32>} : memref<32x1024xf32, #tpu.memory_space<vmem>>, vector<16xf32>,
        %lt3A_153 = arith.cmpf olt, %get3A_152, %broadcast_in_dim3A_117 : vector<16xf32>
        %or3A = arith.ori %lt3A_121, %lt3A_153 : vector<16xi1>
        %get3A_154 = arith.index_cast %scan3A_112 : i32 to index
        %get3A_155 = arith.constant 144 : index
        %get3A_156 = tpu.vector_load %arg6[%get3A_154, %get3A_155] {strides = array<i32>} : memref<32x1024xf32, #tpu.memory_space<vmem>>, vector<16xf32>,
        %lt3A_157 = arith.cmpf olt, %get3A_156, %broadcast_in_dim3A_117 : vector<16xf32>
        %or3A_158 = arith.ori %lt3A_125, %lt3A_157 : vector<16xi1>
        %get3A_159 = arith.index_cast %scan3A_112 : i32 to index
        %get3A_160 = arith.constant 160 : index
        %get3A_161 = tpu.vector_load %arg6[%get3A_159, %get3A_160] {strides = array<i32>} : memref<32x1024xf32, #tpu.memory_space<vmem>>, vector<16xf32>,
        %lt3A_162 = arith.cmpf olt, %get3A_161, %broadcast_in_dim3A_117 : vector<16xf32>
        %or3A_163 = arith.ori %lt3A_129, %lt3A_162 : vector<16xi1>
        %get3A_164 = arith.index_cast %scan3A_112 : i32 to index
        %get3A_165 = arith.constant 176 : index
        %get3A_166 = tpu.vector_load %arg6[%get3A_164, %get3A_165] {strides = array<i32>} : memref<32x1024xf32, #tpu.memory_space<vmem>>, vector<16xf32>,
        %lt3A_167 = arith.cmpf olt, %get3A_166, %broadcast_in_dim3A_117 : vector<16xf32>
        %or3A_168 = arith.ori %lt3A_133, %lt3A_167 : vector<16xi1>
        %get3A_169 = arith.index_cast %scan3A_112 : i32 to index
        %get3A_170 = arith.constant 192 : index
        %get3A_171 = tpu.vector_load %arg6[%get3A_169, %get3A_170] {strides = array<i32>} : memref<32x1024xf32, #tpu.memory_space<vmem>>, vector<16xf32>,
        %lt3A_172 = arith.cmpf olt, %get3A_171, %broadcast_in_dim3A_117 : vector<16xf32>
        %or3A_173 = arith.ori %lt3A_137, %lt3A_172 : vector<16xi1>
        %get3A_174 = arith.index_cast %scan3A_112 : i32 to index
        %get3A_175 = arith.constant 208 : index
        %get3A_176 = tpu.vector_load %arg6[%get3A_174, %get3A_175] {strides = array<i32>} : memref<32x1024xf32, #tpu.memory_space<vmem>>, vector<16xf32>,
        %lt3A_177 = arith.cmpf olt, %get3A_176, %broadcast_in_dim3A_117 : vector<16xf32>
        %or3A_178 = arith.ori %lt3A_141, %lt3A_177 : vector<16xi1>
        %get3A_179 = arith.index_cast %scan3A_112 : i32 to index
        %get3A_180 = arith.constant 224 : index
        %get3A_181 = tpu.vector_load %arg6[%get3A_179, %get3A_180] {strides = array<i32>} : memref<32x1024xf32, #tpu.memory_space<vmem>>, vector<16xf32>,
        %lt3A_182 = arith.cmpf olt, %get3A_181, %broadcast_in_dim3A_117 : vector<16xf32>
        %or3A_183 = arith.ori %lt3A_145, %lt3A_182 : vector<16xi1>
        %get3A_184 = arith.index_cast %scan3A_112 : i32 to index
        %get3A_185 = arith.constant 240 : index
        %get3A_186 = tpu.vector_load %arg6[%get3A_184, %get3A_185] {strides = array<i32>} : memref<32x1024xf32, #tpu.memory_space<vmem>>, vector<16xf32>,
        %lt3A_187 = arith.cmpf olt, %get3A_186, %broadcast_in_dim3A_117 : vector<16xf32>
        %or3A_188 = arith.ori %lt3A_149, %lt3A_187 : vector<16xi1>
        %get3A_189 = arith.index_cast %scan3A_112 : i32 to index
        %get3A_190 = arith.constant 256 : index
        %get3A_191 = tpu.vector_load %arg6[%get3A_189, %get3A_190] {strides = array<i32>} : memref<32x1024xf32, #tpu.memory_space<vmem>>, vector<16xf32>,
        %lt3A_192 = arith.cmpf olt, %get3A_191, %broadcast_in_dim3A_117 : vector<16xf32>
        %or3A_193 = arith.ori %or3A, %lt3A_192 : vector<16xi1>
        %get3A_194 = arith.index_cast %scan3A_112 : i32 to index
        %get3A_195 = arith.constant 272 : index
        %get3A_196 = tpu.vector_load %arg6[%get3A_194, %get3A_195] {strides = array<i32>} : memref<32x1024xf32, #tpu.memory_space<vmem>>, vector<16xf32>,
        %lt3A_197 = arith.cmpf olt, %get3A_196, %broadcast_in_dim3A_117 : vector<16xf32>
        %or3A_198 = arith.ori %or3A_158, %lt3A_197 : vector<16xi1>
        %get3A_199 = arith.index_cast %scan3A_112 : i32 to index
        %get3A_200 = arith.constant 288 : index
        %get3A_201 = tpu.vector_load %arg6[%get3A_199, %get3A_200] {strides = array<i32>} : memref<32x1024xf32, #tpu.memory_space<vmem>>, vector<16xf32>,
        %lt3A_202 = arith.cmpf olt, %get3A_201, %broadcast_in_dim3A_117 : vector<16xf32>
        %or3A_203 = arith.ori %or3A_163, %lt3A_202 : vector<16xi1>
        %get3A_204 = arith.index_cast %scan3A_112 : i32 to index
        %get3A_205 = arith.constant 304 : index
        %get3A_206 = tpu.vector_load %arg6[%get3A_204, %get3A_205] {strides = array<i32>} : memref<32x1024xf32, #tpu.memory_space<vmem>>, vector<16xf32>,
        %lt3A_207 = arith.cmpf olt, %get3A_206, %broadcast_in_dim3A_117 : vector<16xf32>
        %or3A_208 = arith.ori %or3A_168, %lt3A_207 : vector<16xi1>
        %get3A_209 = arith.index_cast %scan3A_112 : i32 to index
        %get3A_210 = arith.constant 320 : index
        %get3A_211 = tpu.vector_load %arg6[%get3A_209, %get3A_210] {strides = array<i32>} : memref<32x1024xf32, #tpu.memory_space<vmem>>, vector<16xf32>,
        %lt3A_212 = arith.cmpf olt, %get3A_211, %broadcast_in_dim3A_117 : vector<16xf32>
        %or3A_213 = arith.ori %or3A_173, %lt3A_212 : vector<16xi1>
        %get3A_214 = arith.index_cast %scan3A_112 : i32 to index
        %get3A_215 = arith.constant 336 : index
        %get3A_216 = tpu.vector_load %arg6[%get3A_214, %get3A_215] {strides = array<i32>} : memref<32x1024xf32, #tpu.memory_space<vmem>>, vector<16xf32>,
        %lt3A_217 = arith.cmpf olt, %get3A_216, %broadcast_in_dim3A_117 : vector<16xf32>
        %or3A_218 = arith.ori %or3A_178, %lt3A_217 : vector<16xi1>
        %get3A_219 = arith.index_cast %scan3A_112 : i32 to index
        %get3A_220 = arith.constant 352 : index
        %get3A_221 = tpu.vector_load %arg6[%get3A_219, %get3A_220] {strides = array<i32>} : memref<32x1024xf32, #tpu.memory_space<vmem>>, vector<16xf32>,
        %lt3A_222 = arith.cmpf olt, %get3A_221, %broadcast_in_dim3A_117 : vector<16xf32>
        %or3A_223 = arith.ori %or3A_183, %lt3A_222 : vector<16xi1>
        %get3A_224 = arith.index_cast %scan3A_112 : i32 to index
        %get3A_225 = arith.constant 368 : index
        %get3A_226 = tpu.vector_load %arg6[%get3A_224, %get3A_225] {strides = array<i32>} : memref<32x1024xf32, #tpu.memory_space<vmem>>, vector<16xf32>,
        %lt3A_227 = arith.cmpf olt, %get3A_226, %broadcast_in_dim3A_117 : vector<16xf32>
        %or3A_228 = arith.ori %or3A_188, %lt3A_227 : vector<16xi1>
        %get3A_229 = arith.index_cast %scan3A_112 : i32 to index
        %get3A_230 = arith.constant 384 : index
        %get3A_231 = tpu.vector_load %arg6[%get3A_229, %get3A_230] {strides = array<i32>} : memref<32x1024xf32, #tpu.memory_space<vmem>>, vector<16xf32>,
        %lt3A_232 = arith.cmpf olt, %get3A_231, %broadcast_in_dim3A_117 : vector<16xf32>
        %or3A_233 = arith.ori %or3A_193, %lt3A_232 : vector<16xi1>
        %get3A_234 = arith.index_cast %scan3A_112 : i32 to index
        %get3A_235 = arith.constant 400 : index
        %get3A_236 = tpu.vector_load %arg6[%get3A_234, %get3A_235] {strides = array<i32>} : memref<32x1024xf32, #tpu.memory_space<vmem>>, vector<16xf32>,
        %lt3A_237 = arith.cmpf olt, %get3A_236, %broadcast_in_dim3A_117 : vector<16xf32>
        %or3A_238 = arith.ori %or3A_198, %lt3A_237 : vector<16xi1>
        %get3A_239 = arith.index_cast %scan3A_112 : i32 to index
        %get3A_240 = arith.constant 416 : index
        %get3A_241 = tpu.vector_load %arg6[%get3A_239, %get3A_240] {strides = array<i32>} : memref<32x1024xf32, #tpu.memory_space<vmem>>, vector<16xf32>,
        %lt3A_242 = arith.cmpf olt, %get3A_241, %broadcast_in_dim3A_117 : vector<16xf32>
        %or3A_243 = arith.ori %or3A_203, %lt3A_242 : vector<16xi1>
        %get3A_244 = arith.index_cast %scan3A_112 : i32 to index
        %get3A_245 = arith.constant 432 : index
        %get3A_246 = tpu.vector_load %arg6[%get3A_244, %get3A_245] {strides = array<i32>} : memref<32x1024xf32, #tpu.memory_space<vmem>>, vector<16xf32>,
        %lt3A_247 = arith.cmpf olt, %get3A_246, %broadcast_in_dim3A_117 : vector<16xf32>
        %or3A_248 = arith.ori %or3A_208, %lt3A_247 : vector<16xi1>
        %get3A_249 = arith.index_cast %scan3A_112 : i32 to index
        %get3A_250 = arith.constant 448 : index
        %get3A_251 = tpu.vector_load %arg6[%get3A_249, %get3A_250] {strides = array<i32>} : memref<32x1024xf32, #tpu.memory_space<vmem>>, vector<16xf32>,
        %lt3A_252 = arith.cmpf olt, %get3A_251, %broadcast_in_dim3A_117 : vector<16xf32>
        %or3A_253 = arith.ori %or3A_213, %lt3A_252 : vector<16xi1>
        %get3A_254 = arith.index_cast %scan3A_112 : i32 to index
        %get3A_255 = arith.constant 464 : index
        %get3A_256 = tpu.vector_load %arg6[%get3A_254, %get3A_255] {strides = array<i32>} : memref<32x1024xf32, #tpu.memory_space<vmem>>, vector<16xf32>,
        %lt3A_257 = arith.cmpf olt, %get3A_256, %broadcast_in_dim3A_117 : vector<16xf32>
        %or3A_258 = arith.ori %or3A_218, %lt3A_257 : vector<16xi1>
        %get3A_259 = arith.index_cast %scan3A_112 : i32 to index
        %get3A_260 = arith.constant 480 : index
        %get3A_261 = tpu.vector_load %arg6[%get3A_259, %get3A_260] {strides = array<i32>} : memref<32x1024xf32, #tpu.memory_space<vmem>>, vector<16xf32>,
        %lt3A_262 = arith.cmpf olt, %get3A_261, %broadcast_in_dim3A_117 : vector<16xf32>
        %or3A_263 = arith.ori %or3A_223, %lt3A_262 : vector<16xi1>
        %get3A_264 = arith.index_cast %scan3A_112 : i32 to index
        %get3A_265 = arith.constant 496 : index
        %get3A_266 = tpu.vector_load %arg6[%get3A_264, %get3A_265] {strides = array<i32>} : memref<32x1024xf32, #tpu.memory_space<vmem>>, vector<16xf32>,
        %lt3A_267 = arith.cmpf olt, %get3A_266, %broadcast_in_dim3A_117 : vector<16xf32>
        %or3A_268 = arith.ori %or3A_228, %lt3A_267 : vector<16xi1>
        %get3A_269 = arith.index_cast %scan3A_112 : i32 to index
        %get3A_270 = arith.constant 512 : index
        %get3A_271 = tpu.vector_load %arg6[%get3A_269, %get3A_270] {strides = array<i32>} : memref<32x1024xf32, #tpu.memory_space<vmem>>, vector<16xf32>,
        %lt3A_272 = arith.cmpf olt, %get3A_271, %broadcast_in_dim3A_117 : vector<16xf32>
        %or3A_273 = arith.ori %or3A_233, %lt3A_272 : vector<16xi1>
        %get3A_274 = arith.index_cast %scan3A_112 : i32 to index
        %get3A_275 = arith.constant 528 : index
        %get3A_276 = tpu.vector_load %arg6[%get3A_274, %get3A_275] {strides = array<i32>} : memref<32x1024xf32, #tpu.memory_space<vmem>>, vector<16xf32>,
        %lt3A_277 = arith.cmpf olt, %get3A_276, %broadcast_in_dim3A_117 : vector<16xf32>
        %or3A_278 = arith.ori %or3A_238, %lt3A_277 : vector<16xi1>
        %get3A_279 = arith.index_cast %scan3A_112 : i32 to index
        %get3A_280 = arith.constant 544 : index
        %get3A_281 = tpu.vector_load %arg6[%get3A_279, %get3A_280] {strides = array<i32>} : memref<32x1024xf32, #tpu.memory_space<vmem>>, vector<16xf32>,
        %lt3A_282 = arith.cmpf olt, %get3A_281, %broadcast_in_dim3A_117 : vector<16xf32>
        %or3A_283 = arith.ori %or3A_243, %lt3A_282 : vector<16xi1>
        %get3A_284 = arith.index_cast %scan3A_112 : i32 to index
        %get3A_285 = arith.constant 560 : index
        %get3A_286 = tpu.vector_load %arg6[%get3A_284, %get3A_285] {strides = array<i32>} : memref<32x1024xf32, #tpu.memory_space<vmem>>, vector<16xf32>,
        %lt3A_287 = arith.cmpf olt, %get3A_286, %broadcast_in_dim3A_117 : vector<16xf32>
        %or3A_288 = arith.ori %or3A_248, %lt3A_287 : vector<16xi1>
        %get3A_289 = arith.index_cast %scan3A_112 : i32 to index
        %get3A_290 = arith.constant 576 : index
        %get3A_291 = tpu.vector_load %arg6[%get3A_289, %get3A_290] {strides = array<i32>} : memref<32x1024xf32, #tpu.memory_space<vmem>>, vector<16xf32>,
        %lt3A_292 = arith.cmpf olt, %get3A_291, %broadcast_in_dim3A_117 : vector<16xf32>
        %or3A_293 = arith.ori %or3A_253, %lt3A_292 : vector<16xi1>
        %get3A_294 = arith.index_cast %scan3A_112 : i32 to index
        %get3A_295 = arith.constant 592 : index
        %get3A_296 = tpu.vector_load %arg6[%get3A_294, %get3A_295] {strides = array<i32>} : memref<32x1024xf32, #tpu.memory_space<vmem>>, vector<16xf32>,
        %lt3A_297 = arith.cmpf olt, %get3A_296, %broadcast_in_dim3A_117 : vector<16xf32>
        %or3A_298 = arith.ori %or3A_258, %lt3A_297 : vector<16xi1>
        %get3A_299 = arith.index_cast %scan3A_112 : i32 to index
        %get3A_300 = arith.constant 608 : index
        %get3A_301 = tpu.vector_load %arg6[%get3A_299, %get3A_300] {strides = array<i32>} : memref<32x1024xf32, #tpu.memory_space<vmem>>, vector<16xf32>,
        %lt3A_302 = arith.cmpf olt, %get3A_301, %broadcast_in_dim3A_117 : vector<16xf32>
        %or3A_303 = arith.ori %or3A_263, %lt3A_302 : vector<16xi1>
        %get3A_304 = arith.index_cast %scan3A_112 : i32 to index
        %get3A_305 = arith.constant 624 : index
        %get3A_306 = tpu.vector_load %arg6[%get3A_304, %get3A_305] {strides = array<i32>} : memref<32x1024xf32, #tpu.memory_space<vmem>>, vector<16xf32>,
        %lt3A_307 = arith.cmpf olt, %get3A_306, %broadcast_in_dim3A_117 : vector<16xf32>
        %or3A_308 = arith.ori %or3A_268, %lt3A_307 : vector<16xi1>
        %get3A_309 = arith.index_cast %scan3A_112 : i32 to index
        %get3A_310 = arith.constant 640 : index
        %get3A_311 = tpu.vector_load %arg6[%get3A_309, %get3A_310] {strides = array<i32>} : memref<32x1024xf32, #tpu.memory_space<vmem>>, vector<16xf32>,
        %lt3A_312 = arith.cmpf olt, %get3A_311, %broadcast_in_dim3A_117 : vector<16xf32>
        %or3A_313 = arith.ori %or3A_273, %lt3A_312 : vector<16xi1>
        %get3A_314 = arith.index_cast %scan3A_112 : i32 to index
        %get3A_315 = arith.constant 656 : index
        %get3A_316 = tpu.vector_load %arg6[%get3A_314, %get3A_315] {strides = array<i32>} : memref<32x1024xf32, #tpu.memory_space<vmem>>, vector<16xf32>,
        %lt3A_317 = arith.cmpf olt, %get3A_316, %broadcast_in_dim3A_117 : vector<16xf32>
        %or3A_318 = arith.ori %or3A_278, %lt3A_317 : vector<16xi1>
        %get3A_319 = arith.index_cast %scan3A_112 : i32 to index
        %get3A_320 = arith.constant 672 : index
        %get3A_321 = tpu.vector_load %arg6[%get3A_319, %get3A_320] {strides = array<i32>} : memref<32x1024xf32, #tpu.memory_space<vmem>>, vector<16xf32>,
        %lt3A_322 = arith.cmpf olt, %get3A_321, %broadcast_in_dim3A_117 : vector<16xf32>
        %or3A_323 = arith.ori %or3A_283, %lt3A_322 : vector<16xi1>
        %get3A_324 = arith.index_cast %scan3A_112 : i32 to index
        %get3A_325 = arith.constant 688 : index
        %get3A_326 = tpu.vector_load %arg6[%get3A_324, %get3A_325] {strides = array<i32>} : memref<32x1024xf32, #tpu.memory_space<vmem>>, vector<16xf32>,
        %lt3A_327 = arith.cmpf olt, %get3A_326, %broadcast_in_dim3A_117 : vector<16xf32>
        %or3A_328 = arith.ori %or3A_288, %lt3A_327 : vector<16xi1>
        %get3A_329 = arith.index_cast %scan3A_112 : i32 to index
        %get3A_330 = arith.constant 704 : index
        %get3A_331 = tpu.vector_load %arg6[%get3A_329, %get3A_330] {strides = array<i32>} : memref<32x1024xf32, #tpu.memory_space<vmem>>, vector<16xf32>,
        %lt3A_332 = arith.cmpf olt, %get3A_331, %broadcast_in_dim3A_117 : vector<16xf32>
        %or3A_333 = arith.ori %or3A_293, %lt3A_332 : vector<16xi1>
        %get3A_334 = arith.index_cast %scan3A_112 : i32 to index
        %get3A_335 = arith.constant 720 : index
        %get3A_336 = tpu.vector_load %arg6[%get3A_334, %get3A_335] {strides = array<i32>} : memref<32x1024xf32, #tpu.memory_space<vmem>>, vector<16xf32>,
        %lt3A_337 = arith.cmpf olt, %get3A_336, %broadcast_in_dim3A_117 : vector<16xf32>
        %or3A_338 = arith.ori %or3A_298, %lt3A_337 : vector<16xi1>
        %get3A_339 = arith.index_cast %scan3A_112 : i32 to index
        %get3A_340 = arith.constant 736 : index
        %get3A_341 = tpu.vector_load %arg6[%get3A_339, %get3A_340] {strides = array<i32>} : memref<32x1024xf32, #tpu.memory_space<vmem>>, vector<16xf32>,
        %lt3A_342 = arith.cmpf olt, %get3A_341, %broadcast_in_dim3A_117 : vector<16xf32>
        %or3A_343 = arith.ori %or3A_303, %lt3A_342 : vector<16xi1>
        %get3A_344 = arith.index_cast %scan3A_112 : i32 to index
        %get3A_345 = arith.constant 752 : index
        %get3A_346 = tpu.vector_load %arg6[%get3A_344, %get3A_345] {strides = array<i32>} : memref<32x1024xf32, #tpu.memory_space<vmem>>, vector<16xf32>,
        %lt3A_347 = arith.cmpf olt, %get3A_346, %broadcast_in_dim3A_117 : vector<16xf32>
        %or3A_348 = arith.ori %or3A_308, %lt3A_347 : vector<16xi1>
        %get3A_349 = arith.index_cast %scan3A_112 : i32 to index
        %get3A_350 = arith.constant 768 : index
        %get3A_351 = tpu.vector_load %arg6[%get3A_349, %get3A_350] {strides = array<i32>} : memref<32x1024xf32, #tpu.memory_space<vmem>>, vector<16xf32>,
        %lt3A_352 = arith.cmpf olt, %get3A_351, %broadcast_in_dim3A_117 : vector<16xf32>
        %or3A_353 = arith.ori %or3A_313, %lt3A_352 : vector<16xi1>
        %get3A_354 = arith.index_cast %scan3A_112 : i32 to index
        %get3A_355 = arith.constant 784 : index
        %get3A_356 = tpu.vector_load %arg6[%get3A_354, %get3A_355] {strides = array<i32>} : memref<32x1024xf32, #tpu.memory_space<vmem>>, vector<16xf32>,
        %lt3A_357 = arith.cmpf olt, %get3A_356, %broadcast_in_dim3A_117 : vector<16xf32>
        %or3A_358 = arith.ori %or3A_318, %lt3A_357 : vector<16xi1>
        %get3A_359 = arith.index_cast %scan3A_112 : i32 to index
        %get3A_360 = arith.constant 800 : index
        %get3A_361 = tpu.vector_load %arg6[%get3A_359, %get3A_360] {strides = array<i32>} : memref<32x1024xf32, #tpu.memory_space<vmem>>, vector<16xf32>,
        %lt3A_362 = arith.cmpf olt, %get3A_361, %broadcast_in_dim3A_117 : vector<16xf32>
        %or3A_363 = arith.ori %or3A_323, %lt3A_362 : vector<16xi1>
        %get3A_364 = arith.index_cast %scan3A_112 : i32 to index
        %get3A_365 = arith.constant 816 : index
        %get3A_366 = tpu.vector_load %arg6[%get3A_364, %get3A_365] {strides = array<i32>} : memref<32x1024xf32, #tpu.memory_space<vmem>>, vector<16xf32>,
        %lt3A_367 = arith.cmpf olt, %get3A_366, %broadcast_in_dim3A_117 : vector<16xf32>
        %or3A_368 = arith.ori %or3A_328, %lt3A_367 : vector<16xi1>
        %get3A_369 = arith.index_cast %scan3A_112 : i32 to index
        %get3A_370 = arith.constant 832 : index
        %get3A_371 = tpu.vector_load %arg6[%get3A_369, %get3A_370] {strides = array<i32>} : memref<32x1024xf32, #tpu.memory_space<vmem>>, vector<16xf32>,
        %lt3A_372 = arith.cmpf olt, %get3A_371, %broadcast_in_dim3A_117 : vector<16xf32>
        %or3A_373 = arith.ori %or3A_333, %lt3A_372 : vector<16xi1>
        %get3A_374 = arith.index_cast %scan3A_112 : i32 to index
        %get3A_375 = arith.constant 848 : index
        %get3A_376 = tpu.vector_load %arg6[%get3A_374, %get3A_375] {strides = array<i32>} : memref<32x1024xf32, #tpu.memory_space<vmem>>, vector<16xf32>,
        %lt3A_377 = arith.cmpf olt, %get3A_376, %broadcast_in_dim3A_117 : vector<16xf32>
        %or3A_378 = arith.ori %or3A_338, %lt3A_377 : vector<16xi1>
        %get3A_379 = arith.index_cast %scan3A_112 : i32 to index
        %get3A_380 = arith.constant 864 : index
        %get3A_381 = tpu.vector_load %arg6[%get3A_379, %get3A_380] {strides = array<i32>} : memref<32x1024xf32, #tpu.memory_space<vmem>>, vector<16xf32>,
        %lt3A_382 = arith.cmpf olt, %get3A_381, %broadcast_in_dim3A_117 : vector<16xf32>
        %or3A_383 = arith.ori %or3A_343, %lt3A_382 : vector<16xi1>
        %get3A_384 = arith.index_cast %scan3A_112 : i32 to index
        %get3A_385 = arith.constant 880 : index
        %get3A_386 = tpu.vector_load %arg6[%get3A_384, %get3A_385] {strides = array<i32>} : memref<32x1024xf32, #tpu.memory_space<vmem>>, vector<16xf32>,
        %lt3A_387 = arith.cmpf olt, %get3A_386, %broadcast_in_dim3A_117 : vector<16xf32>
        %or3A_388 = arith.ori %or3A_348, %lt3A_387 : vector<16xi1>
        %get3A_389 = arith.index_cast %scan3A_112 : i32 to index
        %get3A_390 = arith.constant 896 : index
        %get3A_391 = tpu.vector_load %arg6[%get3A_389, %get3A_390] {strides = array<i32>} : memref<32x1024xf32, #tpu.memory_space<vmem>>, vector<16xf32>,
        %lt3A_392 = arith.cmpf olt, %get3A_391, %broadcast_in_dim3A_117 : vector<16xf32>
        %or3A_393 = arith.ori %or3A_353, %lt3A_392 : vector<16xi1>
        %get3A_394 = arith.index_cast %scan3A_112 : i32 to index
        %get3A_395 = arith.constant 912 : index
        %get3A_396 = tpu.vector_load %arg6[%get3A_394, %get3A_395] {strides = array<i32>} : memref<32x1024xf32, #tpu.memory_space<vmem>>, vector<16xf32>,
        %lt3A_397 = arith.cmpf olt, %get3A_396, %broadcast_in_dim3A_117 : vector<16xf32>
        %or3A_398 = arith.ori %or3A_358, %lt3A_397 : vector<16xi1>
        %get3A_399 = arith.index_cast %scan3A_112 : i32 to index
        %get3A_400 = arith.constant 928 : index
        %get3A_401 = tpu.vector_load %arg6[%get3A_399, %get3A_400] {strides = array<i32>} : memref<32x1024xf32, #tpu.memory_space<vmem>>, vector<16xf32>,
        %lt3A_402 = arith.cmpf olt, %get3A_401, %broadcast_in_dim3A_117 : vector<16xf32>
        %or3A_403 = arith.ori %or3A_363, %lt3A_402 : vector<16xi1>
        %get3A_404 = arith.index_cast %scan3A_112 : i32 to index
        %get3A_405 = arith.constant 944 : index
        %get3A_406 = tpu.vector_load %arg6[%get3A_404, %get3A_405] {strides = array<i32>} : memref<32x1024xf32, #tpu.memory_space<vmem>>, vector<16xf32>,
        %lt3A_407 = arith.cmpf olt, %get3A_406, %broadcast_in_dim3A_117 : vector<16xf32>
        %or3A_408 = arith.ori %or3A_368, %lt3A_407 : vector<16xi1>
        %get3A_409 = arith.index_cast %scan3A_112 : i32 to index
        %get3A_410 = arith.constant 960 : index
        %get3A_411 = tpu.vector_load %arg6[%get3A_409, %get3A_410] {strides = array<i32>} : memref<32x1024xf32, #tpu.memory_space<vmem>>, vector<16xf32>,
        %lt3A_412 = arith.cmpf olt, %get3A_411, %broadcast_in_dim3A_117 : vector<16xf32>
        %or3A_413 = arith.ori %or3A_373, %lt3A_412 : vector<16xi1>
        %get3A_414 = arith.index_cast %scan3A_112 : i32 to index
        %get3A_415 = arith.constant 976 : index
        %get3A_416 = tpu.vector_load %arg6[%get3A_414, %get3A_415] {strides = array<i32>} : memref<32x1024xf32, #tpu.memory_space<vmem>>, vector<16xf32>,
        %lt3A_417 = arith.cmpf olt, %get3A_416, %broadcast_in_dim3A_117 : vector<16xf32>
        %or3A_418 = arith.ori %or3A_378, %lt3A_417 : vector<16xi1>
        %get3A_419 = arith.index_cast %scan3A_112 : i32 to index
        %get3A_420 = arith.constant 992 : index
        %get3A_421 = tpu.vector_load %arg6[%get3A_419, %get3A_420] {strides = array<i32>} : memref<32x1024xf32, #tpu.memory_space<vmem>>, vector<16xf32>,
        %lt3A_422 = arith.cmpf olt, %get3A_421, %broadcast_in_dim3A_117 : vector<16xf32>
        %or3A_423 = arith.ori %or3A_383, %lt3A_422 : vector<16xi1>
        %get3A_424 = arith.index_cast %scan3A_112 : i32 to index
        %get3A_425 = arith.constant 1008 : index
        %get3A_426 = tpu.vector_load %arg6[%get3A_424, %get3A_425] {strides = array<i32>} : memref<32x1024xf32, #tpu.memory_space<vmem>>, vector<16xf32>,
        %lt3A_427 = arith.cmpf olt, %get3A_426, %broadcast_in_dim3A_117 : vector<16xf32>
        %or3A_428 = arith.ori %or3A_388, %lt3A_427 : vector<16xi1>
        %or3A_429 = arith.ori %or3A_393, %or3A_398 : vector<16xi1>
        %or3A_430 = arith.ori %or3A_429, %or3A_403 : vector<16xi1>
        %or3A_431 = arith.ori %or3A_430, %or3A_408 : vector<16xi1>
        %or3A_432 = arith.ori %or3A_431, %or3A_413 : vector<16xi1>
        %or3A_433 = arith.ori %or3A_432, %or3A_418 : vector<16xi1>
        %or3A_434 = arith.ori %or3A_433, %or3A_423 : vector<16xi1>
        %or3A_435 = arith.ori %or3A_434, %or3A_428 : vector<16xi1>
        %reduce_or3A = arith.constant 1.000000e+00 : f32
        %reduce_or3A_436 = arith.constant 0.000000e+00 : f32
        %reduce_or3A_437 = vector.broadcast %reduce_or3A : f32 to vector<16xf32>
        %reduce_or3A_438 = vector.broadcast %reduce_or3A_436 : f32 to vector<16xf32>
        %reduce_or3A_439 = arith.select %or3A_435, %reduce_or3A_437, %reduce_or3A_438 : vector<16xi1>, vector<16xf32>
        %reduce_or3A_440 = arith.constant true
        %reduce_or3A_441 = vector.broadcast %reduce_or3A_440 : i1 to vector<16xi1>
        %reduce_or3A_442 = tpu.scan <max>, %reduce_or3A_439 masked %reduce_or3A_441 : vector<16xf32>, vector<16xi1> -> vector<16xf32>
        %reduce_or3A_443 = vector.extract %reduce_or3A_442[15] : f32 from vector<16xf32>
        %reduce_or3A_444 = arith.constant 0.000000e+00 : f32
        %reduce_or3A_445 = arith.cmpf ogt, %reduce_or3A_443, %reduce_or3A_444 : f32
        %convert_element_type3A_446 = arith.extui %reduce_or3A_445 : i1 to i32
        %cond3A_447 = arith.constant 0 : i32
        %cond3A_448 = arith.cmpi ne, %convert_element_type3A_446, %cond3A_447 : i32
        scf.if %cond3A_448 {
          %get3A_450 = arith.index_cast %scan3A_112 : i32 to index
          %get3A_451 = memref.load %arg15[%get3A_450] : memref<32xi32, #tpu.memory_space<smem>>
          %scan3A_452 = arith.constant 0 : i32
          %scan3A_453 = arith.constant 8 : i32
          %scan3A_454 = arith.addi %scan3A_452, %scan3A_453 : i32
          %scan3A_455 = arith.constant 1 : i32
          %scan3A_456:2 = scf.for %scan3A_461 = %scan3A_452 to %scan3A_454 step %scan3A_455 iter_args(%scan3A_462 = %get3A_116, %scan3A_463 = %get3A_451) -> (f32, i32)  : i32 {
            %broadcast_in_dim3A_464 = vector.broadcast %scan3A_462 : f32 to vector<16xf32>
            %mul3A_465 = arith.constant 128 : i32
            %mul3A_466 = arith.muli %scan3A_461, %mul3A_465 : i32
            %add3A_467 = arith.constant 0 : i32
            %add3A_468 = arith.addi %mul3A_466, %add3A_467 : i32
            %get3A_469 = arith.index_cast %scan3A_112 : i32 to index
            %get3A_470 = arith.index_cast %add3A_468 : i32 to index
            %get3A_471 = tpu.vector_load %arg6[%get3A_469, %get3A_470] {strides = array<i32>} : memref<32x1024xf32, #tpu.memory_space<vmem>>, vector<16xf32>,
            %mul3A_472 = arith.constant 128 : i32
            %mul3A_473 = arith.muli %scan3A_461, %mul3A_472 : i32
            %add3A_474 = arith.constant 16 : i32
            %add3A_475 = arith.addi %mul3A_473, %add3A_474 : i32
            %get3A_476 = arith.index_cast %scan3A_112 : i32 to index
            %get3A_477 = arith.index_cast %add3A_475 : i32 to index
            %get3A_478 = tpu.vector_load %arg6[%get3A_476, %get3A_477] {strides = array<i32>} : memref<32x1024xf32, #tpu.memory_space<vmem>>, vector<16xf32>,
            %mul3A_479 = arith.constant 128 : i32
            %mul3A_480 = arith.muli %scan3A_461, %mul3A_479 : i32
            %add3A_481 = arith.constant 32 : i32
            %add3A_482 = arith.addi %mul3A_480, %add3A_481 : i32
            %get3A_483 = arith.index_cast %scan3A_112 : i32 to index
            %get3A_484 = arith.index_cast %add3A_482 : i32 to index
            %get3A_485 = tpu.vector_load %arg6[%get3A_483, %get3A_484] {strides = array<i32>} : memref<32x1024xf32, #tpu.memory_space<vmem>>, vector<16xf32>,
            %mul3A_486 = arith.constant 128 : i32
            %mul3A_487 = arith.muli %scan3A_461, %mul3A_486 : i32
            %add3A_488 = arith.constant 48 : i32
            %add3A_489 = arith.addi %mul3A_487, %add3A_488 : i32
            %get3A_490 = arith.index_cast %scan3A_112 : i32 to index
            %get3A_491 = arith.index_cast %add3A_489 : i32 to index
            %get3A_492 = tpu.vector_load %arg6[%get3A_490, %get3A_491] {strides = array<i32>} : memref<32x1024xf32, #tpu.memory_space<vmem>>, vector<16xf32>,
            %mul3A_493 = arith.constant 128 : i32
            %mul3A_494 = arith.muli %scan3A_461, %mul3A_493 : i32
            %add3A_495 = arith.constant 64 : i32
            %add3A_496 = arith.addi %mul3A_494, %add3A_495 : i32
            %get3A_497 = arith.index_cast %scan3A_112 : i32 to index
            %get3A_498 = arith.index_cast %add3A_496 : i32 to index
            %get3A_499 = tpu.vector_load %arg6[%get3A_497, %get3A_498] {strides = array<i32>} : memref<32x1024xf32, #tpu.memory_space<vmem>>, vector<16xf32>,
            %mul3A_500 = arith.constant 128 : i32
            %mul3A_501 = arith.muli %scan3A_461, %mul3A_500 : i32
            %add3A_502 = arith.constant 80 : i32
            %add3A_503 = arith.addi %mul3A_501, %add3A_502 : i32
            %get3A_504 = arith.index_cast %scan3A_112 : i32 to index
            %get3A_505 = arith.index_cast %add3A_503 : i32 to index
            %get3A_506 = tpu.vector_load %arg6[%get3A_504, %get3A_505] {strides = array<i32>} : memref<32x1024xf32, #tpu.memory_space<vmem>>, vector<16xf32>,
            %mul3A_507 = arith.constant 128 : i32
            %mul3A_508 = arith.muli %scan3A_461, %mul3A_507 : i32
            %add3A_509 = arith.constant 96 : i32
            %add3A_510 = arith.addi %mul3A_508, %add3A_509 : i32
            %get3A_511 = arith.index_cast %scan3A_112 : i32 to index
            %get3A_512 = arith.index_cast %add3A_510 : i32 to index
            %get3A_513 = tpu.vector_load %arg6[%get3A_511, %get3A_512] {strides = array<i32>} : memref<32x1024xf32, #tpu.memory_space<vmem>>, vector<16xf32>,
            %mul3A_514 = arith.constant 128 : i32
            %mul3A_515 = arith.muli %scan3A_461, %mul3A_514 : i32
            %add3A_516 = arith.constant 112 : i32
            %add3A_517 = arith.addi %mul3A_515, %add3A_516 : i32
            %get3A_518 = arith.index_cast %scan3A_112 : i32 to index
            %get3A_519 = arith.index_cast %add3A_517 : i32 to index
            %get3A_520 = tpu.vector_load %arg6[%get3A_518, %get3A_519] {strides = array<i32>} : memref<32x1024xf32, #tpu.memory_space<vmem>>, vector<16xf32>,
            %lt3A_521 = arith.cmpf olt, %get3A_471, %broadcast_in_dim3A_464 : vector<16xf32>
            %lt3A_522 = arith.cmpf olt, %get3A_478, %broadcast_in_dim3A_464 : vector<16xf32>
            %lt3A_523 = arith.cmpf olt, %get3A_485, %broadcast_in_dim3A_464 : vector<16xf32>
            %lt3A_524 = arith.cmpf olt, %get3A_492, %broadcast_in_dim3A_464 : vector<16xf32>
            %lt3A_525 = arith.cmpf olt, %get3A_499, %broadcast_in_dim3A_464 : vector<16xf32>
            %lt3A_526 = arith.cmpf olt, %get3A_506, %broadcast_in_dim3A_464 : vector<16xf32>
            %lt3A_527 = arith.cmpf olt, %get3A_513, %broadcast_in_dim3A_464 : vector<16xf32>
            %lt3A_528 = arith.cmpf olt, %get3A_520, %broadcast_in_dim3A_464 : vector<16xf32>
            %or3A_529 = arith.ori %lt3A_521, %lt3A_522 : vector<16xi1>
            %or3A_530 = arith.ori %or3A_529, %lt3A_523 : vector<16xi1>
            %or3A_531 = arith.ori %or3A_530, %lt3A_524 : vector<16xi1>
            %or3A_532 = arith.ori %or3A_531, %lt3A_525 : vector<16xi1>
            %or3A_533 = arith.ori %or3A_532, %lt3A_526 : vector<16xi1>
            %or3A_534 = arith.ori %or3A_533, %lt3A_527 : vector<16xi1>
            %or3A_535 = arith.ori %or3A_534, %lt3A_528 : vector<16xi1>
            %reduce_or3A_536 = arith.constant 1.000000e+00 : f32
            %reduce_or3A_537 = arith.constant 0.000000e+00 : f32
            %reduce_or3A_538 = vector.broadcast %reduce_or3A_536 : f32 to vector<16xf32>
            %reduce_or3A_539 = vector.broadcast %reduce_or3A_537 : f32 to vector<16xf32>
            %reduce_or3A_540 = arith.select %or3A_535, %reduce_or3A_538, %reduce_or3A_539 : vector<16xi1>, vector<16xf32>
            %reduce_or3A_541 = arith.constant true
            %reduce_or3A_542 = vector.broadcast %reduce_or3A_541 : i1 to vector<16xi1>
            %reduce_or3A_543 = tpu.scan <max>, %reduce_or3A_540 masked %reduce_or3A_542 : vector<16xf32>, vector<16xi1> -> vector<16xf32>
            %reduce_or3A_544 = vector.extract %reduce_or3A_543[15] : f32 from vector<16xf32>
            %reduce_or3A_545 = arith.constant 0.000000e+00 : f32
            %reduce_or3A_546 = arith.cmpf ogt, %reduce_or3A_544, %reduce_or3A_545 : f32
            %convert_element_type3A_547 = arith.extui %reduce_or3A_546 : i1 to i32
            %cond3A_548 = arith.constant 0 : i32
            %cond3A_549 = arith.cmpi ne, %convert_element_type3A_547, %cond3A_548 : i32
            %cond3A_550 = scf.if %cond3A_549 -> (i32) {
              %all_reduce_population_count3A = tpu.all_reduce %lt3A_521 {dim = 0 : i64, kind = #tpu.reduction_kind<sum>} : vector<16xi1> -> vector<16xi32>
              %slice3A = vector.extract_strided_slice %all_reduce_population_count3A {offsets = [0], sizes = [1], strides = [1]} : vector<16xi32> to vector<1xi32>
              %squeeze3A = vector.extract %slice3A[0] : i32 from vector<1xi32>
              %all_reduce_population_count3A_557 = tpu.all_reduce %lt3A_522 {dim = 0 : i64, kind = #tpu.reduction_kind<sum>} : vector<16xi1> -> vector<16xi32>
              %slice3A_558 = vector.extract_strided_slice %all_reduce_population_count3A_557 {offsets = [0], sizes = [1], strides = [1]} : vector<16xi32> to vector<1xi32>
              %squeeze3A_559 = vector.extract %slice3A_558[0] : i32 from vector<1xi32>
              %all_reduce_population_count3A_560 = tpu.all_reduce %lt3A_523 {dim = 0 : i64, kind = #tpu.reduction_kind<sum>} : vector<16xi1> -> vector<16xi32>
              %slice3A_561 = vector.extract_strided_slice %all_reduce_population_count3A_560 {offsets = [0], sizes = [1], strides = [1]} : vector<16xi32> to vector<1xi32>
              %squeeze3A_562 = vector.extract %slice3A_561[0] : i32 from vector<1xi32>
              %all_reduce_population_count3A_563 = tpu.all_reduce %lt3A_524 {dim = 0 : i64, kind = #tpu.reduction_kind<sum>} : vector<16xi1> -> vector<16xi32>
              %slice3A_564 = vector.extract_strided_slice %all_reduce_population_count3A_563 {offsets = [0], sizes = [1], strides = [1]} : vector<16xi32> to vector<1xi32>
              %squeeze3A_565 = vector.extract %slice3A_564[0] : i32 from vector<1xi32>
              %all_reduce_population_count3A_566 = tpu.all_reduce %lt3A_525 {dim = 0 : i64, kind = #tpu.reduction_kind<sum>} : vector<16xi1> -> vector<16xi32>
              %slice3A_567 = vector.extract_strided_slice %all_reduce_population_count3A_566 {offsets = [0], sizes = [1], strides = [1]} : vector<16xi32> to vector<1xi32>
              %squeeze3A_568 = vector.extract %slice3A_567[0] : i32 from vector<1xi32>
              %all_reduce_population_count3A_569 = tpu.all_reduce %lt3A_526 {dim = 0 : i64, kind = #tpu.reduction_kind<sum>} : vector<16xi1> -> vector<16xi32>
              %slice3A_570 = vector.extract_strided_slice %all_reduce_population_count3A_569 {offsets = [0], sizes = [1], strides = [1]} : vector<16xi32> to vector<1xi32>
              %squeeze3A_571 = vector.extract %slice3A_570[0] : i32 from vector<1xi32>
              %all_reduce_population_count3A_572 = tpu.all_reduce %lt3A_527 {dim = 0 : i64, kind = #tpu.reduction_kind<sum>} : vector<16xi1> -> vector<16xi32>
              %slice3A_573 = vector.extract_strided_slice %all_reduce_population_count3A_572 {offsets = [0], sizes = [1], strides = [1]} : vector<16xi32> to vector<1xi32>
              %squeeze3A_574 = vector.extract %slice3A_573[0] : i32 from vector<1xi32>
              %all_reduce_population_count3A_575 = tpu.all_reduce %lt3A_528 {dim = 0 : i64, kind = #tpu.reduction_kind<sum>} : vector<16xi1> -> vector<16xi32>
              %slice3A_576 = vector.extract_strided_slice %all_reduce_population_count3A_575 {offsets = [0], sizes = [1], strides = [1]} : vector<16xi32> to vector<1xi32>
              %squeeze3A_577 = vector.extract %slice3A_576[0] : i32 from vector<1xi32>
              %mul3A_578 = arith.constant 128 : i32
              %mul3A_579 = arith.muli %scan3A_461, %mul3A_578 : i32
              %add3A_580 = arith.addi %mul3A_71, %mul3A_579 : i32
              %add3A_581 = arith.constant 0 : i32
              %add3A_582 = arith.addi %add3A_580, %add3A_581 : i32
              %add3A_583 = vector.broadcast %add3A_582 : i32 to vector<16xi32>
              %add3A_584 = arith.addi %add3A_583, %iota3A : vector<16xi32>
              %add3A_585 = arith.addi %mul3A_115, %scan3A_463 : i32
              %swap3A_586 = arith.index_cast %add3A_585 : i32 to index
              %swap3A_587 = tpu.vector_load %arg8[%swap3A_586] masked %lt3A_521 {strides = array<i32>} : memref<6144xf32, #tpu.memory_space<vmem>>, vector<16xf32>, vector<16xi1>
              tpu.vector_store %arg8[%swap3A_586], %get3A_471 masked %lt3A_521 {strides = array<i32>} : memref<6144xf32, #tpu.memory_space<vmem>>, vector<16xf32>, vector<16xi1>
              %add3A_588 = arith.addi %mul3A_115, %scan3A_463 : i32
              %swap3A_589 = arith.index_cast %add3A_588 : i32 to index
              %swap3A_590 = tpu.vector_load %arg9[%swap3A_589] masked %lt3A_521 {strides = array<i32>} : memref<6144xi32, #tpu.memory_space<vmem>>, vector<16xi32>, vector<16xi1>
              tpu.vector_store %arg9[%swap3A_589], %add3A_584 masked %lt3A_521 {strides = array<i32>} : memref<6144xi32, #tpu.memory_space<vmem>>, vector<16xi32>, vector<16xi1>
              %add3A_591 = arith.addi %scan3A_463, %squeeze3A : i32
              %mul3A_592 = arith.constant 128 : i32
              %mul3A_593 = arith.muli %scan3A_461, %mul3A_592 : i32
              %add3A_594 = arith.addi %mul3A_71, %mul3A_593 : i32
              %add3A_595 = arith.constant 16 : i32
              %add3A_596 = arith.addi %add3A_594, %add3A_595 : i32
              %add3A_597 = vector.broadcast %add3A_596 : i32 to vector<16xi32>
              %add3A_598 = arith.addi %add3A_597, %iota3A : vector<16xi32>
              %add3A_599 = arith.addi %mul3A_115, %add3A_591 : i32
              %swap3A_600 = arith.index_cast %add3A_599 : i32 to index
              %swap3A_601 = tpu.vector_load %arg8[%swap3A_600] masked %lt3A_522 {strides = array<i32>} : memref<6144xf32, #tpu.memory_space<vmem>>, vector<16xf32>, vector<16xi1>
              tpu.vector_store %arg8[%swap3A_600], %get3A_478 masked %lt3A_522 {strides = array<i32>} : memref<6144xf32, #tpu.memory_space<vmem>>, vector<16xf32>, vector<16xi1>
              %add3A_602 = arith.addi %mul3A_115, %add3A_591 : i32
              %swap3A_603 = arith.index_cast %add3A_602 : i32 to index
              %swap3A_604 = tpu.vector_load %arg9[%swap3A_603] masked %lt3A_522 {strides = array<i32>} : memref<6144xi32, #tpu.memory_space<vmem>>, vector<16xi32>, vector<16xi1>
              tpu.vector_store %arg9[%swap3A_603], %add3A_598 masked %lt3A_522 {strides = array<i32>} : memref<6144xi32, #tpu.memory_space<vmem>>, vector<16xi32>, vector<16xi1>
              %add3A_605 = arith.addi %add3A_591, %squeeze3A_559 : i32
              %mul3A_606 = arith.constant 128 : i32
              %mul3A_607 = arith.muli %scan3A_461, %mul3A_606 : i32
              %add3A_608 = arith.addi %mul3A_71, %mul3A_607 : i32
              %add3A_609 = arith.constant 32 : i32
              %add3A_610 = arith.addi %add3A_608, %add3A_609 : i32
              %add3A_611 = vector.broadcast %add3A_610 : i32 to vector<16xi32>
              %add3A_612 = arith.addi %add3A_611, %iota3A : vector<16xi32>
              %add3A_613 = arith.addi %mul3A_115, %add3A_605 : i32
              %swap3A_614 = arith.index_cast %add3A_613 : i32 to index
              %swap3A_615 = tpu.vector_load %arg8[%swap3A_614] masked %lt3A_523 {strides = array<i32>} : memref<6144xf32, #tpu.memory_space<vmem>>, vector<16xf32>, vector<16xi1>
              tpu.vector_store %arg8[%swap3A_614], %get3A_485 masked %lt3A_523 {strides = array<i32>} : memref<6144xf32, #tpu.memory_space<vmem>>, vector<16xf32>, vector<16xi1>
              %add3A_616 = arith.addi %mul3A_115, %add3A_605 : i32
              %swap3A_617 = arith.index_cast %add3A_616 : i32 to index
              %swap3A_618 = tpu.vector_load %arg9[%swap3A_617] masked %lt3A_523 {strides = array<i32>} : memref<6144xi32, #tpu.memory_space<vmem>>, vector<16xi32>, vector<16xi1>
              tpu.vector_store %arg9[%swap3A_617], %add3A_612 masked %lt3A_523 {strides = array<i32>} : memref<6144xi32, #tpu.memory_space<vmem>>, vector<16xi32>, vector<16xi1>
              %add3A_619 = arith.addi %add3A_605, %squeeze3A_562 : i32
              %mul3A_620 = arith.constant 128 : i32
              %mul3A_621 = arith.muli %scan3A_461, %mul3A_620 : i32
              %add3A_622 = arith.addi %mul3A_71, %mul3A_621 : i32
              %add3A_623 = arith.constant 48 : i32
              %add3A_624 = arith.addi %add3A_622, %add3A_623 : i32
              %add3A_625 = vector.broadcast %add3A_624 : i32 to vector<16xi32>
              %add3A_626 = arith.addi %add3A_625, %iota3A : vector<16xi32>
              %add3A_627 = arith.addi %mul3A_115, %add3A_619 : i32
              %swap3A_628 = arith.index_cast %add3A_627 : i32 to index
              %swap3A_629 = tpu.vector_load %arg8[%swap3A_628] masked %lt3A_524 {strides = array<i32>} : memref<6144xf32, #tpu.memory_space<vmem>>, vector<16xf32>, vector<16xi1>
              tpu.vector_store %arg8[%swap3A_628], %get3A_492 masked %lt3A_524 {strides = array<i32>} : memref<6144xf32, #tpu.memory_space<vmem>>, vector<16xf32>, vector<16xi1>
              %add3A_630 = arith.addi %mul3A_115, %add3A_619 : i32
              %swap3A_631 = arith.index_cast %add3A_630 : i32 to index
              %swap3A_632 = tpu.vector_load %arg9[%swap3A_631] masked %lt3A_524 {strides = array<i32>} : memref<6144xi32, #tpu.memory_space<vmem>>, vector<16xi32>, vector<16xi1>
              tpu.vector_store %arg9[%swap3A_631], %add3A_626 masked %lt3A_524 {strides = array<i32>} : memref<6144xi32, #tpu.memory_space<vmem>>, vector<16xi32>, vector<16xi1>
              %add3A_633 = arith.addi %add3A_619, %squeeze3A_565 : i32
              %mul3A_634 = arith.constant 128 : i32
              %mul3A_635 = arith.muli %scan3A_461, %mul3A_634 : i32
              %add3A_636 = arith.addi %mul3A_71, %mul3A_635 : i32
              %add3A_637 = arith.constant 64 : i32
              %add3A_638 = arith.addi %add3A_636, %add3A_637 : i32
              %add3A_639 = vector.broadcast %add3A_638 : i32 to vector<16xi32>
              %add3A_640 = arith.addi %add3A_639, %iota3A : vector<16xi32>
              %add3A_641 = arith.addi %mul3A_115, %add3A_633 : i32
              %swap3A_642 = arith.index_cast %add3A_641 : i32 to index
              %swap3A_643 = tpu.vector_load %arg8[%swap3A_642] masked %lt3A_525 {strides = array<i32>} : memref<6144xf32, #tpu.memory_space<vmem>>, vector<16xf32>, vector<16xi1>
              tpu.vector_store %arg8[%swap3A_642], %get3A_499 masked %lt3A_525 {strides = array<i32>} : memref<6144xf32, #tpu.memory_space<vmem>>, vector<16xf32>, vector<16xi1>
              %add3A_644 = arith.addi %mul3A_115, %add3A_633 : i32
              %swap3A_645 = arith.index_cast %add3A_644 : i32 to index
              %swap3A_646 = tpu.vector_load %arg9[%swap3A_645] masked %lt3A_525 {strides = array<i32>} : memref<6144xi32, #tpu.memory_space<vmem>>, vector<16xi32>, vector<16xi1>
              tpu.vector_store %arg9[%swap3A_645], %add3A_640 masked %lt3A_525 {strides = array<i32>} : memref<6144xi32, #tpu.memory_space<vmem>>, vector<16xi32>, vector<16xi1>
              %add3A_647 = arith.addi %add3A_633, %squeeze3A_568 : i32
              %mul3A_648 = arith.constant 128 : i32
              %mul3A_649 = arith.muli %scan3A_461, %mul3A_648 : i32
              %add3A_650 = arith.addi %mul3A_71, %mul3A_649 : i32
              %add3A_651 = arith.constant 80 : i32
              %add3A_652 = arith.addi %add3A_650, %add3A_651 : i32
              %add3A_653 = vector.broadcast %add3A_652 : i32 to vector<16xi32>
              %add3A_654 = arith.addi %add3A_653, %iota3A : vector<16xi32>
              %add3A_655 = arith.addi %mul3A_115, %add3A_647 : i32
              %swap3A_656 = arith.index_cast %add3A_655 : i32 to index
              %swap3A_657 = tpu.vector_load %arg8[%swap3A_656] masked %lt3A_526 {strides = array<i32>} : memref<6144xf32, #tpu.memory_space<vmem>>, vector<16xf32>, vector<16xi1>
              tpu.vector_store %arg8[%swap3A_656], %get3A_506 masked %lt3A_526 {strides = array<i32>} : memref<6144xf32, #tpu.memory_space<vmem>>, vector<16xf32>, vector<16xi1>
              %add3A_658 = arith.addi %mul3A_115, %add3A_647 : i32
              %swap3A_659 = arith.index_cast %add3A_658 : i32 to index
              %swap3A_660 = tpu.vector_load %arg9[%swap3A_659] masked %lt3A_526 {strides = array<i32>} : memref<6144xi32, #tpu.memory_space<vmem>>, vector<16xi32>, vector<16xi1>
              tpu.vector_store %arg9[%swap3A_659], %add3A_654 masked %lt3A_526 {strides = array<i32>} : memref<6144xi32, #tpu.memory_space<vmem>>, vector<16xi32>, vector<16xi1>
              %add3A_661 = arith.addi %add3A_647, %squeeze3A_571 : i32
              %mul3A_662 = arith.constant 128 : i32
              %mul3A_663 = arith.muli %scan3A_461, %mul3A_662 : i32
              %add3A_664 = arith.addi %mul3A_71, %mul3A_663 : i32
              %add3A_665 = arith.constant 96 : i32
              %add3A_666 = arith.addi %add3A_664, %add3A_665 : i32
              %add3A_667 = vector.broadcast %add3A_666 : i32 to vector<16xi32>
              %add3A_668 = arith.addi %add3A_667, %iota3A : vector<16xi32>
              %add3A_669 = arith.addi %mul3A_115, %add3A_661 : i32
              %swap3A_670 = arith.index_cast %add3A_669 : i32 to index
              %swap3A_671 = tpu.vector_load %arg8[%swap3A_670] masked %lt3A_527 {strides = array<i32>} : memref<6144xf32, #tpu.memory_space<vmem>>, vector<16xf32>, vector<16xi1>
              tpu.vector_store %arg8[%swap3A_670], %get3A_513 masked %lt3A_527 {strides = array<i32>} : memref<6144xf32, #tpu.memory_space<vmem>>, vector<16xf32>, vector<16xi1>
              %add3A_672 = arith.addi %mul3A_115, %add3A_661 : i32
              %swap3A_673 = arith.index_cast %add3A_672 : i32 to index
              %swap3A_674 = tpu.vector_load %arg9[%swap3A_673] masked %lt3A_527 {strides = array<i32>} : memref<6144xi32, #tpu.memory_space<vmem>>, vector<16xi32>, vector<16xi1>
              tpu.vector_store %arg9[%swap3A_673], %add3A_668 masked %lt3A_527 {strides = array<i32>} : memref<6144xi32, #tpu.memory_space<vmem>>, vector<16xi32>, vector<16xi1>
              %add3A_675 = arith.addi %add3A_661, %squeeze3A_574 : i32
              %mul3A_676 = arith.constant 128 : i32
              %mul3A_677 = arith.muli %scan3A_461, %mul3A_676 : i32
              %add3A_678 = arith.addi %mul3A_71, %mul3A_677 : i32
              %add3A_679 = arith.constant 112 : i32
              %add3A_680 = arith.addi %add3A_678, %add3A_679 : i32
              %add3A_681 = vector.broadcast %add3A_680 : i32 to vector<16xi32>
              %add3A_682 = arith.addi %add3A_681, %iota3A : vector<16xi32>
              %add3A_683 = arith.addi %mul3A_115, %add3A_675 : i32
              %swap3A_684 = arith.index_cast %add3A_683 : i32 to index
              %swap3A_685 = tpu.vector_load %arg8[%swap3A_684] masked %lt3A_528 {strides = array<i32>} : memref<6144xf32, #tpu.memory_space<vmem>>, vector<16xf32>, vector<16xi1>
              tpu.vector_store %arg8[%swap3A_684], %get3A_520 masked %lt3A_528 {strides = array<i32>} : memref<6144xf32, #tpu.memory_space<vmem>>, vector<16xf32>, vector<16xi1>
              %add3A_686 = arith.addi %mul3A_115, %add3A_675 : i32
              %swap3A_687 = arith.index_cast %add3A_686 : i32 to index
              %swap3A_688 = tpu.vector_load %arg9[%swap3A_687] masked %lt3A_528 {strides = array<i32>} : memref<6144xi32, #tpu.memory_space<vmem>>, vector<16xi32>, vector<16xi1>
              tpu.vector_store %arg9[%swap3A_687], %add3A_682 masked %lt3A_528 {strides = array<i32>} : memref<6144xi32, #tpu.memory_space<vmem>>, vector<16xi32>, vector<16xi1>
              %add3A_689 = arith.addi %add3A_675, %squeeze3A_577 : i32
              scf.yield %add3A_689 : i32
            } else {
              scf.yield %scan3A_463 : i32
            }
            %ge3A = arith.constant 48 : i32
            %ge3A_551 = arith.cmpi sge, %cond3A_550, %ge3A : i32
            %convert_element_type3A_552 = arith.extui %ge3A_551 : i1 to i32
            %cond3A_553 = arith.constant 0 : i32
            %cond3A_554 = arith.constant 0 : i32
            %cond3A_555 = arith.cmpi ne, %convert_element_type3A_552, %cond3A_554 : i32
            %cond3A_556:2 = scf.if %cond3A_555 -> (f32, i32) {
              %iota3A_557 = tpu.iota {dimensions = array<i32: 0>} : vector<16xi32>
              %broadcast_in_dim3A_558 = arith.constant 3.400000e+38 : f32
              %broadcast_in_dim3A_559 = vector.broadcast %broadcast_in_dim3A_558 : f32 to vector<16xf32>
              %broadcast_in_dim3A_560 = arith.constant 2147483647 : i32
              %broadcast_in_dim3A_561 = vector.broadcast %broadcast_in_dim3A_560 : i32 to vector<16xi32>
              %scan3A_562 = arith.constant -3.400000e+38 : f32
              %scan3A_563 = arith.constant -2147483648 : i32
              %scan3A_564 = arith.constant 0 : i32
              %scan3A_565 = arith.constant 8 : i32
              %scan3A_566 = arith.addi %scan3A_564, %scan3A_565 : i32
              %scan3A_567 = arith.constant 1 : i32
              %scan3A_568:4 = scf.for %scan3A_586 = %scan3A_564 to %scan3A_566 step %scan3A_567 iter_args(%scan3A_587 = %broadcast_in_dim3A_559, %scan3A_588 = %broadcast_in_dim3A_561, %scan3A_589 = %scan3A_562, %scan3A_590 = %scan3A_563) -> (vector<16xf32>, vector<16xi32>, f32, i32)  : i32 {
                %broadcast_in_dim3A_591 = arith.constant 3.400000e+38 : f32
                %broadcast_in_dim3A_592 = vector.broadcast %broadcast_in_dim3A_591 : f32 to vector<16xf32>
                %broadcast_in_dim3A_593 = arith.constant 2147483647 : i32
                %broadcast_in_dim3A_594 = vector.broadcast %broadcast_in_dim3A_593 : i32 to vector<16xi32>
                %scan3A_595 = arith.constant 0 : i32
                %scan3A_596 = arith.constant 12 : i32
                %scan3A_597 = arith.addi %scan3A_595, %scan3A_596 : i32
                %scan3A_598 = arith.constant 1 : i32
                %scan3A_599:2 = scf.for %scan3A_622 = %scan3A_595 to %scan3A_597 step %scan3A_598 iter_args(%scan3A_623 = %broadcast_in_dim3A_592, %scan3A_624 = %broadcast_in_dim3A_594) -> (vector<16xf32>, vector<16xi32>)  : i32 {
                  %mul3A_625 = arith.constant 16 : i32
                  %mul3A_626 = arith.muli %scan3A_622, %mul3A_625 : i32
                  %add3A_627 = arith.addi %mul3A_115, %mul3A_626 : i32
                  %get3A_628 = arith.index_cast %add3A_627 : i32 to index
                  %get3A_629 = tpu.vector_load %arg8[%get3A_628] {strides = array<i32>} : memref<6144xf32, #tpu.memory_space<vmem>>, vector<16xf32>,
                  %mul3A_630 = arith.constant 16 : i32
                  %mul3A_631 = arith.muli %scan3A_622, %mul3A_630 : i32
                  %add3A_632 = arith.addi %mul3A_115, %mul3A_631 : i32
                  %get3A_633 = arith.index_cast %add3A_632 : i32 to index
                  %get3A_634 = tpu.vector_load %arg9[%get3A_633] {strides = array<i32>} : memref<6144xi32, #tpu.memory_space<vmem>>, vector<16xi32>,
                  %gt3A = vector.broadcast %scan3A_589 : f32 to vector<16xf32>
                  %gt3A_635 = arith.cmpf ogt, %get3A_629, %gt3A : vector<16xf32>
                  %eq3A_636 = vector.broadcast %scan3A_589 : f32 to vector<16xf32>
                  %eq3A_637 = arith.cmpf oeq, %get3A_629, %eq3A_636 : vector<16xf32>
                  %gt3A_638 = vector.broadcast %scan3A_590 : i32 to vector<16xi32>
                  %gt3A_639 = arith.cmpi sgt, %get3A_634, %gt3A_638 : vector<16xi32>
                  %and3A = arith.andi %eq3A_637, %gt3A_639 : vector<16xi1>
                  %or3A_640 = arith.ori %gt3A_635, %and3A : vector<16xi1>
                  %jit3A_641 = arith.constant 3.400000e+38 : f32
                  %broadcast_in_dim3A_642 = vector.broadcast %jit3A_641 : f32 to vector<16xf32>
                  %select_n3A_643 = arith.select %or3A_640, %get3A_629, %broadcast_in_dim3A_642 : vector<16xi1>, vector<16xf32>
                  %jit3A_644 = arith.constant 2147483647 : i32
                  %broadcast_in_dim3A_645 = vector.broadcast %jit3A_644 : i32 to vector<16xi32>
                  %select_n3A_646 = arith.select %or3A_640, %get3A_634, %broadcast_in_dim3A_645 : vector<16xi1>, vector<16xi32>
                  %lt3A_647 = arith.cmpf olt, %select_n3A_643, %scan3A_623 : vector<16xf32>
                  %eq3A_648 = arith.cmpf oeq, %select_n3A_643, %scan3A_623 : vector<16xf32>
                  %lt3A_649 = arith.cmpi slt, %select_n3A_646, %scan3A_624 : vector<16xi32>
                  %and3A_650 = arith.andi %eq3A_648, %lt3A_649 : vector<16xi1>
                  %or3A_651 = arith.ori %lt3A_647, %and3A_650 : vector<16xi1>
                  %select_n3A_652 = arith.select %or3A_651, %select_n3A_643, %scan3A_623 : vector<16xi1>, vector<16xf32>
                  %select_n3A_653 = arith.select %or3A_651, %select_n3A_646, %scan3A_624 : vector<16xi1>, vector<16xi32>
                  scf.yield %select_n3A_652, %select_n3A_653 : vector<16xf32>, vector<16xi32>
                }
                %scan3A_600 = arith.constant 12 : i32
                %reduce_min3A = arith.constant true
                %reduce_min3A_601 = vector.broadcast %reduce_min3A : i1 to vector<16xi1>
                %reduce_min3A_602 = tpu.scan <min>, %scan3A_599#0 masked %reduce_min3A_601 : vector<16xf32>, vector<16xi1> -> vector<16xf32>
                %reduce_min3A_603 = vector.extract %reduce_min3A_602[15] : f32 from vector<16xf32>
                %eq3A = vector.broadcast %reduce_min3A_603 : f32 to vector<16xf32>
                %eq3A_604 = arith.cmpf oeq, %scan3A_599#0, %eq3A : vector<16xf32>
                %jit3A = arith.constant 2147483647 : i32
                %broadcast_in_dim3A_605 = vector.broadcast %jit3A : i32 to vector<16xi32>
                %select_n3A = arith.select %eq3A_604, %scan3A_599#1, %broadcast_in_dim3A_605 : vector<16xi1>, vector<16xi32>
                %reduce_min3A_606 = arith.constant true
                %reduce_min3A_607 = vector.broadcast %reduce_min3A_606 : i1 to vector<16xi1>
                %reduce_min3A_608 = arith.constant -2147483648 : i32
                %reduce_min3A_609 = vector.broadcast %reduce_min3A_608 : i32 to vector<16xi32>
                %reduce_min3A_610 = arith.xori %select_n3A, %reduce_min3A_609 : vector<16xi32>
                %reduce_min3A_611 = tpu.scan <min>, %reduce_min3A_610 masked %reduce_min3A_607 : vector<16xi32>, vector<16xi1> -> vector<16xi32>
                %reduce_min3A_612 = arith.xori %reduce_min3A_611, %reduce_min3A_609 : vector<16xi32>
                %reduce_min3A_613 = vector.extract %reduce_min3A_612[15] : i32 from vector<16xi32>
                %eq3A_614 = vector.broadcast %scan3A_586 : i32 to vector<16xi32>
                %eq3A_615 = arith.cmpi eq, %iota3A_557, %eq3A_614 : vector<16xi32>
                %broadcast_in_dim3A_616 = vector.broadcast %reduce_min3A_603 : f32 to vector<16xf32>
                %select_n3A_617 = arith.select %eq3A_615, %broadcast_in_dim3A_616, %scan3A_587 : vector<16xi1>, vector<16xf32>
                %eq3A_618 = vector.broadcast %scan3A_586 : i32 to vector<16xi32>
                %eq3A_619 = arith.cmpi eq, %iota3A_557, %eq3A_618 : vector<16xi32>
                %broadcast_in_dim3A_620 = vector.broadcast %reduce_min3A_613 : i32 to vector<16xi32>
                %select_n3A_621 = arith.select %eq3A_619, %broadcast_in_dim3A_620, %scan3A_588 : vector<16xi1>, vector<16xi32>
                scf.yield %select_n3A_617, %select_n3A_621, %reduce_min3A_603, %reduce_min3A_613 : vector<16xf32>, vector<16xi32>, f32, i32
              }
              %scan3A_569 = arith.constant 8 : i32
              %swap3A_570 = arith.index_cast %mul3A_115 : i32 to index
              %swap3A_571 = tpu.vector_load %arg8[%swap3A_570] {strides = array<i32>} : memref<6144xf32, #tpu.memory_space<vmem>>, vector<16xf32>,
              tpu.vector_store %arg8[%swap3A_570], %scan3A_568#0 {strides = array<i32>} : memref<6144xf32, #tpu.memory_space<vmem>>, vector<16xf32>,
              %swap3A_572 = arith.index_cast %mul3A_115 : i32 to index
              %swap3A_573 = tpu.vector_load %arg9[%swap3A_572] {strides = array<i32>} : memref<6144xi32, #tpu.memory_space<vmem>>, vector<16xi32>,
              tpu.vector_store %arg9[%swap3A_572], %scan3A_568#1 {strides = array<i32>} : memref<6144xi32, #tpu.memory_space<vmem>>, vector<16xi32>,
              %broadcast_in_dim3A_574 = arith.constant 3.400000e+38 : f32
              %broadcast_in_dim3A_575 = vector.broadcast %broadcast_in_dim3A_574 : f32 to vector<16xf32>
              %broadcast_in_dim3A_576 = arith.constant 2147483647 : i32
              %broadcast_in_dim3A_577 = vector.broadcast %broadcast_in_dim3A_576 : i32 to vector<16xi32>
              %scan3A_578 = arith.constant 0 : i32
              %scan3A_579 = arith.constant 1 : i32
              %scan3A_580 = arith.constant 11 : i32
              %scan3A_581 = arith.addi %scan3A_579, %scan3A_580 : i32
              %scan3A_582 = arith.constant 1 : i32
              %scan3A_583 = scf.for %scan3A_586 = %scan3A_579 to %scan3A_581 step %scan3A_582 iter_args(%scan3A_587 = %scan3A_578) -> (i32)  : i32 {
                %mul3A_588 = arith.constant 16 : i32
                %mul3A_589 = arith.muli %scan3A_586, %mul3A_588 : i32
                %add3A_590 = arith.addi %mul3A_115, %mul3A_589 : i32
                %swap3A_591 = arith.index_cast %add3A_590 : i32 to index
                %swap3A_592 = tpu.vector_load %arg8[%swap3A_591] {strides = array<i32>} : memref<6144xf32, #tpu.memory_space<vmem>>, vector<16xf32>,
                tpu.vector_store %arg8[%swap3A_591], %broadcast_in_dim3A_575 {strides = array<i32>} : memref<6144xf32, #tpu.memory_space<vmem>>, vector<16xf32>,
                %mul3A_593 = arith.constant 16 : i32
                %mul3A_594 = arith.muli %scan3A_586, %mul3A_593 : i32
                %add3A_595 = arith.addi %mul3A_115, %mul3A_594 : i32
                %swap3A_596 = arith.index_cast %add3A_595 : i32 to index
                %swap3A_597 = tpu.vector_load %arg9[%swap3A_596] {strides = array<i32>} : memref<6144xi32, #tpu.memory_space<vmem>>, vector<16xi32>,
                tpu.vector_store %arg9[%swap3A_596], %broadcast_in_dim3A_577 {strides = array<i32>} : memref<6144xi32, #tpu.memory_space<vmem>>, vector<16xi32>,
                %scan3A_598 = arith.constant 0 : i32
                scf.yield %scan3A_598 : i32
              }
              %scan3A_584 = arith.constant 11 : i32
              %slice3A = vector.extract_strided_slice %scan3A_568#0 {offsets = [7], sizes = [1], strides = [1]} : vector<16xf32> to vector<1xf32>
              %squeeze3A = vector.extract %slice3A[0] : f32 from vector<1xf32>
              %cond3A_585 = arith.constant 16 : i32
              scf.yield %squeeze3A, %cond3A_585 : f32, i32
            } else {
              scf.yield %scan3A_462, %cond3A_550 : f32, i32
            }
            scf.yield %cond3A_556#0, %cond3A_556#1 : f32, i32
          }
          %scan3A_457 = arith.constant 8 : i32
          %swap3A = arith.index_cast %scan3A_112 : i32 to index
          %swap3A_458 = memref.load %arg14[%swap3A] : memref<32xf32, #tpu.memory_space<smem>>
          memref.store %scan3A_456#0, %arg14[%swap3A] : memref<32xf32, #tpu.memory_space<smem>>
          %swap3A_459 = arith.index_cast %scan3A_112 : i32 to index
          %swap3A_460 = memref.load %arg15[%swap3A_459] : memref<32xi32, #tpu.memory_space<smem>>
          memref.store %scan3A_456#1, %arg15[%swap3A_459] : memref<32xi32, #tpu.memory_space<smem>>
        } else {
        }
        %scan3A_449 = arith.constant 0 : i32
        scf.yield %scan3A_449 : i32
      }
      %scan3A_78 = arith.constant 32 : i32
      %add3A_79 = arith.constant 2 : i32
      %add3A_80 = arith.addi %mul3A_62, %add3A_79 : i32
      %lt3A = arith.constant 98 : i32
      %lt3A_81 = arith.cmpi slt, %add3A_80, %lt3A : i32
      %convert_element_type3A = arith.extui %lt3A_81 : i1 to i32
      %cond3A = arith.constant 0 : i32
      %cond3A_82 = arith.cmpi ne, %convert_element_type3A, %cond3A : i32
      scf.if %cond3A_82 {
        %add3A_112 = arith.constant 2 : i32
        %add3A_113 = arith.addi %mul3A_62, %add3A_112 : i32
        %dma_start3A_114 = arith.constant 0 : i32
        %dma_start3A_115 = arith.constant 0 : i32
        %dma_start3A_116 = tpu.memref_slice %arg2[%add3A_113, %add3A, %dma_start3A_114, %dma_start3A_115] : memref<98x32x32x1024xf32, #tpu.memory_space<hbm>> -> memref<1x1x32x1024xf32, #tpu.memory_space<hbm>>
        %dma_start3A_117 = tpu.memref_squeeze %dma_start3A_116 : memref<1x1x32x1024xf32, #tpu.memory_space<hbm>> -> memref<32x1024xf32, #tpu.memory_space<hbm>>
        %dma_start3A_118 = arith.constant 0 : i32
        %dma_start3A_119 = arith.constant 0 : i32
        %dma_start3A_120 = tpu.memref_slice %arg2[%add3A_113, %add3A, %dma_start3A_118, %dma_start3A_119] : memref<98x32x32x1024xf32, #tpu.memory_space<hbm>> -> memref<1x1x32x1024xf32, #tpu.memory_space<hbm>>
        %dma_start3A_121 = tpu.memref_squeeze %dma_start3A_120 : memref<1x1x32x1024xf32, #tpu.memory_space<hbm>> -> memref<32x1024xf32, #tpu.memory_space<hbm>>
        tpu.enqueue_dma source(%dma_start3A_121 : memref<32x1024xf32, #tpu.memory_space<hbm>>) target(%arg6 : memref<32x1024xf32, #tpu.memory_space<vmem>>) target_semaphore(%arg16 : memref<!tpu.dma_semaphore, #tpu.memory_space<semaphore_mem>>)
      } else {
      }
      %add3A_83 = arith.constant 1 : i32
      %add3A_84 = arith.addi %mul3A_62, %add3A_83 : i32
      %dma_wait3A_85 = arith.constant 0 : i32
      %dma_wait3A_86 = arith.constant 0 : i32
      %dma_wait3A_87 = tpu.memref_slice %arg2[%add3A_84, %add3A, %dma_wait3A_85, %dma_wait3A_86] : memref<98x32x32x1024xf32, #tpu.memory_space<hbm>> -> memref<1x1x32x1024xf32, #tpu.memory_space<hbm>>
      %dma_wait3A_88 = tpu.memref_squeeze %dma_wait3A_87 : memref<1x1x32x1024xf32, #tpu.memory_space<hbm>> -> memref<32x1024xf32, #tpu.memory_space<hbm>>
      %dma_wait3A_89 = arith.constant 0 : i32
      %dma_wait3A_90 = arith.constant 0 : i32
      %dma_wait3A_91 = tpu.memref_slice %arg2[%add3A_84, %add3A, %dma_wait3A_89, %dma_wait3A_90] : memref<98x32x32x1024xf32, #tpu.memory_space<hbm>> -> memref<1x1x32x1024xf32, #tpu.memory_space<hbm>>
      %dma_wait3A_92 = tpu.memref_squeeze %dma_wait3A_91 : memref<1x1x32x1024xf32, #tpu.memory_space<hbm>> -> memref<32x1024xf32, #tpu.memory_space<hbm>>
      tpu.wait_dma2 semaphore(%arg17 : memref<!tpu.dma_semaphore, #tpu.memory_space<semaphore_mem>>) src(%dma_wait3A_92 : memref<32x1024xf32, #tpu.memory_space<hbm>>) dst(%arg7 : memref<32x1024xf32, #tpu.memory_space<vmem>>)
      %add3A_93 = arith.constant 1 : i32
      %add3A_94 = arith.addi %mul3A_62, %add3A_93 : i32
      %mul3A_95 = arith.constant 1024 : i32
      %mul3A_96 = arith.muli %add3A_94, %mul3A_95 : i32
      %scan3A_97 = arith.constant 0 : i32
      %scan3A_98 = arith.constant 0 : i32
      %scan3A_99 = arith.constant 32 : i32
      %scan3A_100 = arith.addi %scan3A_98, %scan3A_99 : i32
      %scan3A_101 = arith.constant 1 : i32
      %scan3A_102 = scf.for %scan3A_112 = %scan3A_98 to %scan3A_100 step %scan3A_101 iter_args(%scan3A_113 = %scan3A_97) -> (i32)  : i32 {
        %mul3A_114 = arith.constant 192 : i32
        %mul3A_115 = arith.muli %scan3A_112, %mul3A_114 : i32
        %get3A = arith.index_cast %scan3A_112 : i32 to index
        %get3A_116 = memref.load %arg14[%get3A] : memref<32xf32, #tpu.memory_space<smem>>
        %broadcast_in_dim3A_117 = vector.broadcast %get3A_116 : f32 to vector<16xf32>
        %get3A_118 = arith.index_cast %scan3A_112 : i32 to index
        %get3A_119 = arith.constant 0 : index
        %get3A_120 = tpu.vector_load %arg7[%get3A_118, %get3A_119] {strides = array<i32>} : memref<32x1024xf32, #tpu.memory_space<vmem>>, vector<16xf32>,
        %lt3A_121 = arith.cmpf olt, %get3A_120, %broadcast_in_dim3A_117 : vector<16xf32>
        %get3A_122 = arith.index_cast %scan3A_112 : i32 to index
        %get3A_123 = arith.constant 16 : index
        %get3A_124 = tpu.vector_load %arg7[%get3A_122, %get3A_123] {strides = array<i32>} : memref<32x1024xf32, #tpu.memory_space<vmem>>, vector<16xf32>,
        %lt3A_125 = arith.cmpf olt, %get3A_124, %broadcast_in_dim3A_117 : vector<16xf32>
        %get3A_126 = arith.index_cast %scan3A_112 : i32 to index
        %get3A_127 = arith.constant 32 : index
        %get3A_128 = tpu.vector_load %arg7[%get3A_126, %get3A_127] {strides = array<i32>} : memref<32x1024xf32, #tpu.memory_space<vmem>>, vector<16xf32>,
        %lt3A_129 = arith.cmpf olt, %get3A_128, %broadcast_in_dim3A_117 : vector<16xf32>
        %get3A_130 = arith.index_cast %scan3A_112 : i32 to index
        %get3A_131 = arith.constant 48 : index
        %get3A_132 = tpu.vector_load %arg7[%get3A_130, %get3A_131] {strides = array<i32>} : memref<32x1024xf32, #tpu.memory_space<vmem>>, vector<16xf32>,
        %lt3A_133 = arith.cmpf olt, %get3A_132, %broadcast_in_dim3A_117 : vector<16xf32>
        %get3A_134 = arith.index_cast %scan3A_112 : i32 to index
        %get3A_135 = arith.constant 64 : index
        %get3A_136 = tpu.vector_load %arg7[%get3A_134, %get3A_135] {strides = array<i32>} : memref<32x1024xf32, #tpu.memory_space<vmem>>, vector<16xf32>,
        %lt3A_137 = arith.cmpf olt, %get3A_136, %broadcast_in_dim3A_117 : vector<16xf32>
        %get3A_138 = arith.index_cast %scan3A_112 : i32 to index
        %get3A_139 = arith.constant 80 : index
        %get3A_140 = tpu.vector_load %arg7[%get3A_138, %get3A_139] {strides = array<i32>} : memref<32x1024xf32, #tpu.memory_space<vmem>>, vector<16xf32>,
        %lt3A_141 = arith.cmpf olt, %get3A_140, %broadcast_in_dim3A_117 : vector<16xf32>
        %get3A_142 = arith.index_cast %scan3A_112 : i32 to index
        %get3A_143 = arith.constant 96 : index
        %get3A_144 = tpu.vector_load %arg7[%get3A_142, %get3A_143] {strides = array<i32>} : memref<32x1024xf32, #tpu.memory_space<vmem>>, vector<16xf32>,
        %lt3A_145 = arith.cmpf olt, %get3A_144, %broadcast_in_dim3A_117 : vector<16xf32>
        %get3A_146 = arith.index_cast %scan3A_112 : i32 to index
        %get3A_147 = arith.constant 112 : index
        %get3A_148 = tpu.vector_load %arg7[%get3A_146, %get3A_147] {strides = array<i32>} : memref<32x1024xf32, #tpu.memory_space<vmem>>, vector<16xf32>,
        %lt3A_149 = arith.cmpf olt, %get3A_148, %broadcast_in_dim3A_117 : vector<16xf32>
        %get3A_150 = arith.index_cast %scan3A_112 : i32 to index
        %get3A_151 = arith.constant 128 : index
        %get3A_152 = tpu.vector_load %arg7[%get3A_150, %get3A_151] {strides = array<i32>} : memref<32x1024xf32, #tpu.memory_space<vmem>>, vector<16xf32>,
        %lt3A_153 = arith.cmpf olt, %get3A_152, %broadcast_in_dim3A_117 : vector<16xf32>
        %or3A = arith.ori %lt3A_121, %lt3A_153 : vector<16xi1>
        %get3A_154 = arith.index_cast %scan3A_112 : i32 to index
        %get3A_155 = arith.constant 144 : index
        %get3A_156 = tpu.vector_load %arg7[%get3A_154, %get3A_155] {strides = array<i32>} : memref<32x1024xf32, #tpu.memory_space<vmem>>, vector<16xf32>,
        %lt3A_157 = arith.cmpf olt, %get3A_156, %broadcast_in_dim3A_117 : vector<16xf32>
        %or3A_158 = arith.ori %lt3A_125, %lt3A_157 : vector<16xi1>
        %get3A_159 = arith.index_cast %scan3A_112 : i32 to index
        %get3A_160 = arith.constant 160 : index
        %get3A_161 = tpu.vector_load %arg7[%get3A_159, %get3A_160] {strides = array<i32>} : memref<32x1024xf32, #tpu.memory_space<vmem>>, vector<16xf32>,
        %lt3A_162 = arith.cmpf olt, %get3A_161, %broadcast_in_dim3A_117 : vector<16xf32>
        %or3A_163 = arith.ori %lt3A_129, %lt3A_162 : vector<16xi1>
        %get3A_164 = arith.index_cast %scan3A_112 : i32 to index
        %get3A_165 = arith.constant 176 : index
        %get3A_166 = tpu.vector_load %arg7[%get3A_164, %get3A_165] {strides = array<i32>} : memref<32x1024xf32, #tpu.memory_space<vmem>>, vector<16xf32>,
        %lt3A_167 = arith.cmpf olt, %get3A_166, %broadcast_in_dim3A_117 : vector<16xf32>
        %or3A_168 = arith.ori %lt3A_133, %lt3A_167 : vector<16xi1>
        %get3A_169 = arith.index_cast %scan3A_112 : i32 to index
        %get3A_170 = arith.constant 192 : index
        %get3A_171 = tpu.vector_load %arg7[%get3A_169, %get3A_170] {strides = array<i32>} : memref<32x1024xf32, #tpu.memory_space<vmem>>, vector<16xf32>,
        %lt3A_172 = arith.cmpf olt, %get3A_171, %broadcast_in_dim3A_117 : vector<16xf32>
        %or3A_173 = arith.ori %lt3A_137, %lt3A_172 : vector<16xi1>
        %get3A_174 = arith.index_cast %scan3A_112 : i32 to index
        %get3A_175 = arith.constant 208 : index
        %get3A_176 = tpu.vector_load %arg7[%get3A_174, %get3A_175] {strides = array<i32>} : memref<32x1024xf32, #tpu.memory_space<vmem>>, vector<16xf32>,
        %lt3A_177 = arith.cmpf olt, %get3A_176, %broadcast_in_dim3A_117 : vector<16xf32>
        %or3A_178 = arith.ori %lt3A_141, %lt3A_177 : vector<16xi1>
        %get3A_179 = arith.index_cast %scan3A_112 : i32 to index
        %get3A_180 = arith.constant 224 : index
        %get3A_181 = tpu.vector_load %arg7[%get3A_179, %get3A_180] {strides = array<i32>} : memref<32x1024xf32, #tpu.memory_space<vmem>>, vector<16xf32>,
        %lt3A_182 = arith.cmpf olt, %get3A_181, %broadcast_in_dim3A_117 : vector<16xf32>
        %or3A_183 = arith.ori %lt3A_145, %lt3A_182 : vector<16xi1>
        %get3A_184 = arith.index_cast %scan3A_112 : i32 to index
        %get3A_185 = arith.constant 240 : index
        %get3A_186 = tpu.vector_load %arg7[%get3A_184, %get3A_185] {strides = array<i32>} : memref<32x1024xf32, #tpu.memory_space<vmem>>, vector<16xf32>,
        %lt3A_187 = arith.cmpf olt, %get3A_186, %broadcast_in_dim3A_117 : vector<16xf32>
        %or3A_188 = arith.ori %lt3A_149, %lt3A_187 : vector<16xi1>
        %get3A_189 = arith.index_cast %scan3A_112 : i32 to index
        %get3A_190 = arith.constant 256 : index
        %get3A_191 = tpu.vector_load %arg7[%get3A_189, %get3A_190] {strides = array<i32>} : memref<32x1024xf32, #tpu.memory_space<vmem>>, vector<16xf32>,
        %lt3A_192 = arith.cmpf olt, %get3A_191, %broadcast_in_dim3A_117 : vector<16xf32>
        %or3A_193 = arith.ori %or3A, %lt3A_192 : vector<16xi1>
        %get3A_194 = arith.index_cast %scan3A_112 : i32 to index
        %get3A_195 = arith.constant 272 : index
        %get3A_196 = tpu.vector_load %arg7[%get3A_194, %get3A_195] {strides = array<i32>} : memref<32x1024xf32, #tpu.memory_space<vmem>>, vector<16xf32>,
        %lt3A_197 = arith.cmpf olt, %get3A_196, %broadcast_in_dim3A_117 : vector<16xf32>
        %or3A_198 = arith.ori %or3A_158, %lt3A_197 : vector<16xi1>
        %get3A_199 = arith.index_cast %scan3A_112 : i32 to index
        %get3A_200 = arith.constant 288 : index
        %get3A_201 = tpu.vector_load %arg7[%get3A_199, %get3A_200] {strides = array<i32>} : memref<32x1024xf32, #tpu.memory_space<vmem>>, vector<16xf32>,
        %lt3A_202 = arith.cmpf olt, %get3A_201, %broadcast_in_dim3A_117 : vector<16xf32>
        %or3A_203 = arith.ori %or3A_163, %lt3A_202 : vector<16xi1>
        %get3A_204 = arith.index_cast %scan3A_112 : i32 to index
        %get3A_205 = arith.constant 304 : index
        %get3A_206 = tpu.vector_load %arg7[%get3A_204, %get3A_205] {strides = array<i32>} : memref<32x1024xf32, #tpu.memory_space<vmem>>, vector<16xf32>,
        %lt3A_207 = arith.cmpf olt, %get3A_206, %broadcast_in_dim3A_117 : vector<16xf32>
        %or3A_208 = arith.ori %or3A_168, %lt3A_207 : vector<16xi1>
        %get3A_209 = arith.index_cast %scan3A_112 : i32 to index
        %get3A_210 = arith.constant 320 : index
        %get3A_211 = tpu.vector_load %arg7[%get3A_209, %get3A_210] {strides = array<i32>} : memref<32x1024xf32, #tpu.memory_space<vmem>>, vector<16xf32>,
        %lt3A_212 = arith.cmpf olt, %get3A_211, %broadcast_in_dim3A_117 : vector<16xf32>
        %or3A_213 = arith.ori %or3A_173, %lt3A_212 : vector<16xi1>
        %get3A_214 = arith.index_cast %scan3A_112 : i32 to index
        %get3A_215 = arith.constant 336 : index
        %get3A_216 = tpu.vector_load %arg7[%get3A_214, %get3A_215] {strides = array<i32>} : memref<32x1024xf32, #tpu.memory_space<vmem>>, vector<16xf32>,
        %lt3A_217 = arith.cmpf olt, %get3A_216, %broadcast_in_dim3A_117 : vector<16xf32>
        %or3A_218 = arith.ori %or3A_178, %lt3A_217 : vector<16xi1>
        %get3A_219 = arith.index_cast %scan3A_112 : i32 to index
        %get3A_220 = arith.constant 352 : index
        %get3A_221 = tpu.vector_load %arg7[%get3A_219, %get3A_220] {strides = array<i32>} : memref<32x1024xf32, #tpu.memory_space<vmem>>, vector<16xf32>,
        %lt3A_222 = arith.cmpf olt, %get3A_221, %broadcast_in_dim3A_117 : vector<16xf32>
        %or3A_223 = arith.ori %or3A_183, %lt3A_222 : vector<16xi1>
        %get3A_224 = arith.index_cast %scan3A_112 : i32 to index
        %get3A_225 = arith.constant 368 : index
        %get3A_226 = tpu.vector_load %arg7[%get3A_224, %get3A_225] {strides = array<i32>} : memref<32x1024xf32, #tpu.memory_space<vmem>>, vector<16xf32>,
        %lt3A_227 = arith.cmpf olt, %get3A_226, %broadcast_in_dim3A_117 : vector<16xf32>
        %or3A_228 = arith.ori %or3A_188, %lt3A_227 : vector<16xi1>
        %get3A_229 = arith.index_cast %scan3A_112 : i32 to index
        %get3A_230 = arith.constant 384 : index
        %get3A_231 = tpu.vector_load %arg7[%get3A_229, %get3A_230] {strides = array<i32>} : memref<32x1024xf32, #tpu.memory_space<vmem>>, vector<16xf32>,
        %lt3A_232 = arith.cmpf olt, %get3A_231, %broadcast_in_dim3A_117 : vector<16xf32>
        %or3A_233 = arith.ori %or3A_193, %lt3A_232 : vector<16xi1>
        %get3A_234 = arith.index_cast %scan3A_112 : i32 to index
        %get3A_235 = arith.constant 400 : index
        %get3A_236 = tpu.vector_load %arg7[%get3A_234, %get3A_235] {strides = array<i32>} : memref<32x1024xf32, #tpu.memory_space<vmem>>, vector<16xf32>,
        %lt3A_237 = arith.cmpf olt, %get3A_236, %broadcast_in_dim3A_117 : vector<16xf32>
        %or3A_238 = arith.ori %or3A_198, %lt3A_237 : vector<16xi1>
        %get3A_239 = arith.index_cast %scan3A_112 : i32 to index
        %get3A_240 = arith.constant 416 : index
        %get3A_241 = tpu.vector_load %arg7[%get3A_239, %get3A_240] {strides = array<i32>} : memref<32x1024xf32, #tpu.memory_space<vmem>>, vector<16xf32>,
        %lt3A_242 = arith.cmpf olt, %get3A_241, %broadcast_in_dim3A_117 : vector<16xf32>
        %or3A_243 = arith.ori %or3A_203, %lt3A_242 : vector<16xi1>
        %get3A_244 = arith.index_cast %scan3A_112 : i32 to index
        %get3A_245 = arith.constant 432 : index
        %get3A_246 = tpu.vector_load %arg7[%get3A_244, %get3A_245] {strides = array<i32>} : memref<32x1024xf32, #tpu.memory_space<vmem>>, vector<16xf32>,
        %lt3A_247 = arith.cmpf olt, %get3A_246, %broadcast_in_dim3A_117 : vector<16xf32>
        %or3A_248 = arith.ori %or3A_208, %lt3A_247 : vector<16xi1>
        %get3A_249 = arith.index_cast %scan3A_112 : i32 to index
        %get3A_250 = arith.constant 448 : index
        %get3A_251 = tpu.vector_load %arg7[%get3A_249, %get3A_250] {strides = array<i32>} : memref<32x1024xf32, #tpu.memory_space<vmem>>, vector<16xf32>,
        %lt3A_252 = arith.cmpf olt, %get3A_251, %broadcast_in_dim3A_117 : vector<16xf32>
        %or3A_253 = arith.ori %or3A_213, %lt3A_252 : vector<16xi1>
        %get3A_254 = arith.index_cast %scan3A_112 : i32 to index
        %get3A_255 = arith.constant 464 : index
        %get3A_256 = tpu.vector_load %arg7[%get3A_254, %get3A_255] {strides = array<i32>} : memref<32x1024xf32, #tpu.memory_space<vmem>>, vector<16xf32>,
        %lt3A_257 = arith.cmpf olt, %get3A_256, %broadcast_in_dim3A_117 : vector<16xf32>
        %or3A_258 = arith.ori %or3A_218, %lt3A_257 : vector<16xi1>
        %get3A_259 = arith.index_cast %scan3A_112 : i32 to index
        %get3A_260 = arith.constant 480 : index
        %get3A_261 = tpu.vector_load %arg7[%get3A_259, %get3A_260] {strides = array<i32>} : memref<32x1024xf32, #tpu.memory_space<vmem>>, vector<16xf32>,
        %lt3A_262 = arith.cmpf olt, %get3A_261, %broadcast_in_dim3A_117 : vector<16xf32>
        %or3A_263 = arith.ori %or3A_223, %lt3A_262 : vector<16xi1>
        %get3A_264 = arith.index_cast %scan3A_112 : i32 to index
        %get3A_265 = arith.constant 496 : index
        %get3A_266 = tpu.vector_load %arg7[%get3A_264, %get3A_265] {strides = array<i32>} : memref<32x1024xf32, #tpu.memory_space<vmem>>, vector<16xf32>,
        %lt3A_267 = arith.cmpf olt, %get3A_266, %broadcast_in_dim3A_117 : vector<16xf32>
        %or3A_268 = arith.ori %or3A_228, %lt3A_267 : vector<16xi1>
        %get3A_269 = arith.index_cast %scan3A_112 : i32 to index
        %get3A_270 = arith.constant 512 : index
        %get3A_271 = tpu.vector_load %arg7[%get3A_269, %get3A_270] {strides = array<i32>} : memref<32x1024xf32, #tpu.memory_space<vmem>>, vector<16xf32>,
        %lt3A_272 = arith.cmpf olt, %get3A_271, %broadcast_in_dim3A_117 : vector<16xf32>
        %or3A_273 = arith.ori %or3A_233, %lt3A_272 : vector<16xi1>
        %get3A_274 = arith.index_cast %scan3A_112 : i32 to index
        %get3A_275 = arith.constant 528 : index
        %get3A_276 = tpu.vector_load %arg7[%get3A_274, %get3A_275] {strides = array<i32>} : memref<32x1024xf32, #tpu.memory_space<vmem>>, vector<16xf32>,
        %lt3A_277 = arith.cmpf olt, %get3A_276, %broadcast_in_dim3A_117 : vector<16xf32>
        %or3A_278 = arith.ori %or3A_238, %lt3A_277 : vector<16xi1>
        %get3A_279 = arith.index_cast %scan3A_112 : i32 to index
        %get3A_280 = arith.constant 544 : index
        %get3A_281 = tpu.vector_load %arg7[%get3A_279, %get3A_280] {strides = array<i32>} : memref<32x1024xf32, #tpu.memory_space<vmem>>, vector<16xf32>,
        %lt3A_282 = arith.cmpf olt, %get3A_281, %broadcast_in_dim3A_117 : vector<16xf32>
        %or3A_283 = arith.ori %or3A_243, %lt3A_282 : vector<16xi1>
        %get3A_284 = arith.index_cast %scan3A_112 : i32 to index
        %get3A_285 = arith.constant 560 : index
        %get3A_286 = tpu.vector_load %arg7[%get3A_284, %get3A_285] {strides = array<i32>} : memref<32x1024xf32, #tpu.memory_space<vmem>>, vector<16xf32>,
        %lt3A_287 = arith.cmpf olt, %get3A_286, %broadcast_in_dim3A_117 : vector<16xf32>
        %or3A_288 = arith.ori %or3A_248, %lt3A_287 : vector<16xi1>
        %get3A_289 = arith.index_cast %scan3A_112 : i32 to index
        %get3A_290 = arith.constant 576 : index
        %get3A_291 = tpu.vector_load %arg7[%get3A_289, %get3A_290] {strides = array<i32>} : memref<32x1024xf32, #tpu.memory_space<vmem>>, vector<16xf32>,
        %lt3A_292 = arith.cmpf olt, %get3A_291, %broadcast_in_dim3A_117 : vector<16xf32>
        %or3A_293 = arith.ori %or3A_253, %lt3A_292 : vector<16xi1>
        %get3A_294 = arith.index_cast %scan3A_112 : i32 to index
        %get3A_295 = arith.constant 592 : index
        %get3A_296 = tpu.vector_load %arg7[%get3A_294, %get3A_295] {strides = array<i32>} : memref<32x1024xf32, #tpu.memory_space<vmem>>, vector<16xf32>,
        %lt3A_297 = arith.cmpf olt, %get3A_296, %broadcast_in_dim3A_117 : vector<16xf32>
        %or3A_298 = arith.ori %or3A_258, %lt3A_297 : vector<16xi1>
        %get3A_299 = arith.index_cast %scan3A_112 : i32 to index
        %get3A_300 = arith.constant 608 : index
        %get3A_301 = tpu.vector_load %arg7[%get3A_299, %get3A_300] {strides = array<i32>} : memref<32x1024xf32, #tpu.memory_space<vmem>>, vector<16xf32>,
        %lt3A_302 = arith.cmpf olt, %get3A_301, %broadcast_in_dim3A_117 : vector<16xf32>
        %or3A_303 = arith.ori %or3A_263, %lt3A_302 : vector<16xi1>
        %get3A_304 = arith.index_cast %scan3A_112 : i32 to index
        %get3A_305 = arith.constant 624 : index
        %get3A_306 = tpu.vector_load %arg7[%get3A_304, %get3A_305] {strides = array<i32>} : memref<32x1024xf32, #tpu.memory_space<vmem>>, vector<16xf32>,
        %lt3A_307 = arith.cmpf olt, %get3A_306, %broadcast_in_dim3A_117 : vector<16xf32>
        %or3A_308 = arith.ori %or3A_268, %lt3A_307 : vector<16xi1>
        %get3A_309 = arith.index_cast %scan3A_112 : i32 to index
        %get3A_310 = arith.constant 640 : index
        %get3A_311 = tpu.vector_load %arg7[%get3A_309, %get3A_310] {strides = array<i32>} : memref<32x1024xf32, #tpu.memory_space<vmem>>, vector<16xf32>,
        %lt3A_312 = arith.cmpf olt, %get3A_311, %broadcast_in_dim3A_117 : vector<16xf32>
        %or3A_313 = arith.ori %or3A_273, %lt3A_312 : vector<16xi1>
        %get3A_314 = arith.index_cast %scan3A_112 : i32 to index
        %get3A_315 = arith.constant 656 : index
        %get3A_316 = tpu.vector_load %arg7[%get3A_314, %get3A_315] {strides = array<i32>} : memref<32x1024xf32, #tpu.memory_space<vmem>>, vector<16xf32>,
        %lt3A_317 = arith.cmpf olt, %get3A_316, %broadcast_in_dim3A_117 : vector<16xf32>
        %or3A_318 = arith.ori %or3A_278, %lt3A_317 : vector<16xi1>
        %get3A_319 = arith.index_cast %scan3A_112 : i32 to index
        %get3A_320 = arith.constant 672 : index
        %get3A_321 = tpu.vector_load %arg7[%get3A_319, %get3A_320] {strides = array<i32>} : memref<32x1024xf32, #tpu.memory_space<vmem>>, vector<16xf32>,
        %lt3A_322 = arith.cmpf olt, %get3A_321, %broadcast_in_dim3A_117 : vector<16xf32>
        %or3A_323 = arith.ori %or3A_283, %lt3A_322 : vector<16xi1>
        %get3A_324 = arith.index_cast %scan3A_112 : i32 to index
        %get3A_325 = arith.constant 688 : index
        %get3A_326 = tpu.vector_load %arg7[%get3A_324, %get3A_325] {strides = array<i32>} : memref<32x1024xf32, #tpu.memory_space<vmem>>, vector<16xf32>,
        %lt3A_327 = arith.cmpf olt, %get3A_326, %broadcast_in_dim3A_117 : vector<16xf32>
        %or3A_328 = arith.ori %or3A_288, %lt3A_327 : vector<16xi1>
        %get3A_329 = arith.index_cast %scan3A_112 : i32 to index
        %get3A_330 = arith.constant 704 : index
        %get3A_331 = tpu.vector_load %arg7[%get3A_329, %get3A_330] {strides = array<i32>} : memref<32x1024xf32, #tpu.memory_space<vmem>>, vector<16xf32>,
        %lt3A_332 = arith.cmpf olt, %get3A_331, %broadcast_in_dim3A_117 : vector<16xf32>
        %or3A_333 = arith.ori %or3A_293, %lt3A_332 : vector<16xi1>
        %get3A_334 = arith.index_cast %scan3A_112 : i32 to index
        %get3A_335 = arith.constant 720 : index
        %get3A_336 = tpu.vector_load %arg7[%get3A_334, %get3A_335] {strides = array<i32>} : memref<32x1024xf32, #tpu.memory_space<vmem>>, vector<16xf32>,
        %lt3A_337 = arith.cmpf olt, %get3A_336, %broadcast_in_dim3A_117 : vector<16xf32>
        %or3A_338 = arith.ori %or3A_298, %lt3A_337 : vector<16xi1>
        %get3A_339 = arith.index_cast %scan3A_112 : i32 to index
        %get3A_340 = arith.constant 736 : index
        %get3A_341 = tpu.vector_load %arg7[%get3A_339, %get3A_340] {strides = array<i32>} : memref<32x1024xf32, #tpu.memory_space<vmem>>, vector<16xf32>,
        %lt3A_342 = arith.cmpf olt, %get3A_341, %broadcast_in_dim3A_117 : vector<16xf32>
        %or3A_343 = arith.ori %or3A_303, %lt3A_342 : vector<16xi1>
        %get3A_344 = arith.index_cast %scan3A_112 : i32 to index
        %get3A_345 = arith.constant 752 : index
        %get3A_346 = tpu.vector_load %arg7[%get3A_344, %get3A_345] {strides = array<i32>} : memref<32x1024xf32, #tpu.memory_space<vmem>>, vector<16xf32>,
        %lt3A_347 = arith.cmpf olt, %get3A_346, %broadcast_in_dim3A_117 : vector<16xf32>
        %or3A_348 = arith.ori %or3A_308, %lt3A_347 : vector<16xi1>
        %get3A_349 = arith.index_cast %scan3A_112 : i32 to index
        %get3A_350 = arith.constant 768 : index
        %get3A_351 = tpu.vector_load %arg7[%get3A_349, %get3A_350] {strides = array<i32>} : memref<32x1024xf32, #tpu.memory_space<vmem>>, vector<16xf32>,
        %lt3A_352 = arith.cmpf olt, %get3A_351, %broadcast_in_dim3A_117 : vector<16xf32>
        %or3A_353 = arith.ori %or3A_313, %lt3A_352 : vector<16xi1>
        %get3A_354 = arith.index_cast %scan3A_112 : i32 to index
        %get3A_355 = arith.constant 784 : index
        %get3A_356 = tpu.vector_load %arg7[%get3A_354, %get3A_355] {strides = array<i32>} : memref<32x1024xf32, #tpu.memory_space<vmem>>, vector<16xf32>,
        %lt3A_357 = arith.cmpf olt, %get3A_356, %broadcast_in_dim3A_117 : vector<16xf32>
        %or3A_358 = arith.ori %or3A_318, %lt3A_357 : vector<16xi1>
        %get3A_359 = arith.index_cast %scan3A_112 : i32 to index
        %get3A_360 = arith.constant 800 : index
        %get3A_361 = tpu.vector_load %arg7[%get3A_359, %get3A_360] {strides = array<i32>} : memref<32x1024xf32, #tpu.memory_space<vmem>>, vector<16xf32>,
        %lt3A_362 = arith.cmpf olt, %get3A_361, %broadcast_in_dim3A_117 : vector<16xf32>
        %or3A_363 = arith.ori %or3A_323, %lt3A_362 : vector<16xi1>
        %get3A_364 = arith.index_cast %scan3A_112 : i32 to index
        %get3A_365 = arith.constant 816 : index
        %get3A_366 = tpu.vector_load %arg7[%get3A_364, %get3A_365] {strides = array<i32>} : memref<32x1024xf32, #tpu.memory_space<vmem>>, vector<16xf32>,
        %lt3A_367 = arith.cmpf olt, %get3A_366, %broadcast_in_dim3A_117 : vector<16xf32>
        %or3A_368 = arith.ori %or3A_328, %lt3A_367 : vector<16xi1>
        %get3A_369 = arith.index_cast %scan3A_112 : i32 to index
        %get3A_370 = arith.constant 832 : index
        %get3A_371 = tpu.vector_load %arg7[%get3A_369, %get3A_370] {strides = array<i32>} : memref<32x1024xf32, #tpu.memory_space<vmem>>, vector<16xf32>,
        %lt3A_372 = arith.cmpf olt, %get3A_371, %broadcast_in_dim3A_117 : vector<16xf32>
        %or3A_373 = arith.ori %or3A_333, %lt3A_372 : vector<16xi1>
        %get3A_374 = arith.index_cast %scan3A_112 : i32 to index
        %get3A_375 = arith.constant 848 : index
        %get3A_376 = tpu.vector_load %arg7[%get3A_374, %get3A_375] {strides = array<i32>} : memref<32x1024xf32, #tpu.memory_space<vmem>>, vector<16xf32>,
        %lt3A_377 = arith.cmpf olt, %get3A_376, %broadcast_in_dim3A_117 : vector<16xf32>
        %or3A_378 = arith.ori %or3A_338, %lt3A_377 : vector<16xi1>
        %get3A_379 = arith.index_cast %scan3A_112 : i32 to index
        %get3A_380 = arith.constant 864 : index
        %get3A_381 = tpu.vector_load %arg7[%get3A_379, %get3A_380] {strides = array<i32>} : memref<32x1024xf32, #tpu.memory_space<vmem>>, vector<16xf32>,
        %lt3A_382 = arith.cmpf olt, %get3A_381, %broadcast_in_dim3A_117 : vector<16xf32>
        %or3A_383 = arith.ori %or3A_343, %lt3A_382 : vector<16xi1>
        %get3A_384 = arith.index_cast %scan3A_112 : i32 to index
        %get3A_385 = arith.constant 880 : index
        %get3A_386 = tpu.vector_load %arg7[%get3A_384, %get3A_385] {strides = array<i32>} : memref<32x1024xf32, #tpu.memory_space<vmem>>, vector<16xf32>,
        %lt3A_387 = arith.cmpf olt, %get3A_386, %broadcast_in_dim3A_117 : vector<16xf32>
        %or3A_388 = arith.ori %or3A_348, %lt3A_387 : vector<16xi1>
        %get3A_389 = arith.index_cast %scan3A_112 : i32 to index
        %get3A_390 = arith.constant 896 : index
        %get3A_391 = tpu.vector_load %arg7[%get3A_389, %get3A_390] {strides = array<i32>} : memref<32x1024xf32, #tpu.memory_space<vmem>>, vector<16xf32>,
        %lt3A_392 = arith.cmpf olt, %get3A_391, %broadcast_in_dim3A_117 : vector<16xf32>
        %or3A_393 = arith.ori %or3A_353, %lt3A_392 : vector<16xi1>
        %get3A_394 = arith.index_cast %scan3A_112 : i32 to index
        %get3A_395 = arith.constant 912 : index
        %get3A_396 = tpu.vector_load %arg7[%get3A_394, %get3A_395] {strides = array<i32>} : memref<32x1024xf32, #tpu.memory_space<vmem>>, vector<16xf32>,
        %lt3A_397 = arith.cmpf olt, %get3A_396, %broadcast_in_dim3A_117 : vector<16xf32>
        %or3A_398 = arith.ori %or3A_358, %lt3A_397 : vector<16xi1>
        %get3A_399 = arith.index_cast %scan3A_112 : i32 to index
        %get3A_400 = arith.constant 928 : index
        %get3A_401 = tpu.vector_load %arg7[%get3A_399, %get3A_400] {strides = array<i32>} : memref<32x1024xf32, #tpu.memory_space<vmem>>, vector<16xf32>,
        %lt3A_402 = arith.cmpf olt, %get3A_401, %broadcast_in_dim3A_117 : vector<16xf32>
        %or3A_403 = arith.ori %or3A_363, %lt3A_402 : vector<16xi1>
        %get3A_404 = arith.index_cast %scan3A_112 : i32 to index
        %get3A_405 = arith.constant 944 : index
        %get3A_406 = tpu.vector_load %arg7[%get3A_404, %get3A_405] {strides = array<i32>} : memref<32x1024xf32, #tpu.memory_space<vmem>>, vector<16xf32>,
        %lt3A_407 = arith.cmpf olt, %get3A_406, %broadcast_in_dim3A_117 : vector<16xf32>
        %or3A_408 = arith.ori %or3A_368, %lt3A_407 : vector<16xi1>
        %get3A_409 = arith.index_cast %scan3A_112 : i32 to index
        %get3A_410 = arith.constant 960 : index
        %get3A_411 = tpu.vector_load %arg7[%get3A_409, %get3A_410] {strides = array<i32>} : memref<32x1024xf32, #tpu.memory_space<vmem>>, vector<16xf32>,
        %lt3A_412 = arith.cmpf olt, %get3A_411, %broadcast_in_dim3A_117 : vector<16xf32>
        %or3A_413 = arith.ori %or3A_373, %lt3A_412 : vector<16xi1>
        %get3A_414 = arith.index_cast %scan3A_112 : i32 to index
        %get3A_415 = arith.constant 976 : index
        %get3A_416 = tpu.vector_load %arg7[%get3A_414, %get3A_415] {strides = array<i32>} : memref<32x1024xf32, #tpu.memory_space<vmem>>, vector<16xf32>,
        %lt3A_417 = arith.cmpf olt, %get3A_416, %broadcast_in_dim3A_117 : vector<16xf32>
        %or3A_418 = arith.ori %or3A_378, %lt3A_417 : vector<16xi1>
        %get3A_419 = arith.index_cast %scan3A_112 : i32 to index
        %get3A_420 = arith.constant 992 : index
        %get3A_421 = tpu.vector_load %arg7[%get3A_419, %get3A_420] {strides = array<i32>} : memref<32x1024xf32, #tpu.memory_space<vmem>>, vector<16xf32>,
        %lt3A_422 = arith.cmpf olt, %get3A_421, %broadcast_in_dim3A_117 : vector<16xf32>
        %or3A_423 = arith.ori %or3A_383, %lt3A_422 : vector<16xi1>
        %get3A_424 = arith.index_cast %scan3A_112 : i32 to index
        %get3A_425 = arith.constant 1008 : index
        %get3A_426 = tpu.vector_load %arg7[%get3A_424, %get3A_425] {strides = array<i32>} : memref<32x1024xf32, #tpu.memory_space<vmem>>, vector<16xf32>,
        %lt3A_427 = arith.cmpf olt, %get3A_426, %broadcast_in_dim3A_117 : vector<16xf32>
        %or3A_428 = arith.ori %or3A_388, %lt3A_427 : vector<16xi1>
        %or3A_429 = arith.ori %or3A_393, %or3A_398 : vector<16xi1>
        %or3A_430 = arith.ori %or3A_429, %or3A_403 : vector<16xi1>
        %or3A_431 = arith.ori %or3A_430, %or3A_408 : vector<16xi1>
        %or3A_432 = arith.ori %or3A_431, %or3A_413 : vector<16xi1>
        %or3A_433 = arith.ori %or3A_432, %or3A_418 : vector<16xi1>
        %or3A_434 = arith.ori %or3A_433, %or3A_423 : vector<16xi1>
        %or3A_435 = arith.ori %or3A_434, %or3A_428 : vector<16xi1>
        %reduce_or3A = arith.constant 1.000000e+00 : f32
        %reduce_or3A_436 = arith.constant 0.000000e+00 : f32
        %reduce_or3A_437 = vector.broadcast %reduce_or3A : f32 to vector<16xf32>
        %reduce_or3A_438 = vector.broadcast %reduce_or3A_436 : f32 to vector<16xf32>
        %reduce_or3A_439 = arith.select %or3A_435, %reduce_or3A_437, %reduce_or3A_438 : vector<16xi1>, vector<16xf32>
        %reduce_or3A_440 = arith.constant true
        %reduce_or3A_441 = vector.broadcast %reduce_or3A_440 : i1 to vector<16xi1>
        %reduce_or3A_442 = tpu.scan <max>, %reduce_or3A_439 masked %reduce_or3A_441 : vector<16xf32>, vector<16xi1> -> vector<16xf32>
        %reduce_or3A_443 = vector.extract %reduce_or3A_442[15] : f32 from vector<16xf32>
        %reduce_or3A_444 = arith.constant 0.000000e+00 : f32
        %reduce_or3A_445 = arith.cmpf ogt, %reduce_or3A_443, %reduce_or3A_444 : f32
        %convert_element_type3A_446 = arith.extui %reduce_or3A_445 : i1 to i32
        %cond3A_447 = arith.constant 0 : i32
        %cond3A_448 = arith.cmpi ne, %convert_element_type3A_446, %cond3A_447 : i32
        scf.if %cond3A_448 {
          %get3A_450 = arith.index_cast %scan3A_112 : i32 to index
          %get3A_451 = memref.load %arg15[%get3A_450] : memref<32xi32, #tpu.memory_space<smem>>
          %scan3A_452 = arith.constant 0 : i32
          %scan3A_453 = arith.constant 8 : i32
          %scan3A_454 = arith.addi %scan3A_452, %scan3A_453 : i32
          %scan3A_455 = arith.constant 1 : i32
          %scan3A_456:2 = scf.for %scan3A_461 = %scan3A_452 to %scan3A_454 step %scan3A_455 iter_args(%scan3A_462 = %get3A_116, %scan3A_463 = %get3A_451) -> (f32, i32)  : i32 {
            %broadcast_in_dim3A_464 = vector.broadcast %scan3A_462 : f32 to vector<16xf32>
            %mul3A_465 = arith.constant 128 : i32
            %mul3A_466 = arith.muli %scan3A_461, %mul3A_465 : i32
            %add3A_467 = arith.constant 0 : i32
            %add3A_468 = arith.addi %mul3A_466, %add3A_467 : i32
            %get3A_469 = arith.index_cast %scan3A_112 : i32 to index
            %get3A_470 = arith.index_cast %add3A_468 : i32 to index
            %get3A_471 = tpu.vector_load %arg7[%get3A_469, %get3A_470] {strides = array<i32>} : memref<32x1024xf32, #tpu.memory_space<vmem>>, vector<16xf32>,
            %mul3A_472 = arith.constant 128 : i32
            %mul3A_473 = arith.muli %scan3A_461, %mul3A_472 : i32
            %add3A_474 = arith.constant 16 : i32
            %add3A_475 = arith.addi %mul3A_473, %add3A_474 : i32
            %get3A_476 = arith.index_cast %scan3A_112 : i32 to index
            %get3A_477 = arith.index_cast %add3A_475 : i32 to index
            %get3A_478 = tpu.vector_load %arg7[%get3A_476, %get3A_477] {strides = array<i32>} : memref<32x1024xf32, #tpu.memory_space<vmem>>, vector<16xf32>,
            %mul3A_479 = arith.constant 128 : i32
            %mul3A_480 = arith.muli %scan3A_461, %mul3A_479 : i32
            %add3A_481 = arith.constant 32 : i32
            %add3A_482 = arith.addi %mul3A_480, %add3A_481 : i32
            %get3A_483 = arith.index_cast %scan3A_112 : i32 to index
            %get3A_484 = arith.index_cast %add3A_482 : i32 to index
            %get3A_485 = tpu.vector_load %arg7[%get3A_483, %get3A_484] {strides = array<i32>} : memref<32x1024xf32, #tpu.memory_space<vmem>>, vector<16xf32>,
            %mul3A_486 = arith.constant 128 : i32
            %mul3A_487 = arith.muli %scan3A_461, %mul3A_486 : i32
            %add3A_488 = arith.constant 48 : i32
            %add3A_489 = arith.addi %mul3A_487, %add3A_488 : i32
            %get3A_490 = arith.index_cast %scan3A_112 : i32 to index
            %get3A_491 = arith.index_cast %add3A_489 : i32 to index
            %get3A_492 = tpu.vector_load %arg7[%get3A_490, %get3A_491] {strides = array<i32>} : memref<32x1024xf32, #tpu.memory_space<vmem>>, vector<16xf32>,
            %mul3A_493 = arith.constant 128 : i32
            %mul3A_494 = arith.muli %scan3A_461, %mul3A_493 : i32
            %add3A_495 = arith.constant 64 : i32
            %add3A_496 = arith.addi %mul3A_494, %add3A_495 : i32
            %get3A_497 = arith.index_cast %scan3A_112 : i32 to index
            %get3A_498 = arith.index_cast %add3A_496 : i32 to index
            %get3A_499 = tpu.vector_load %arg7[%get3A_497, %get3A_498] {strides = array<i32>} : memref<32x1024xf32, #tpu.memory_space<vmem>>, vector<16xf32>,
            %mul3A_500 = arith.constant 128 : i32
            %mul3A_501 = arith.muli %scan3A_461, %mul3A_500 : i32
            %add3A_502 = arith.constant 80 : i32
            %add3A_503 = arith.addi %mul3A_501, %add3A_502 : i32
            %get3A_504 = arith.index_cast %scan3A_112 : i32 to index
            %get3A_505 = arith.index_cast %add3A_503 : i32 to index
            %get3A_506 = tpu.vector_load %arg7[%get3A_504, %get3A_505] {strides = array<i32>} : memref<32x1024xf32, #tpu.memory_space<vmem>>, vector<16xf32>,
            %mul3A_507 = arith.constant 128 : i32
            %mul3A_508 = arith.muli %scan3A_461, %mul3A_507 : i32
            %add3A_509 = arith.constant 96 : i32
            %add3A_510 = arith.addi %mul3A_508, %add3A_509 : i32
            %get3A_511 = arith.index_cast %scan3A_112 : i32 to index
            %get3A_512 = arith.index_cast %add3A_510 : i32 to index
            %get3A_513 = tpu.vector_load %arg7[%get3A_511, %get3A_512] {strides = array<i32>} : memref<32x1024xf32, #tpu.memory_space<vmem>>, vector<16xf32>,
            %mul3A_514 = arith.constant 128 : i32
            %mul3A_515 = arith.muli %scan3A_461, %mul3A_514 : i32
            %add3A_516 = arith.constant 112 : i32
            %add3A_517 = arith.addi %mul3A_515, %add3A_516 : i32
            %get3A_518 = arith.index_cast %scan3A_112 : i32 to index
            %get3A_519 = arith.index_cast %add3A_517 : i32 to index
            %get3A_520 = tpu.vector_load %arg7[%get3A_518, %get3A_519] {strides = array<i32>} : memref<32x1024xf32, #tpu.memory_space<vmem>>, vector<16xf32>,
            %lt3A_521 = arith.cmpf olt, %get3A_471, %broadcast_in_dim3A_464 : vector<16xf32>
            %lt3A_522 = arith.cmpf olt, %get3A_478, %broadcast_in_dim3A_464 : vector<16xf32>
            %lt3A_523 = arith.cmpf olt, %get3A_485, %broadcast_in_dim3A_464 : vector<16xf32>
            %lt3A_524 = arith.cmpf olt, %get3A_492, %broadcast_in_dim3A_464 : vector<16xf32>
            %lt3A_525 = arith.cmpf olt, %get3A_499, %broadcast_in_dim3A_464 : vector<16xf32>
            %lt3A_526 = arith.cmpf olt, %get3A_506, %broadcast_in_dim3A_464 : vector<16xf32>
            %lt3A_527 = arith.cmpf olt, %get3A_513, %broadcast_in_dim3A_464 : vector<16xf32>
            %lt3A_528 = arith.cmpf olt, %get3A_520, %broadcast_in_dim3A_464 : vector<16xf32>
            %or3A_529 = arith.ori %lt3A_521, %lt3A_522 : vector<16xi1>
            %or3A_530 = arith.ori %or3A_529, %lt3A_523 : vector<16xi1>
            %or3A_531 = arith.ori %or3A_530, %lt3A_524 : vector<16xi1>
            %or3A_532 = arith.ori %or3A_531, %lt3A_525 : vector<16xi1>
            %or3A_533 = arith.ori %or3A_532, %lt3A_526 : vector<16xi1>
            %or3A_534 = arith.ori %or3A_533, %lt3A_527 : vector<16xi1>
            %or3A_535 = arith.ori %or3A_534, %lt3A_528 : vector<16xi1>
            %reduce_or3A_536 = arith.constant 1.000000e+00 : f32
            %reduce_or3A_537 = arith.constant 0.000000e+00 : f32
            %reduce_or3A_538 = vector.broadcast %reduce_or3A_536 : f32 to vector<16xf32>
            %reduce_or3A_539 = vector.broadcast %reduce_or3A_537 : f32 to vector<16xf32>
            %reduce_or3A_540 = arith.select %or3A_535, %reduce_or3A_538, %reduce_or3A_539 : vector<16xi1>, vector<16xf32>
            %reduce_or3A_541 = arith.constant true
            %reduce_or3A_542 = vector.broadcast %reduce_or3A_541 : i1 to vector<16xi1>
            %reduce_or3A_543 = tpu.scan <max>, %reduce_or3A_540 masked %reduce_or3A_542 : vector<16xf32>, vector<16xi1> -> vector<16xf32>
            %reduce_or3A_544 = vector.extract %reduce_or3A_543[15] : f32 from vector<16xf32>
            %reduce_or3A_545 = arith.constant 0.000000e+00 : f32
            %reduce_or3A_546 = arith.cmpf ogt, %reduce_or3A_544, %reduce_or3A_545 : f32
            %convert_element_type3A_547 = arith.extui %reduce_or3A_546 : i1 to i32
            %cond3A_548 = arith.constant 0 : i32
            %cond3A_549 = arith.cmpi ne, %convert_element_type3A_547, %cond3A_548 : i32
            %cond3A_550 = scf.if %cond3A_549 -> (i32) {
              %all_reduce_population_count3A = tpu.all_reduce %lt3A_521 {dim = 0 : i64, kind = #tpu.reduction_kind<sum>} : vector<16xi1> -> vector<16xi32>
              %slice3A = vector.extract_strided_slice %all_reduce_population_count3A {offsets = [0], sizes = [1], strides = [1]} : vector<16xi32> to vector<1xi32>
              %squeeze3A = vector.extract %slice3A[0] : i32 from vector<1xi32>
              %all_reduce_population_count3A_557 = tpu.all_reduce %lt3A_522 {dim = 0 : i64, kind = #tpu.reduction_kind<sum>} : vector<16xi1> -> vector<16xi32>
              %slice3A_558 = vector.extract_strided_slice %all_reduce_population_count3A_557 {offsets = [0], sizes = [1], strides = [1]} : vector<16xi32> to vector<1xi32>
              %squeeze3A_559 = vector.extract %slice3A_558[0] : i32 from vector<1xi32>
              %all_reduce_population_count3A_560 = tpu.all_reduce %lt3A_523 {dim = 0 : i64, kind = #tpu.reduction_kind<sum>} : vector<16xi1> -> vector<16xi32>
              %slice3A_561 = vector.extract_strided_slice %all_reduce_population_count3A_560 {offsets = [0], sizes = [1], strides = [1]} : vector<16xi32> to vector<1xi32>
              %squeeze3A_562 = vector.extract %slice3A_561[0] : i32 from vector<1xi32>
              %all_reduce_population_count3A_563 = tpu.all_reduce %lt3A_524 {dim = 0 : i64, kind = #tpu.reduction_kind<sum>} : vector<16xi1> -> vector<16xi32>
              %slice3A_564 = vector.extract_strided_slice %all_reduce_population_count3A_563 {offsets = [0], sizes = [1], strides = [1]} : vector<16xi32> to vector<1xi32>
              %squeeze3A_565 = vector.extract %slice3A_564[0] : i32 from vector<1xi32>
              %all_reduce_population_count3A_566 = tpu.all_reduce %lt3A_525 {dim = 0 : i64, kind = #tpu.reduction_kind<sum>} : vector<16xi1> -> vector<16xi32>
              %slice3A_567 = vector.extract_strided_slice %all_reduce_population_count3A_566 {offsets = [0], sizes = [1], strides = [1]} : vector<16xi32> to vector<1xi32>
              %squeeze3A_568 = vector.extract %slice3A_567[0] : i32 from vector<1xi32>
              %all_reduce_population_count3A_569 = tpu.all_reduce %lt3A_526 {dim = 0 : i64, kind = #tpu.reduction_kind<sum>} : vector<16xi1> -> vector<16xi32>
              %slice3A_570 = vector.extract_strided_slice %all_reduce_population_count3A_569 {offsets = [0], sizes = [1], strides = [1]} : vector<16xi32> to vector<1xi32>
              %squeeze3A_571 = vector.extract %slice3A_570[0] : i32 from vector<1xi32>
              %all_reduce_population_count3A_572 = tpu.all_reduce %lt3A_527 {dim = 0 : i64, kind = #tpu.reduction_kind<sum>} : vector<16xi1> -> vector<16xi32>
              %slice3A_573 = vector.extract_strided_slice %all_reduce_population_count3A_572 {offsets = [0], sizes = [1], strides = [1]} : vector<16xi32> to vector<1xi32>
              %squeeze3A_574 = vector.extract %slice3A_573[0] : i32 from vector<1xi32>
              %all_reduce_population_count3A_575 = tpu.all_reduce %lt3A_528 {dim = 0 : i64, kind = #tpu.reduction_kind<sum>} : vector<16xi1> -> vector<16xi32>
              %slice3A_576 = vector.extract_strided_slice %all_reduce_population_count3A_575 {offsets = [0], sizes = [1], strides = [1]} : vector<16xi32> to vector<1xi32>
              %squeeze3A_577 = vector.extract %slice3A_576[0] : i32 from vector<1xi32>
              %mul3A_578 = arith.constant 128 : i32
              %mul3A_579 = arith.muli %scan3A_461, %mul3A_578 : i32
              %add3A_580 = arith.addi %mul3A_96, %mul3A_579 : i32
              %add3A_581 = arith.constant 0 : i32
              %add3A_582 = arith.addi %add3A_580, %add3A_581 : i32
              %add3A_583 = vector.broadcast %add3A_582 : i32 to vector<16xi32>
              %add3A_584 = arith.addi %add3A_583, %iota3A : vector<16xi32>
              %add3A_585 = arith.addi %mul3A_115, %scan3A_463 : i32
              %swap3A_586 = arith.index_cast %add3A_585 : i32 to index
              %swap3A_587 = tpu.vector_load %arg8[%swap3A_586] masked %lt3A_521 {strides = array<i32>} : memref<6144xf32, #tpu.memory_space<vmem>>, vector<16xf32>, vector<16xi1>
              tpu.vector_store %arg8[%swap3A_586], %get3A_471 masked %lt3A_521 {strides = array<i32>} : memref<6144xf32, #tpu.memory_space<vmem>>, vector<16xf32>, vector<16xi1>
              %add3A_588 = arith.addi %mul3A_115, %scan3A_463 : i32
              %swap3A_589 = arith.index_cast %add3A_588 : i32 to index
              %swap3A_590 = tpu.vector_load %arg9[%swap3A_589] masked %lt3A_521 {strides = array<i32>} : memref<6144xi32, #tpu.memory_space<vmem>>, vector<16xi32>, vector<16xi1>
              tpu.vector_store %arg9[%swap3A_589], %add3A_584 masked %lt3A_521 {strides = array<i32>} : memref<6144xi32, #tpu.memory_space<vmem>>, vector<16xi32>, vector<16xi1>
              %add3A_591 = arith.addi %scan3A_463, %squeeze3A : i32
              %mul3A_592 = arith.constant 128 : i32
              %mul3A_593 = arith.muli %scan3A_461, %mul3A_592 : i32
              %add3A_594 = arith.addi %mul3A_96, %mul3A_593 : i32
              %add3A_595 = arith.constant 16 : i32
              %add3A_596 = arith.addi %add3A_594, %add3A_595 : i32
              %add3A_597 = vector.broadcast %add3A_596 : i32 to vector<16xi32>
              %add3A_598 = arith.addi %add3A_597, %iota3A : vector<16xi32>
              %add3A_599 = arith.addi %mul3A_115, %add3A_591 : i32
              %swap3A_600 = arith.index_cast %add3A_599 : i32 to index
              %swap3A_601 = tpu.vector_load %arg8[%swap3A_600] masked %lt3A_522 {strides = array<i32>} : memref<6144xf32, #tpu.memory_space<vmem>>, vector<16xf32>, vector<16xi1>
              tpu.vector_store %arg8[%swap3A_600], %get3A_478 masked %lt3A_522 {strides = array<i32>} : memref<6144xf32, #tpu.memory_space<vmem>>, vector<16xf32>, vector<16xi1>
              %add3A_602 = arith.addi %mul3A_115, %add3A_591 : i32
              %swap3A_603 = arith.index_cast %add3A_602 : i32 to index
              %swap3A_604 = tpu.vector_load %arg9[%swap3A_603] masked %lt3A_522 {strides = array<i32>} : memref<6144xi32, #tpu.memory_space<vmem>>, vector<16xi32>, vector<16xi1>
              tpu.vector_store %arg9[%swap3A_603], %add3A_598 masked %lt3A_522 {strides = array<i32>} : memref<6144xi32, #tpu.memory_space<vmem>>, vector<16xi32>, vector<16xi1>
              %add3A_605 = arith.addi %add3A_591, %squeeze3A_559 : i32
              %mul3A_606 = arith.constant 128 : i32
              %mul3A_607 = arith.muli %scan3A_461, %mul3A_606 : i32
              %add3A_608 = arith.addi %mul3A_96, %mul3A_607 : i32
              %add3A_609 = arith.constant 32 : i32
              %add3A_610 = arith.addi %add3A_608, %add3A_609 : i32
              %add3A_611 = vector.broadcast %add3A_610 : i32 to vector<16xi32>
              %add3A_612 = arith.addi %add3A_611, %iota3A : vector<16xi32>
              %add3A_613 = arith.addi %mul3A_115, %add3A_605 : i32
              %swap3A_614 = arith.index_cast %add3A_613 : i32 to index
              %swap3A_615 = tpu.vector_load %arg8[%swap3A_614] masked %lt3A_523 {strides = array<i32>} : memref<6144xf32, #tpu.memory_space<vmem>>, vector<16xf32>, vector<16xi1>
              tpu.vector_store %arg8[%swap3A_614], %get3A_485 masked %lt3A_523 {strides = array<i32>} : memref<6144xf32, #tpu.memory_space<vmem>>, vector<16xf32>, vector<16xi1>
              %add3A_616 = arith.addi %mul3A_115, %add3A_605 : i32
              %swap3A_617 = arith.index_cast %add3A_616 : i32 to index
              %swap3A_618 = tpu.vector_load %arg9[%swap3A_617] masked %lt3A_523 {strides = array<i32>} : memref<6144xi32, #tpu.memory_space<vmem>>, vector<16xi32>, vector<16xi1>
              tpu.vector_store %arg9[%swap3A_617], %add3A_612 masked %lt3A_523 {strides = array<i32>} : memref<6144xi32, #tpu.memory_space<vmem>>, vector<16xi32>, vector<16xi1>
              %add3A_619 = arith.addi %add3A_605, %squeeze3A_562 : i32
              %mul3A_620 = arith.constant 128 : i32
              %mul3A_621 = arith.muli %scan3A_461, %mul3A_620 : i32
              %add3A_622 = arith.addi %mul3A_96, %mul3A_621 : i32
              %add3A_623 = arith.constant 48 : i32
              %add3A_624 = arith.addi %add3A_622, %add3A_623 : i32
              %add3A_625 = vector.broadcast %add3A_624 : i32 to vector<16xi32>
              %add3A_626 = arith.addi %add3A_625, %iota3A : vector<16xi32>
              %add3A_627 = arith.addi %mul3A_115, %add3A_619 : i32
              %swap3A_628 = arith.index_cast %add3A_627 : i32 to index
              %swap3A_629 = tpu.vector_load %arg8[%swap3A_628] masked %lt3A_524 {strides = array<i32>} : memref<6144xf32, #tpu.memory_space<vmem>>, vector<16xf32>, vector<16xi1>
              tpu.vector_store %arg8[%swap3A_628], %get3A_492 masked %lt3A_524 {strides = array<i32>} : memref<6144xf32, #tpu.memory_space<vmem>>, vector<16xf32>, vector<16xi1>
              %add3A_630 = arith.addi %mul3A_115, %add3A_619 : i32
              %swap3A_631 = arith.index_cast %add3A_630 : i32 to index
              %swap3A_632 = tpu.vector_load %arg9[%swap3A_631] masked %lt3A_524 {strides = array<i32>} : memref<6144xi32, #tpu.memory_space<vmem>>, vector<16xi32>, vector<16xi1>
              tpu.vector_store %arg9[%swap3A_631], %add3A_626 masked %lt3A_524 {strides = array<i32>} : memref<6144xi32, #tpu.memory_space<vmem>>, vector<16xi32>, vector<16xi1>
              %add3A_633 = arith.addi %add3A_619, %squeeze3A_565 : i32
              %mul3A_634 = arith.constant 128 : i32
              %mul3A_635 = arith.muli %scan3A_461, %mul3A_634 : i32
              %add3A_636 = arith.addi %mul3A_96, %mul3A_635 : i32
              %add3A_637 = arith.constant 64 : i32
              %add3A_638 = arith.addi %add3A_636, %add3A_637 : i32
              %add3A_639 = vector.broadcast %add3A_638 : i32 to vector<16xi32>
              %add3A_640 = arith.addi %add3A_639, %iota3A : vector<16xi32>
              %add3A_641 = arith.addi %mul3A_115, %add3A_633 : i32
              %swap3A_642 = arith.index_cast %add3A_641 : i32 to index
              %swap3A_643 = tpu.vector_load %arg8[%swap3A_642] masked %lt3A_525 {strides = array<i32>} : memref<6144xf32, #tpu.memory_space<vmem>>, vector<16xf32>, vector<16xi1>
              tpu.vector_store %arg8[%swap3A_642], %get3A_499 masked %lt3A_525 {strides = array<i32>} : memref<6144xf32, #tpu.memory_space<vmem>>, vector<16xf32>, vector<16xi1>
              %add3A_644 = arith.addi %mul3A_115, %add3A_633 : i32
              %swap3A_645 = arith.index_cast %add3A_644 : i32 to index
              %swap3A_646 = tpu.vector_load %arg9[%swap3A_645] masked %lt3A_525 {strides = array<i32>} : memref<6144xi32, #tpu.memory_space<vmem>>, vector<16xi32>, vector<16xi1>
              tpu.vector_store %arg9[%swap3A_645], %add3A_640 masked %lt3A_525 {strides = array<i32>} : memref<6144xi32, #tpu.memory_space<vmem>>, vector<16xi32>, vector<16xi1>
              %add3A_647 = arith.addi %add3A_633, %squeeze3A_568 : i32
              %mul3A_648 = arith.constant 128 : i32
              %mul3A_649 = arith.muli %scan3A_461, %mul3A_648 : i32
              %add3A_650 = arith.addi %mul3A_96, %mul3A_649 : i32
              %add3A_651 = arith.constant 80 : i32
              %add3A_652 = arith.addi %add3A_650, %add3A_651 : i32
              %add3A_653 = vector.broadcast %add3A_652 : i32 to vector<16xi32>
              %add3A_654 = arith.addi %add3A_653, %iota3A : vector<16xi32>
              %add3A_655 = arith.addi %mul3A_115, %add3A_647 : i32
              %swap3A_656 = arith.index_cast %add3A_655 : i32 to index
              %swap3A_657 = tpu.vector_load %arg8[%swap3A_656] masked %lt3A_526 {strides = array<i32>} : memref<6144xf32, #tpu.memory_space<vmem>>, vector<16xf32>, vector<16xi1>
              tpu.vector_store %arg8[%swap3A_656], %get3A_506 masked %lt3A_526 {strides = array<i32>} : memref<6144xf32, #tpu.memory_space<vmem>>, vector<16xf32>, vector<16xi1>
              %add3A_658 = arith.addi %mul3A_115, %add3A_647 : i32
              %swap3A_659 = arith.index_cast %add3A_658 : i32 to index
              %swap3A_660 = tpu.vector_load %arg9[%swap3A_659] masked %lt3A_526 {strides = array<i32>} : memref<6144xi32, #tpu.memory_space<vmem>>, vector<16xi32>, vector<16xi1>
              tpu.vector_store %arg9[%swap3A_659], %add3A_654 masked %lt3A_526 {strides = array<i32>} : memref<6144xi32, #tpu.memory_space<vmem>>, vector<16xi32>, vector<16xi1>
              %add3A_661 = arith.addi %add3A_647, %squeeze3A_571 : i32
              %mul3A_662 = arith.constant 128 : i32
              %mul3A_663 = arith.muli %scan3A_461, %mul3A_662 : i32
              %add3A_664 = arith.addi %mul3A_96, %mul3A_663 : i32
              %add3A_665 = arith.constant 96 : i32
              %add3A_666 = arith.addi %add3A_664, %add3A_665 : i32
              %add3A_667 = vector.broadcast %add3A_666 : i32 to vector<16xi32>
              %add3A_668 = arith.addi %add3A_667, %iota3A : vector<16xi32>
              %add3A_669 = arith.addi %mul3A_115, %add3A_661 : i32
              %swap3A_670 = arith.index_cast %add3A_669 : i32 to index
              %swap3A_671 = tpu.vector_load %arg8[%swap3A_670] masked %lt3A_527 {strides = array<i32>} : memref<6144xf32, #tpu.memory_space<vmem>>, vector<16xf32>, vector<16xi1>
              tpu.vector_store %arg8[%swap3A_670], %get3A_513 masked %lt3A_527 {strides = array<i32>} : memref<6144xf32, #tpu.memory_space<vmem>>, vector<16xf32>, vector<16xi1>
              %add3A_672 = arith.addi %mul3A_115, %add3A_661 : i32
              %swap3A_673 = arith.index_cast %add3A_672 : i32 to index
              %swap3A_674 = tpu.vector_load %arg9[%swap3A_673] masked %lt3A_527 {strides = array<i32>} : memref<6144xi32, #tpu.memory_space<vmem>>, vector<16xi32>, vector<16xi1>
              tpu.vector_store %arg9[%swap3A_673], %add3A_668 masked %lt3A_527 {strides = array<i32>} : memref<6144xi32, #tpu.memory_space<vmem>>, vector<16xi32>, vector<16xi1>
              %add3A_675 = arith.addi %add3A_661, %squeeze3A_574 : i32
              %mul3A_676 = arith.constant 128 : i32
              %mul3A_677 = arith.muli %scan3A_461, %mul3A_676 : i32
              %add3A_678 = arith.addi %mul3A_96, %mul3A_677 : i32
              %add3A_679 = arith.constant 112 : i32
              %add3A_680 = arith.addi %add3A_678, %add3A_679 : i32
              %add3A_681 = vector.broadcast %add3A_680 : i32 to vector<16xi32>
              %add3A_682 = arith.addi %add3A_681, %iota3A : vector<16xi32>
              %add3A_683 = arith.addi %mul3A_115, %add3A_675 : i32
              %swap3A_684 = arith.index_cast %add3A_683 : i32 to index
              %swap3A_685 = tpu.vector_load %arg8[%swap3A_684] masked %lt3A_528 {strides = array<i32>} : memref<6144xf32, #tpu.memory_space<vmem>>, vector<16xf32>, vector<16xi1>
              tpu.vector_store %arg8[%swap3A_684], %get3A_520 masked %lt3A_528 {strides = array<i32>} : memref<6144xf32, #tpu.memory_space<vmem>>, vector<16xf32>, vector<16xi1>
              %add3A_686 = arith.addi %mul3A_115, %add3A_675 : i32
              %swap3A_687 = arith.index_cast %add3A_686 : i32 to index
              %swap3A_688 = tpu.vector_load %arg9[%swap3A_687] masked %lt3A_528 {strides = array<i32>} : memref<6144xi32, #tpu.memory_space<vmem>>, vector<16xi32>, vector<16xi1>
              tpu.vector_store %arg9[%swap3A_687], %add3A_682 masked %lt3A_528 {strides = array<i32>} : memref<6144xi32, #tpu.memory_space<vmem>>, vector<16xi32>, vector<16xi1>
              %add3A_689 = arith.addi %add3A_675, %squeeze3A_577 : i32
              scf.yield %add3A_689 : i32
            } else {
              scf.yield %scan3A_463 : i32
            }
            %ge3A = arith.constant 48 : i32
            %ge3A_551 = arith.cmpi sge, %cond3A_550, %ge3A : i32
            %convert_element_type3A_552 = arith.extui %ge3A_551 : i1 to i32
            %cond3A_553 = arith.constant 0 : i32
            %cond3A_554 = arith.constant 0 : i32
            %cond3A_555 = arith.cmpi ne, %convert_element_type3A_552, %cond3A_554 : i32
            %cond3A_556:2 = scf.if %cond3A_555 -> (f32, i32) {
              %iota3A_557 = tpu.iota {dimensions = array<i32: 0>} : vector<16xi32>
              %broadcast_in_dim3A_558 = arith.constant 3.400000e+38 : f32
              %broadcast_in_dim3A_559 = vector.broadcast %broadcast_in_dim3A_558 : f32 to vector<16xf32>
              %broadcast_in_dim3A_560 = arith.constant 2147483647 : i32
              %broadcast_in_dim3A_561 = vector.broadcast %broadcast_in_dim3A_560 : i32 to vector<16xi32>
              %scan3A_562 = arith.constant -3.400000e+38 : f32
              %scan3A_563 = arith.constant -2147483648 : i32
              %scan3A_564 = arith.constant 0 : i32
              %scan3A_565 = arith.constant 8 : i32
              %scan3A_566 = arith.addi %scan3A_564, %scan3A_565 : i32
              %scan3A_567 = arith.constant 1 : i32
              %scan3A_568:4 = scf.for %scan3A_586 = %scan3A_564 to %scan3A_566 step %scan3A_567 iter_args(%scan3A_587 = %broadcast_in_dim3A_559, %scan3A_588 = %broadcast_in_dim3A_561, %scan3A_589 = %scan3A_562, %scan3A_590 = %scan3A_563) -> (vector<16xf32>, vector<16xi32>, f32, i32)  : i32 {
                %broadcast_in_dim3A_591 = arith.constant 3.400000e+38 : f32
                %broadcast_in_dim3A_592 = vector.broadcast %broadcast_in_dim3A_591 : f32 to vector<16xf32>
                %broadcast_in_dim3A_593 = arith.constant 2147483647 : i32
                %broadcast_in_dim3A_594 = vector.broadcast %broadcast_in_dim3A_593 : i32 to vector<16xi32>
                %scan3A_595 = arith.constant 0 : i32
                %scan3A_596 = arith.constant 12 : i32
                %scan3A_597 = arith.addi %scan3A_595, %scan3A_596 : i32
                %scan3A_598 = arith.constant 1 : i32
                %scan3A_599:2 = scf.for %scan3A_622 = %scan3A_595 to %scan3A_597 step %scan3A_598 iter_args(%scan3A_623 = %broadcast_in_dim3A_592, %scan3A_624 = %broadcast_in_dim3A_594) -> (vector<16xf32>, vector<16xi32>)  : i32 {
                  %mul3A_625 = arith.constant 16 : i32
                  %mul3A_626 = arith.muli %scan3A_622, %mul3A_625 : i32
                  %add3A_627 = arith.addi %mul3A_115, %mul3A_626 : i32
                  %get3A_628 = arith.index_cast %add3A_627 : i32 to index
                  %get3A_629 = tpu.vector_load %arg8[%get3A_628] {strides = array<i32>} : memref<6144xf32, #tpu.memory_space<vmem>>, vector<16xf32>,
                  %mul3A_630 = arith.constant 16 : i32
                  %mul3A_631 = arith.muli %scan3A_622, %mul3A_630 : i32
                  %add3A_632 = arith.addi %mul3A_115, %mul3A_631 : i32
                  %get3A_633 = arith.index_cast %add3A_632 : i32 to index
                  %get3A_634 = tpu.vector_load %arg9[%get3A_633] {strides = array<i32>} : memref<6144xi32, #tpu.memory_space<vmem>>, vector<16xi32>,
                  %gt3A = vector.broadcast %scan3A_589 : f32 to vector<16xf32>
                  %gt3A_635 = arith.cmpf ogt, %get3A_629, %gt3A : vector<16xf32>
                  %eq3A_636 = vector.broadcast %scan3A_589 : f32 to vector<16xf32>
                  %eq3A_637 = arith.cmpf oeq, %get3A_629, %eq3A_636 : vector<16xf32>
                  %gt3A_638 = vector.broadcast %scan3A_590 : i32 to vector<16xi32>
                  %gt3A_639 = arith.cmpi sgt, %get3A_634, %gt3A_638 : vector<16xi32>
                  %and3A = arith.andi %eq3A_637, %gt3A_639 : vector<16xi1>
                  %or3A_640 = arith.ori %gt3A_635, %and3A : vector<16xi1>
                  %jit3A_641 = arith.constant 3.400000e+38 : f32
                  %broadcast_in_dim3A_642 = vector.broadcast %jit3A_641 : f32 to vector<16xf32>
                  %select_n3A_643 = arith.select %or3A_640, %get3A_629, %broadcast_in_dim3A_642 : vector<16xi1>, vector<16xf32>
                  %jit3A_644 = arith.constant 2147483647 : i32
                  %broadcast_in_dim3A_645 = vector.broadcast %jit3A_644 : i32 to vector<16xi32>
                  %select_n3A_646 = arith.select %or3A_640, %get3A_634, %broadcast_in_dim3A_645 : vector<16xi1>, vector<16xi32>
                  %lt3A_647 = arith.cmpf olt, %select_n3A_643, %scan3A_623 : vector<16xf32>
                  %eq3A_648 = arith.cmpf oeq, %select_n3A_643, %scan3A_623 : vector<16xf32>
                  %lt3A_649 = arith.cmpi slt, %select_n3A_646, %scan3A_624 : vector<16xi32>
                  %and3A_650 = arith.andi %eq3A_648, %lt3A_649 : vector<16xi1>
                  %or3A_651 = arith.ori %lt3A_647, %and3A_650 : vector<16xi1>
                  %select_n3A_652 = arith.select %or3A_651, %select_n3A_643, %scan3A_623 : vector<16xi1>, vector<16xf32>
                  %select_n3A_653 = arith.select %or3A_651, %select_n3A_646, %scan3A_624 : vector<16xi1>, vector<16xi32>
                  scf.yield %select_n3A_652, %select_n3A_653 : vector<16xf32>, vector<16xi32>
                }
                %scan3A_600 = arith.constant 12 : i32
                %reduce_min3A = arith.constant true
                %reduce_min3A_601 = vector.broadcast %reduce_min3A : i1 to vector<16xi1>
                %reduce_min3A_602 = tpu.scan <min>, %scan3A_599#0 masked %reduce_min3A_601 : vector<16xf32>, vector<16xi1> -> vector<16xf32>
                %reduce_min3A_603 = vector.extract %reduce_min3A_602[15] : f32 from vector<16xf32>
                %eq3A = vector.broadcast %reduce_min3A_603 : f32 to vector<16xf32>
                %eq3A_604 = arith.cmpf oeq, %scan3A_599#0, %eq3A : vector<16xf32>
                %jit3A = arith.constant 2147483647 : i32
                %broadcast_in_dim3A_605 = vector.broadcast %jit3A : i32 to vector<16xi32>
                %select_n3A = arith.select %eq3A_604, %scan3A_599#1, %broadcast_in_dim3A_605 : vector<16xi1>, vector<16xi32>
                %reduce_min3A_606 = arith.constant true
                %reduce_min3A_607 = vector.broadcast %reduce_min3A_606 : i1 to vector<16xi1>
                %reduce_min3A_608 = arith.constant -2147483648 : i32
                %reduce_min3A_609 = vector.broadcast %reduce_min3A_608 : i32 to vector<16xi32>
                %reduce_min3A_610 = arith.xori %select_n3A, %reduce_min3A_609 : vector<16xi32>
                %reduce_min3A_611 = tpu.scan <min>, %reduce_min3A_610 masked %reduce_min3A_607 : vector<16xi32>, vector<16xi1> -> vector<16xi32>
                %reduce_min3A_612 = arith.xori %reduce_min3A_611, %reduce_min3A_609 : vector<16xi32>
                %reduce_min3A_613 = vector.extract %reduce_min3A_612[15] : i32 from vector<16xi32>
                %eq3A_614 = vector.broadcast %scan3A_586 : i32 to vector<16xi32>
                %eq3A_615 = arith.cmpi eq, %iota3A_557, %eq3A_614 : vector<16xi32>
                %broadcast_in_dim3A_616 = vector.broadcast %reduce_min3A_603 : f32 to vector<16xf32>
                %select_n3A_617 = arith.select %eq3A_615, %broadcast_in_dim3A_616, %scan3A_587 : vector<16xi1>, vector<16xf32>
                %eq3A_618 = vector.broadcast %scan3A_586 : i32 to vector<16xi32>
                %eq3A_619 = arith.cmpi eq, %iota3A_557, %eq3A_618 : vector<16xi32>
                %broadcast_in_dim3A_620 = vector.broadcast %reduce_min3A_613 : i32 to vector<16xi32>
                %select_n3A_621 = arith.select %eq3A_619, %broadcast_in_dim3A_620, %scan3A_588 : vector<16xi1>, vector<16xi32>
                scf.yield %select_n3A_617, %select_n3A_621, %reduce_min3A_603, %reduce_min3A_613 : vector<16xf32>, vector<16xi32>, f32, i32
              }
              %scan3A_569 = arith.constant 8 : i32
              %swap3A_570 = arith.index_cast %mul3A_115 : i32 to index
              %swap3A_571 = tpu.vector_load %arg8[%swap3A_570] {strides = array<i32>} : memref<6144xf32, #tpu.memory_space<vmem>>, vector<16xf32>,
              tpu.vector_store %arg8[%swap3A_570], %scan3A_568#0 {strides = array<i32>} : memref<6144xf32, #tpu.memory_space<vmem>>, vector<16xf32>,
              %swap3A_572 = arith.index_cast %mul3A_115 : i32 to index
              %swap3A_573 = tpu.vector_load %arg9[%swap3A_572] {strides = array<i32>} : memref<6144xi32, #tpu.memory_space<vmem>>, vector<16xi32>,
              tpu.vector_store %arg9[%swap3A_572], %scan3A_568#1 {strides = array<i32>} : memref<6144xi32, #tpu.memory_space<vmem>>, vector<16xi32>,
              %broadcast_in_dim3A_574 = arith.constant 3.400000e+38 : f32
              %broadcast_in_dim3A_575 = vector.broadcast %broadcast_in_dim3A_574 : f32 to vector<16xf32>
              %broadcast_in_dim3A_576 = arith.constant 2147483647 : i32
              %broadcast_in_dim3A_577 = vector.broadcast %broadcast_in_dim3A_576 : i32 to vector<16xi32>
              %scan3A_578 = arith.constant 0 : i32
              %scan3A_579 = arith.constant 1 : i32
              %scan3A_580 = arith.constant 11 : i32
              %scan3A_581 = arith.addi %scan3A_579, %scan3A_580 : i32
              %scan3A_582 = arith.constant 1 : i32
              %scan3A_583 = scf.for %scan3A_586 = %scan3A_579 to %scan3A_581 step %scan3A_582 iter_args(%scan3A_587 = %scan3A_578) -> (i32)  : i32 {
                %mul3A_588 = arith.constant 16 : i32
                %mul3A_589 = arith.muli %scan3A_586, %mul3A_588 : i32
                %add3A_590 = arith.addi %mul3A_115, %mul3A_589 : i32
                %swap3A_591 = arith.index_cast %add3A_590 : i32 to index
                %swap3A_592 = tpu.vector_load %arg8[%swap3A_591] {strides = array<i32>} : memref<6144xf32, #tpu.memory_space<vmem>>, vector<16xf32>,
                tpu.vector_store %arg8[%swap3A_591], %broadcast_in_dim3A_575 {strides = array<i32>} : memref<6144xf32, #tpu.memory_space<vmem>>, vector<16xf32>,
                %mul3A_593 = arith.constant 16 : i32
                %mul3A_594 = arith.muli %scan3A_586, %mul3A_593 : i32
                %add3A_595 = arith.addi %mul3A_115, %mul3A_594 : i32
                %swap3A_596 = arith.index_cast %add3A_595 : i32 to index
                %swap3A_597 = tpu.vector_load %arg9[%swap3A_596] {strides = array<i32>} : memref<6144xi32, #tpu.memory_space<vmem>>, vector<16xi32>,
                tpu.vector_store %arg9[%swap3A_596], %broadcast_in_dim3A_577 {strides = array<i32>} : memref<6144xi32, #tpu.memory_space<vmem>>, vector<16xi32>,
                %scan3A_598 = arith.constant 0 : i32
                scf.yield %scan3A_598 : i32
              }
              %scan3A_584 = arith.constant 11 : i32
              %slice3A = vector.extract_strided_slice %scan3A_568#0 {offsets = [7], sizes = [1], strides = [1]} : vector<16xf32> to vector<1xf32>
              %squeeze3A = vector.extract %slice3A[0] : f32 from vector<1xf32>
              %cond3A_585 = arith.constant 16 : i32
              scf.yield %squeeze3A, %cond3A_585 : f32, i32
            } else {
              scf.yield %scan3A_462, %cond3A_550 : f32, i32
            }
            scf.yield %cond3A_556#0, %cond3A_556#1 : f32, i32
          }
          %scan3A_457 = arith.constant 8 : i32
          %swap3A = arith.index_cast %scan3A_112 : i32 to index
          %swap3A_458 = memref.load %arg14[%swap3A] : memref<32xf32, #tpu.memory_space<smem>>
          memref.store %scan3A_456#0, %arg14[%swap3A] : memref<32xf32, #tpu.memory_space<smem>>
          %swap3A_459 = arith.index_cast %scan3A_112 : i32 to index
          %swap3A_460 = memref.load %arg15[%swap3A_459] : memref<32xi32, #tpu.memory_space<smem>>
          memref.store %scan3A_456#1, %arg15[%swap3A_459] : memref<32xi32, #tpu.memory_space<smem>>
        } else {
        }
        %scan3A_449 = arith.constant 0 : i32
        scf.yield %scan3A_449 : i32
      }
      %scan3A_103 = arith.constant 32 : i32
      %add3A_104 = arith.constant 3 : i32
      %add3A_105 = arith.addi %mul3A_62, %add3A_104 : i32
      %lt3A_106 = arith.constant 98 : i32
      %lt3A_107 = arith.cmpi slt, %add3A_105, %lt3A_106 : i32
      %convert_element_type3A_108 = arith.extui %lt3A_107 : i1 to i32
      %cond3A_109 = arith.constant 0 : i32
      %cond3A_110 = arith.cmpi ne, %convert_element_type3A_108, %cond3A_109 : i32
      scf.if %cond3A_110 {
        %add3A_112 = arith.constant 3 : i32
        %add3A_113 = arith.addi %mul3A_62, %add3A_112 : i32
        %dma_start3A_114 = arith.constant 0 : i32
        %dma_start3A_115 = arith.constant 0 : i32
        %dma_start3A_116 = tpu.memref_slice %arg2[%add3A_113, %add3A, %dma_start3A_114, %dma_start3A_115] : memref<98x32x32x1024xf32, #tpu.memory_space<hbm>> -> memref<1x1x32x1024xf32, #tpu.memory_space<hbm>>
        %dma_start3A_117 = tpu.memref_squeeze %dma_start3A_116 : memref<1x1x32x1024xf32, #tpu.memory_space<hbm>> -> memref<32x1024xf32, #tpu.memory_space<hbm>>
        %dma_start3A_118 = arith.constant 0 : i32
        %dma_start3A_119 = arith.constant 0 : i32
        %dma_start3A_120 = tpu.memref_slice %arg2[%add3A_113, %add3A, %dma_start3A_118, %dma_start3A_119] : memref<98x32x32x1024xf32, #tpu.memory_space<hbm>> -> memref<1x1x32x1024xf32, #tpu.memory_space<hbm>>
        %dma_start3A_121 = tpu.memref_squeeze %dma_start3A_120 : memref<1x1x32x1024xf32, #tpu.memory_space<hbm>> -> memref<32x1024xf32, #tpu.memory_space<hbm>>
        tpu.enqueue_dma source(%dma_start3A_121 : memref<32x1024xf32, #tpu.memory_space<hbm>>) target(%arg7 : memref<32x1024xf32, #tpu.memory_space<vmem>>) target_semaphore(%arg17 : memref<!tpu.dma_semaphore, #tpu.memory_space<semaphore_mem>>)
      } else {
      }
      %scan3A_111 = arith.constant 0 : i32
      scf.yield %scan3A_111 : i32
    }
    %scan3A_51 = arith.constant 49 : i32
    %scan3A_52 = arith.constant 0 : i32
    %scan3A_53 = arith.constant 0 : i32
    %scan3A_54 = arith.constant 32 : i32
    %scan3A_55 = arith.addi %scan3A_53, %scan3A_54 : i32
    %scan3A_56 = arith.constant 1 : i32
    %scan3A_57 = scf.for %scan3A_59 = %scan3A_53 to %scan3A_55 step %scan3A_56 iter_args(%scan3A_60 = %scan3A_52) -> (i32)  : i32 {
      %mul3A_61 = arith.constant 192 : i32
      %mul3A_62 = arith.muli %scan3A_59, %mul3A_61 : i32
      %iota3A_63 = tpu.iota {dimensions = array<i32: 0>} : vector<16xi32>
      %broadcast_in_dim3A_64 = arith.constant 3.400000e+38 : f32
      %broadcast_in_dim3A_65 = vector.broadcast %broadcast_in_dim3A_64 : f32 to vector<16xf32>
      %broadcast_in_dim3A_66 = arith.constant 2147483647 : i32
      %broadcast_in_dim3A_67 = vector.broadcast %broadcast_in_dim3A_66 : i32 to vector<16xi32>
      %scan3A_68 = arith.constant -3.400000e+38 : f32
      %scan3A_69 = arith.constant -2147483648 : i32
      %scan3A_70 = arith.constant 0 : i32
      %scan3A_71 = arith.constant 8 : i32
      %scan3A_72 = arith.addi %scan3A_70, %scan3A_71 : i32
      %scan3A_73 = arith.constant 1 : i32
      %scan3A_74:4 = scf.for %scan3A_122 = %scan3A_70 to %scan3A_72 step %scan3A_73 iter_args(%scan3A_123 = %broadcast_in_dim3A_65, %scan3A_124 = %broadcast_in_dim3A_67, %scan3A_125 = %scan3A_68, %scan3A_126 = %scan3A_69) -> (vector<16xf32>, vector<16xi32>, f32, i32)  : i32 {
        %broadcast_in_dim3A_127 = arith.constant 3.400000e+38 : f32
        %broadcast_in_dim3A_128 = vector.broadcast %broadcast_in_dim3A_127 : f32 to vector<16xf32>
        %broadcast_in_dim3A_129 = arith.constant 2147483647 : i32
        %broadcast_in_dim3A_130 = vector.broadcast %broadcast_in_dim3A_129 : i32 to vector<16xi32>
        %scan3A_131 = arith.constant 0 : i32
        %scan3A_132 = arith.constant 12 : i32
        %scan3A_133 = arith.addi %scan3A_131, %scan3A_132 : i32
        %scan3A_134 = arith.constant 1 : i32
        %scan3A_135:2 = scf.for %scan3A_161 = %scan3A_131 to %scan3A_133 step %scan3A_134 iter_args(%scan3A_162 = %broadcast_in_dim3A_128, %scan3A_163 = %broadcast_in_dim3A_130) -> (vector<16xf32>, vector<16xi32>)  : i32 {
          %mul3A_164 = arith.constant 16 : i32
          %mul3A_165 = arith.muli %scan3A_161, %mul3A_164 : i32
          %add3A_166 = arith.addi %mul3A_62, %mul3A_165 : i32
          %get3A_167 = arith.index_cast %add3A_166 : i32 to index
          %get3A_168 = tpu.vector_load %arg8[%get3A_167] {strides = array<i32>} : memref<6144xf32, #tpu.memory_space<vmem>>, vector<16xf32>,
          %mul3A_169 = arith.constant 16 : i32
          %mul3A_170 = arith.muli %scan3A_161, %mul3A_169 : i32
          %add3A_171 = arith.addi %mul3A_62, %mul3A_170 : i32
          %get3A_172 = arith.index_cast %add3A_171 : i32 to index
          %get3A_173 = tpu.vector_load %arg9[%get3A_172] {strides = array<i32>} : memref<6144xi32, #tpu.memory_space<vmem>>, vector<16xi32>,
          %gt3A = vector.broadcast %scan3A_125 : f32 to vector<16xf32>
          %gt3A_174 = arith.cmpf ogt, %get3A_168, %gt3A : vector<16xf32>
          %eq3A_175 = vector.broadcast %scan3A_125 : f32 to vector<16xf32>
          %eq3A_176 = arith.cmpf oeq, %get3A_168, %eq3A_175 : vector<16xf32>
          %gt3A_177 = vector.broadcast %scan3A_126 : i32 to vector<16xi32>
          %gt3A_178 = arith.cmpi sgt, %get3A_173, %gt3A_177 : vector<16xi32>
          %and3A = arith.andi %eq3A_176, %gt3A_178 : vector<16xi1>
          %or3A = arith.ori %gt3A_174, %and3A : vector<16xi1>
          %jit3A_179 = arith.constant 3.400000e+38 : f32
          %broadcast_in_dim3A_180 = vector.broadcast %jit3A_179 : f32 to vector<16xf32>
          %select_n3A_181 = arith.select %or3A, %get3A_168, %broadcast_in_dim3A_180 : vector<16xi1>, vector<16xf32>
          %jit3A_182 = arith.constant 2147483647 : i32
          %broadcast_in_dim3A_183 = vector.broadcast %jit3A_182 : i32 to vector<16xi32>
          %select_n3A_184 = arith.select %or3A, %get3A_173, %broadcast_in_dim3A_183 : vector<16xi1>, vector<16xi32>
          %lt3A_185 = arith.cmpf olt, %select_n3A_181, %scan3A_162 : vector<16xf32>
          %eq3A_186 = arith.cmpf oeq, %select_n3A_181, %scan3A_162 : vector<16xf32>
          %lt3A_187 = arith.cmpi slt, %select_n3A_184, %scan3A_163 : vector<16xi32>
          %and3A_188 = arith.andi %eq3A_186, %lt3A_187 : vector<16xi1>
          %or3A_189 = arith.ori %lt3A_185, %and3A_188 : vector<16xi1>
          %select_n3A_190 = arith.select %or3A_189, %select_n3A_181, %scan3A_162 : vector<16xi1>, vector<16xf32>
          %select_n3A_191 = arith.select %or3A_189, %select_n3A_184, %scan3A_163 : vector<16xi1>, vector<16xi32>
          scf.yield %select_n3A_190, %select_n3A_191 : vector<16xf32>, vector<16xi32>
        }
        %scan3A_136 = arith.constant 12 : i32
        %reduce_min3A = arith.constant true
        %reduce_min3A_137 = vector.broadcast %reduce_min3A : i1 to vector<16xi1>
        %reduce_min3A_138 = tpu.scan <min>, %scan3A_135#0 masked %reduce_min3A_137 : vector<16xf32>, vector<16xi1> -> vector<16xf32>
        %reduce_min3A_139 = vector.extract %reduce_min3A_138[15] : f32 from vector<16xf32>
        %eq3A_140 = vector.broadcast %reduce_min3A_139 : f32 to vector<16xf32>
        %eq3A_141 = arith.cmpf oeq, %scan3A_135#0, %eq3A_140 : vector<16xf32>
        %jit3A_142 = arith.constant 2147483647 : i32
        %broadcast_in_dim3A_143 = vector.broadcast %jit3A_142 : i32 to vector<16xi32>
        %select_n3A_144 = arith.select %eq3A_141, %scan3A_135#1, %broadcast_in_dim3A_143 : vector<16xi1>, vector<16xi32>
        %reduce_min3A_145 = arith.constant true
        %reduce_min3A_146 = vector.broadcast %reduce_min3A_145 : i1 to vector<16xi1>
        %reduce_min3A_147 = arith.constant -2147483648 : i32
        %reduce_min3A_148 = vector.broadcast %reduce_min3A_147 : i32 to vector<16xi32>
        %reduce_min3A_149 = arith.xori %select_n3A_144, %reduce_min3A_148 : vector<16xi32>
        %reduce_min3A_150 = tpu.scan <min>, %reduce_min3A_149 masked %reduce_min3A_146 : vector<16xi32>, vector<16xi1> -> vector<16xi32>
        %reduce_min3A_151 = arith.xori %reduce_min3A_150, %reduce_min3A_148 : vector<16xi32>
        %reduce_min3A_152 = vector.extract %reduce_min3A_151[15] : i32 from vector<16xi32>
        %eq3A_153 = vector.broadcast %scan3A_122 : i32 to vector<16xi32>
        %eq3A_154 = arith.cmpi eq, %iota3A_63, %eq3A_153 : vector<16xi32>
        %broadcast_in_dim3A_155 = vector.broadcast %reduce_min3A_139 : f32 to vector<16xf32>
        %select_n3A_156 = arith.select %eq3A_154, %broadcast_in_dim3A_155, %scan3A_123 : vector<16xi1>, vector<16xf32>
        %eq3A_157 = vector.broadcast %scan3A_122 : i32 to vector<16xi32>
        %eq3A_158 = arith.cmpi eq, %iota3A_63, %eq3A_157 : vector<16xi32>
        %broadcast_in_dim3A_159 = vector.broadcast %reduce_min3A_152 : i32 to vector<16xi32>
        %select_n3A_160 = arith.select %eq3A_158, %broadcast_in_dim3A_159, %scan3A_124 : vector<16xi1>, vector<16xi32>
        scf.yield %select_n3A_156, %select_n3A_160, %reduce_min3A_139, %reduce_min3A_152 : vector<16xf32>, vector<16xi32>, f32, i32
      }
      %scan3A_75 = arith.constant 8 : i32
      %get3A = arith.index_cast %scan3A_59 : i32 to index
      %get3A_76 = arith.constant 0 : index
      %get3A_77 = tpu.vector_load %arg11[%get3A, %get3A_76] {strides = array<i32>} : memref<32x16xf32, #tpu.memory_space<vmem>>, vector<16xf32>,
      %mul3A_78 = arith.mulf %get3A_77, %get3A_77 : vector<16xf32>
      %reduce_sum3A = arith.constant true
      %reduce_sum3A_79 = vector.broadcast %reduce_sum3A : i1 to vector<16xi1>
      %reduce_sum3A_80 = tpu.scan <sum>, %mul3A_78 masked %reduce_sum3A_79 : vector<16xf32>, vector<16xi1> -> vector<16xf32>
      %reduce_sum3A_81 = vector.extract %reduce_sum3A_80[15] : f32 from vector<16xf32>
      %add3A_82 = vector.broadcast %reduce_sum3A_81 : f32 to vector<16xf32>
      %add3A_83 = arith.addf %scan3A_74#0, %add3A_82 : vector<16xf32>
      %max3A = arith.constant 9.99999997E-7 : f32
      %max3A_84 = vector.broadcast %max3A : f32 to vector<16xf32>
      %max3A_85 = arith.maximumf %add3A_83, %max3A_84 : vector<16xf32>
      %div3A = arith.constant 1.000000e+00 : f32
      %div3A_86 = vector.broadcast %div3A : f32 to vector<16xf32>
      %div3A_87 = arith.divf %div3A_86, %max3A_85 : vector<16xf32>
      %lt3A = arith.constant 8 : i32
      %lt3A_88 = vector.broadcast %lt3A : i32 to vector<16xi32>
      %lt3A_89 = arith.cmpi slt, %iota3A, %lt3A_88 : vector<16xi32>
      %jit3A = arith.constant 0 : i32
      %broadcast_in_dim3A_90 = vector.broadcast %jit3A : i32 to vector<16xi32>
      %select_n3A = arith.select %lt3A_89, %scan3A_74#1, %broadcast_in_dim3A_90 : vector<16xi1>, vector<16xi32>
      %swap3A = arith.constant 0 : index
      %swap3A_91 = tpu.vector_load %arg12[%swap3A] {strides = array<i32>} : memref<16xi32, #tpu.memory_space<vmem>>, vector<16xi32>,
      tpu.vector_store %arg12[%swap3A], %select_n3A {strides = array<i32>} : memref<16xi32, #tpu.memory_space<vmem>>, vector<16xi32>,
      %dma_start3A_92 = arith.constant 0 : i32
      %dma_start3A_93 = tpu.memref_slice %arg4[%dma_start3A_92] : memref<100000xi32, #tpu.memory_space<hbm>> -> memref<100000xi32, #tpu.memory_space<hbm>>
      tpu.enqueue_indirect_dma source(%dma_start3A_93 : memref<100000xi32, #tpu.memory_space<hbm>>) target(%arg13 : memref<16xi32, #tpu.memory_space<vmem>>) offsets(%arg12 : memref<16xi32, #tpu.memory_space<vmem>>) semaphore(%arg18 : memref<!tpu.dma_semaphore, #tpu.memory_space<semaphore_mem>>)
      %dma_wait3A = arith.constant 0 : i32
      %dma_wait3A_94 = tpu.memref_slice %arg4[%dma_wait3A] : memref<100000xi32, #tpu.memory_space<hbm>> -> memref<100000xi32, #tpu.memory_space<hbm>>
      tpu.wait_indirect_dma semaphore(%arg18 : memref<!tpu.dma_semaphore, #tpu.memory_space<semaphore_mem>>) src(%dma_wait3A_94 : memref<100000xi32, #tpu.memory_space<hbm>>) dst(%arg13 : memref<16xi32, #tpu.memory_space<vmem>>)
      %get3A_95 = arith.constant 0 : index
      %get3A_96 = tpu.vector_load %arg13[%get3A_95] {strides = array<i32>} : memref<16xi32, #tpu.memory_space<vmem>>, vector<16xi32>,
      %broadcast_in_dim3A_97 = vector.broadcast %scan3A_59 : i32 to vector<16xi32>
      %eq3A = arith.constant 0 : i32
      %eq3A_98 = vector.broadcast %eq3A : i32 to vector<16xi32>
      %eq3A_99 = arith.cmpi eq, %iota3A, %eq3A_98 : vector<16xi32>
      tpu.vector_store_idx %arg10[%broadcast_in_dim3A_97, %get3A_96], %div3A_87 masked %eq3A_99 {add = true} : memref<32x1024xf32, #tpu.memory_space<vmem>>[vector<16xi32>, vector<16xi32>], vector<16xf32>, vector<16xi1>
      %eq3A_100 = arith.constant 1 : i32
      %eq3A_101 = vector.broadcast %eq3A_100 : i32 to vector<16xi32>
      %eq3A_102 = arith.cmpi eq, %iota3A, %eq3A_101 : vector<16xi32>
      tpu.vector_store_idx %arg10[%broadcast_in_dim3A_97, %get3A_96], %div3A_87 masked %eq3A_102 {add = true} : memref<32x1024xf32, #tpu.memory_space<vmem>>[vector<16xi32>, vector<16xi32>], vector<16xf32>, vector<16xi1>
      %eq3A_103 = arith.constant 2 : i32
      %eq3A_104 = vector.broadcast %eq3A_103 : i32 to vector<16xi32>
      %eq3A_105 = arith.cmpi eq, %iota3A, %eq3A_104 : vector<16xi32>
      tpu.vector_store_idx %arg10[%broadcast_in_dim3A_97, %get3A_96], %div3A_87 masked %eq3A_105 {add = true} : memref<32x1024xf32, #tpu.memory_space<vmem>>[vector<16xi32>, vector<16xi32>], vector<16xf32>, vector<16xi1>
      %eq3A_106 = arith.constant 3 : i32
      %eq3A_107 = vector.broadcast %eq3A_106 : i32 to vector<16xi32>
      %eq3A_108 = arith.cmpi eq, %iota3A, %eq3A_107 : vector<16xi32>
      tpu.vector_store_idx %arg10[%broadcast_in_dim3A_97, %get3A_96], %div3A_87 masked %eq3A_108 {add = true} : memref<32x1024xf32, #tpu.memory_space<vmem>>[vector<16xi32>, vector<16xi32>], vector<16xf32>, vector<16xi1>
      %eq3A_109 = arith.constant 4 : i32
      %eq3A_110 = vector.broadcast %eq3A_109 : i32 to vector<16xi32>
      %eq3A_111 = arith.cmpi eq, %iota3A, %eq3A_110 : vector<16xi32>
      tpu.vector_store_idx %arg10[%broadcast_in_dim3A_97, %get3A_96], %div3A_87 masked %eq3A_111 {add = true} : memref<32x1024xf32, #tpu.memory_space<vmem>>[vector<16xi32>, vector<16xi32>], vector<16xf32>, vector<16xi1>
      %eq3A_112 = arith.constant 5 : i32
      %eq3A_113 = vector.broadcast %eq3A_112 : i32 to vector<16xi32>
      %eq3A_114 = arith.cmpi eq, %iota3A, %eq3A_113 : vector<16xi32>
      tpu.vector_store_idx %arg10[%broadcast_in_dim3A_97, %get3A_96], %div3A_87 masked %eq3A_114 {add = true} : memref<32x1024xf32, #tpu.memory_space<vmem>>[vector<16xi32>, vector<16xi32>], vector<16xf32>, vector<16xi1>
      %eq3A_115 = arith.constant 6 : i32
      %eq3A_116 = vector.broadcast %eq3A_115 : i32 to vector<16xi32>
      %eq3A_117 = arith.cmpi eq, %iota3A, %eq3A_116 : vector<16xi32>
      tpu.vector_store_idx %arg10[%broadcast_in_dim3A_97, %get3A_96], %div3A_87 masked %eq3A_117 {add = true} : memref<32x1024xf32, #tpu.memory_space<vmem>>[vector<16xi32>, vector<16xi32>], vector<16xf32>, vector<16xi1>
      %eq3A_118 = arith.constant 7 : i32
      %eq3A_119 = vector.broadcast %eq3A_118 : i32 to vector<16xi32>
      %eq3A_120 = arith.cmpi eq, %iota3A, %eq3A_119 : vector<16xi32>
      tpu.vector_store_idx %arg10[%broadcast_in_dim3A_97, %get3A_96], %div3A_87 masked %eq3A_120 {add = true} : memref<32x1024xf32, #tpu.memory_space<vmem>>[vector<16xi32>, vector<16xi32>], vector<16xf32>, vector<16xi1>
      %scan3A_121 = arith.constant 0 : i32
      scf.yield %scan3A_121 : i32
    }
    %scan3A_58 = arith.constant 32 : i32
    "tpu.region"() ({
      %run_scoped3A = tpu.sem_alloc : memref<!tpu.dma_semaphore, #tpu.memory_space<semaphore_mem>>
      %dma_start3A_59 = arith.constant 0 : i32
      %dma_start3A_60 = tpu.memref_slice %arg5[%mul3A_2, %dma_start3A_59] : memref<1024x1024xf32, #tpu.memory_space<hbm>> -> memref<32x1024xf32, #tpu.memory_space<hbm>>
      %dma_start3A_61 = arith.constant 0 : i32
      %dma_start3A_62 = tpu.memref_slice %arg5[%mul3A_2, %dma_start3A_61] : memref<1024x1024xf32, #tpu.memory_space<hbm>> -> memref<32x1024xf32, #tpu.memory_space<hbm>>
      tpu.enqueue_dma source(%arg10 : memref<32x1024xf32, #tpu.memory_space<vmem>>) target(%dma_start3A_62 : memref<32x1024xf32, #tpu.memory_space<hbm>>) target_semaphore(%run_scoped3A : memref<!tpu.dma_semaphore, #tpu.memory_space<semaphore_mem>>)
      %dma_wait3A = arith.constant 0 : i32
      %dma_wait3A_63 = tpu.memref_slice %arg5[%mul3A_2, %dma_wait3A] : memref<1024x1024xf32, #tpu.memory_space<hbm>> -> memref<32x1024xf32, #tpu.memory_space<hbm>>
      %dma_wait3A_64 = arith.constant 0 : i32
      %dma_wait3A_65 = tpu.memref_slice %arg5[%mul3A_2, %dma_wait3A_64] : memref<1024x1024xf32, #tpu.memory_space<hbm>> -> memref<32x1024xf32, #tpu.memory_space<hbm>>
      tpu.wait_dma2 semaphore(%run_scoped3A : memref<!tpu.dma_semaphore, #tpu.memory_space<semaphore_mem>>) src(%arg10 : memref<32x1024xf32, #tpu.memory_space<vmem>>) dst(%dma_wait3A_65 : memref<32x1024xf32, #tpu.memory_space<hbm>>)
      tpu.yield
    }) : () -> ()
    return
  }
}

module attributes {stable_mosaic.version = 14 : i64} {
  func.func @_tc_dist_body(%arg0: i32, %arg1: memref<1024x16xf32, #tpu.memory_space<vmem>>, %arg2: memref<1024x16xf32, #tpu.memory_space<vmem>>, %arg3: memref<1x1024xf32, #tpu.memory_space<vmem>>, %arg4: memref<1x32x32x1024xf32, #tpu.memory_space<vmem>>) attributes {dimension_semantics = [#tpu.dimension_semantics<arbitrary>], iteration_bounds = array<i64: 98>, scalar_prefetch = 0 : i64, scratch_operands = 0 : i64, tpu.core_type = #tpu.core_type<tc>, window_params = [{pipeline_mode = #tpu.pipeline_mode<synchronous>, transform_indices = @transform_0, window_bounds = array<i64: 1024, 16>}, {transform_indices = @transform_1, window_bounds = array<i64: 1024, 16>}, {transform_indices = @transform_2, window_bounds = array<i64: 1, 1024>}, {transform_indices = @transform_3, window_bounds = array<i64: 1, 32, 32, 1024>}]} {
    %get3A = arith.constant 0 : index
    %get3A_0 = arith.constant 0 : index
    %get3A_1 = vector.load %arg1[%get3A, %get3A_0] : memref<1024x16xf32, #tpu.memory_space<vmem>>, vector<1024x16xf32>
    %get3A_2 = arith.constant 0 : index
    %get3A_3 = arith.constant 0 : index
    %get3A_4 = vector.load %arg2[%get3A_2, %get3A_3] : memref<1024x16xf32, #tpu.memory_space<vmem>>, vector<1024x16xf32>
    %dot_general3A = arith.constant dense<0.000000e+00> : vector<1024x1024xf32>
    %dot_general3A_5 = tpu.matmul %get3A_1, %get3A_4, %dot_general3A {dimension_numbers = #tpu.dot_dimension_numbers<[1], [1], [0], [0], [0, 0, 1, 0], [], []>, transpose_lhs_hint = false} : vector<1024x16xf32>, vector<1024x16xf32>, vector<1024x1024xf32> -> vector<1024x1024xf32>
    %get3A_6 = arith.constant 0 : index
    %get3A_7 = arith.constant 0 : index
    %get3A_8 = vector.load %arg3[%get3A_6, %get3A_7] : memref<1x1024xf32, #tpu.memory_space<vmem>>, vector<1x1024xf32>
    %mul3A = arith.constant 2.000000e+00 : f32
    %mul3A_9 = vector.broadcast %mul3A : f32 to vector<1024x1024xf32>
    %mul3A_10 = arith.mulf %mul3A_9, %dot_general3A_5 : vector<1024x1024xf32>
    %sub3A = vector.broadcast %get3A_8 : vector<1x1024xf32> to vector<1024x1024xf32>
    %sub3A_11 = arith.subf %sub3A, %mul3A_10 : vector<1024x1024xf32>
    %reshape3A = vector.shape_cast %sub3A_11 : vector<1024x1024xf32> to vector<1x32x32x1024xf32>
    %swap3A = arith.constant 0 : index
    %swap3A_12 = arith.constant 0 : index
    %swap3A_13 = arith.constant 0 : index
    %swap3A_14 = arith.constant 0 : index
    %swap3A_15 = vector.load %arg4[%swap3A, %swap3A_12, %swap3A_13, %swap3A_14] : memref<1x32x32x1024xf32, #tpu.memory_space<vmem>>, vector<1x32x32x1024xf32>
    tpu.vector_store %arg4[%swap3A, %swap3A_12, %swap3A_13, %swap3A_14], %reshape3A {strides = array<i32>} : memref<1x32x32x1024xf32, #tpu.memory_space<vmem>>, vector<1x32x32x1024xf32>,
    return
  }
  func.func @transform_0(%arg0: i32) -> (i32, i32) {
    %c0_i32 = arith.constant 0 : i32
    %c0_i32_0 = arith.constant 0 : i32
    %c0_i32_1 = arith.constant 0 : i32
    return %c0_i32, %c0_i32_0 : i32, i32
  }
  func.func @transform_1(%arg0: i32) -> (i32, i32) {
    %c0_i32 = arith.constant 0 : i32
    %c0_i32_0 = arith.constant 0 : i32
    return %arg0, %c0_i32 : i32, i32
  }
  func.func @transform_2(%arg0: i32) -> (i32, i32) {
    %c0_i32 = arith.constant 0 : i32
    %c0_i32_0 = arith.constant 0 : i32
    return %c0_i32, %arg0 : i32, i32
  }
  func.func @transform_3(%arg0: i32) -> (i32, i32, i32, i32) {
    %c0_i32 = arith.constant 0 : i32
    %c0_i32_0 = arith.constant 0 : i32
    %c0_i32_1 = arith.constant 0 : i32
    %c0_i32_2 = arith.constant 0 : i32
    return %arg0, %c0_i32, %c0_i32_0, %c0_i32_1 : i32, i32, i32, i32
  }
}

</mosaic_0001>

<sc_bundles>
// kernel: kernel.4.cloned.1.call-start
scs
__scs_entry_jumppad:
0x0: {  	(pc) =	sbr.rel $0x88, $3  }
0x1: {  	(tag) =	ssettag $0x0;
	lr =	simm.s32 $0x1  }
0x2: {  	[smem:$0x3F9E] =	sst lr;
	_ =	strace $0xD0000000  }
0x3: {  	_ = 	snop  }
0x4: {  	_ = 	snop  }
0x5: {  	_ = 	snop  }
0x6: {  	_ = 	snop  }
0x7: {  	_ = 	snop  }
__scs_overlays_trampoline_lowered:
0x8: {  	[smem:$0x3FAD] =	sst s0  }
0x9: {  	[smem:$0x3FAE] =	sst s1  }
0xa: {  	[smem:$0x3FAF] =	sst s2  }
0xb: {  	[smem:$0x3FB0] =	sst s3  }
0xc: {  	[smem:$0x3FB1] =	sst s4  }
0xd: {  	[smem:$0x3FB2] =	sst s5  }
0xe: {  	[smem:$0x3FB3] =	sst s6  }
0xf: {  	[smem:$0x3FB4] =	sst s7  }
0x10: {  	[smem:$0x3FB5] =	sst s8  }
0x11: {  	[smem:$0x3FB6] =	sst s9;
	s0 =	simm.s32 @!p0 $0x0  }
0x12: {  	s1 =	sld [smem:$0x3F9C];
	s0 =	simm.s32 @p0 $0x1  }
0x13: {  	[smem:$0x3FB7] =	sst s0;
	s0 =	simm.s32 @!p1 $0x0  }
0x14: {  	s2 =	sld [smem:$0x3F9B];
	s0 =	simm.s32 @p1 $0x1  }
0x15: {  	[smem:$0x3FB8] =	sst s0;
	s0 =	simm.s32 @!p2 $0x0  }
0x16: {  	s3 =	sld [smem:$0x3FDB];
	s0 =	simm.s32 @p2 $0x1  }
0x17: {  	s4 =	simm.s32 $0x1BF5;
	[smem:$0x3FBA] =	sst s0  }
0x18: {  	s0 =	sld [smem:$0x3F9D];
	_ =	swait.ge [sflag:s4], $0x0  }
0x19: {  	s7 =	sld [smem:$0x3F9E]  }
0x1a: {  	s8 =	sadd.s32 $0xFFFFE003, lr  }
0x1b: {  	s9 =	sadd.s32 $0xFFFFFEF7, lr;
	s5 =	simm.s32 $0xFFFFFFFF;
	p2 =	slt.u32 s8, $0xFFFFF086  }
0x1c: {  	p1 =	slt.u32 s9, $0xF7A;
	s5 =	simm.s32 @!p2 $0x0  }
0x1d: {  	s5 =	simm.s32 @p1 $0x1;
	p0 =	seq.s32 s7, s2  }
0x1e: {  	s7 =	smul.u32 @!p0 $0xF7A, s2;
	p2 =	seq.s32 @!p0 s5, $0x0  }
0x1f: {  	s9 =	smul.u32 $0xF7A, s1;
	s8 =	simm.s32 @!p0 $0x1BF5;
	p2 =	por !p2, p0  }
0x20: {  	[sflag:s8] =	ssyncset.s32 @!p0 $0xFFFFF086;
	s6 =	sadd.s32 @!p0 s3, s7;
	s7 =	simm.s32 @!p0 $0x108  }
0x21: {  	s3 =	sadd.s32 s3, s9;
	s6 =	sadd.s32 @!p0 $0x88, s6;
	s7 =	simm.s32 @p2 $0x1082  }
0x22: {  	[simem:s7], [sflag:s8] =	dma.local @!p0 [hbm:s6], $0xF7A  }
0x23: {  	s9 =	sor.u32 $0xD0000000, s2;
	s6 =	simm.s32 $0x108;
	_ =	swait.ge @!p0 [sflag:s8], $0x0  }
0x24: {  	s3 =	sadd.s32 $0x88, s3;
	s6 =	simm.s32 @!p1 $0x1082;
	[sflag:s4] =	ssyncset.s32 $0xFFFFF086  }
0x25: {  	[simem:s6], [sflag:s4] =	dma.local [hbm:s3], $0xF7A  }
0x26: {  	[smem:$0x3F9E] =	sst s1;
	(tag) =	ssettag s2;
	_ =	strace s9  }
0x27: {  	s1 =	sld [smem:$0x3FAE]  }
0x28: {  	s2 =	sld [smem:$0x3FAF]  }
0x29: {  	s4 =	sld [smem:$0x3FB1]  }
0x2a: {  	p0 =	seq.s32 s5, $0x0;
	s5 =	sld [smem:$0x3FB2]  }
0x2b: {  	s6 =	sld [smem:$0x3FB3]  }
0x2c: {  	s7 =	sld [smem:$0x3FB4]  }
0x2d: {  	s3 =	simm.s32 $0x108;
	s8 =	sld [smem:$0x3FB5]  }
0x2e: {  	s3 =	simm.s32 @!p0 $0x1082;
	s9 =	sld [smem:$0x3FB6]  }
0x2f: {  	lr =	sadd.s32 s0, s3;
	s0 =	sld [smem:$0x3FAD]  }
0x30: {  	s3 =	sld [smem:$0x3FB0]  }
0x31: {  	[smem:$0x3FB9] =	sst s10  }
0x32: {  	s10 =	sld [smem:$0x3FB7];
	_ =	sdelay $0x3  }
0x33: {  	p0 =	seq.s32 s10, $0x1;
	s10 =	sld [smem:$0x3FB9];
	_ =	sdelay $0x3  }
0x34: {  	[smem:$0x3FB9] =	sst s10  }
0x35: {  	s10 =	sld [smem:$0x3FB8];
	_ =	sdelay $0x3  }
0x36: {  	p1 =	seq.s32 s10, $0x1;
	s10 =	sld [smem:$0x3FB9];
	_ =	sdelay $0x3  }
0x37: {  	[smem:$0x3FB9] =	sst s10  }
0x38: {  	s10 =	sld [smem:$0x3FBA]  }
0x39: {  	_ = 	snop;
	(pc) =	sbr.ind lr, $3  }
0x3a: {  	_ = 	snop  }
0x3b: {  	_ = 	snop  }
0x3c: {  	p2 =	seq.s32 s10, $0x1;
	s10 =	sld [smem:$0x3FB9]  }
0x3d: {  	_ =	shalt  }
0x3e: {  	_ =	shalt  }
0x3f: {  	_ =	shalt  }
0x40: {  	_ =	shalt  }
0x41: {  	_ =	shalt  }
0x42: {  	_ =	shalt  }
0x43: {  	_ =	shalt  }
0x44: {  	_ =	shalt  }
0x45: {  	_ =	shalt  }
0x46: {  	_ =	shalt  }
0x47: {  	_ =	shalt  }
0x48: {  	_ =	shalt  }
0x49: {  	_ =	shalt  }
0x4a: {  	_ =	shalt  }
0x4b: {  	_ =	shalt  }
0x4c: {  	_ =	shalt  }
0x4d: {  	_ =	shalt  }
0x4e: {  	_ =	shalt  }
0x4f: {  	_ =	shalt  }
0x50: {  	_ =	shalt  }
0x51: {  	_ =	shalt  }
0x52: {  	_ =	shalt  }
0x53: {  	_ =	shalt  }
0x54: {  	_ =	shalt  }
0x55: {  	_ =	shalt  }
0x56: {  	_ =	shalt  }
0x57: {  	_ =	shalt  }
0x58: {  	_ =	shalt  }
0x59: {  	_ =	shalt  }
0x5a: {  	_ =	shalt  }
0x5b: {  	_ =	shalt  }
0x5c: {  	_ =	shalt  }
0x5d: {  	_ =	shalt  }
0x5e: {  	_ =	shalt  }
0x5f: {  	_ =	shalt  }
0x60: {  	_ =	shalt  }
0x61: {  	_ =	shalt  }
0x62: {  	_ =	shalt  }
0x63: {  	_ =	shalt  }
0x64: {  	_ =	shalt  }
0x65: {  	_ =	shalt  }
0x66: {  	_ =	shalt  }
0x67: {  	_ =	shalt  }
0x68: {  	_ =	shalt  }
0x69: {  	_ =	shalt  }
0x6a: {  	_ =	shalt  }
0x6b: {  	_ =	shalt  }
0x6c: {  	_ =	shalt  }
0x6d: {  	_ =	shalt  }
0x6e: {  	_ =	shalt  }
0x6f: {  	_ =	shalt  }
0x70: {  	_ =	shalt  }
0x71: {  	_ =	shalt  }
0x72: {  	_ =	shalt  }
0x73: {  	_ =	shalt  }
0x74: {  	_ =	shalt  }
0x75: {  	_ =	shalt  }
0x76: {  	_ =	shalt  }
0x77: {  	_ =	shalt  }
0x78: {  	_ =	shalt  }
0x79: {  	_ =	shalt  }
0x7a: {  	_ =	shalt  }
0x7b: {  	_ =	shalt  }
0x7c: {  	_ =	shalt  }
0x7d: {  	_ =	shalt  }
0x7e: {  	_ =	shalt  }
0x7f: {  	_ =	shalt  }
0x80: {  	_ =	shalt  }
0x81: {  	_ =	shalt  }
0x82: {  	_ =	shalt  }
0x83: {  	_ =	shalt  }
0x84: {  	_ =	shalt  }
0x85: {  	_ =	shalt  }
0x86: {  	_ =	shalt  }
0x87: {  	_ =	shalt  }
.Lfunc_end0:
.L_simem_size_0:
called_computation_lowered:
.L_overlay_start_0:
0x88: {  	s2 =	sld [smem:$0x3FD9]  }
0x89: {  	s3 =	sld [smem:$0x3FFE];
	_ =	sdelay $0x1  }
0x8a: {  	s1 =	srdreg.scid  }
0x8b: {  	s0 =	sand.u32 $0x1, s1  }
0x8c: {  	s17 =	sshll.u32 s0, $0xA;
	s2 =	sadd.s32 s3, s2  }
0x8d: {  	s2 =	sadd.s32 s2, s17  }
0x8e: {  	[smem:$0x3FC5] =	sst s2  }
0x8f: {  	_ = 	snop  }
0x90: {  	s2 =	sld [smem:$0x3FC7]  }
0x91: {  	s18 =	sld [smem:$0x3FD0];
	(tm) =	ssettm $0x1  }
0x92: {  	s4 =	sld [smem:$0x3FFB];
	_ =	sdelay $0x3  }
0x93: {  	_ =	strace s4  }
0x94: {  	s4 =	sld [smem:$0x3FFC];
	_ =	sdelay $0x3  }
0x95: {  	_ =	strace s4  }
0x96: {  	s4 =	sld [smem:$0x3FFD];
	_ =	sdelay $0x3  }
0x97: {  	_ =	strace s4  }
0x98: {  	_ =	strace $0x8FFFFFFF  }
0x99: {  	s19 =	sld [smem:$0x3FDB];
	_ =	sdelay $0x1  }
0x9a: {  	s5 =	simm.s32 $_scs_section_size  }
0x9b: {  	s6 =	simm.s32 $_size__tile_overlayer_lowered;
	s7 =	simm.s32 $_tile_overlayer_lowered  }
0x9c: {  	s22 =	simm.s32 $0x1BFF;
	s21 =	sshll.u32 s7, $0x1;
	s4 =	sadd.s32 s5, s19  }
0x9d: {  	s8 =	simm.s32 $0x0;
	s20 =	sshll.u32 s6, $0x1;
	s6 =	sadd.s32 s21, s4  }
0x9e: {  	[timem:s8], [sflag:s22] =	dma.local [hbm:s6], s20  }
0x9f: {  	_ =	swait.ge [sflag:s22], s20  }
0xa0: {  	s5 =	ssub.s32 $0x0, s20;
	[sflag:s22] =	ssyncset.done $0x0  }
0xa1: {  	[sflag:s22] =	ssyncadd.s32 s5;
	_ =	sdelay $0x1  }
0xa2: {  	s23 =	simm.s32 $0x1B8B  }
0xa3: {  	_ =	swait.ge [sflag:s23], $0x1  }
0xa4: {  	[sflag:s23] =	ssyncset.done $0x0  }
0xa5: {  	s25 =	simm.s32 $0x1B8E;
	s24 =	sld [smem:$0x3FFE];
	[sflag:s23] =	ssyncadd.s32 $0xFFFFFFFF  }
0xa6: {  	s26 =	simm.s32 $execute0_lowered;
	[smem:$0x3FD2] =	sst s25  }
0xa7: {  	s6 =	sshll.u32 s26, $0x1;
	_ =	strace $0x80000046;
	[dreg:$0x1] =	wrdreg $0xFFFFFFFF  }
0xa8: {  	s28 =	simm.s32 $_size_execute0_lowered;
	s4 =	sadd.s32 s4, s6;
	[dreg:$0x0] =	wrdreg $0x0  }
0xa9: {  	s6 =	sshll.u32 s28, $0x1;
	[dreg:$0x2] =	wrdreg s4  }
0xaa: {  	[dreg:$0x3] =	wrdreg s6  }
0xab: {  	[dreg:$0x4] =	wrdreg $0xC0  }
0xac: {  	_ =	task [dreg:s8], $0x5FFFF  }
0xad: {  	[dreg:$0x1] =	wrdreg $0xFFFFFFFF  }
0xae: {  	[dreg:$0x0] =	wrdreg $0x60  }
0xaf: {  	[dreg:$0x2] =	wrdreg s24  }
0xb0: {  	[dreg:$0x3] =	wrdreg s18  }
0xb1: {  	[dreg:$0x4] =	wrdreg s2  }
0xb2: {  	[dreg:$0x5] =	wrdreg $0x9  }
0xb3: {  	_ =	task.clear_ibuf [dreg:s8], $0x6FFFF;
	_ =	strace $0x90000046  }
0xb4: {  	s29 =	simm.s32 $0x9;
	_ =	strace $0x80000048  }
0xb5: {  	_ =	swait.ge [sflag:s29], $0x1  }
0xb6: {  	[sflag:s29] =	ssyncadd.s32 $0xFFFFFFFF  }
0xb7: {  	_ =	strace $0x90000048  }
0xb8: {  	_ =	sfence  }
0xb9: {  	s30 =	sld [smem:$0x0];
	_ =	sdelay $0x2  }
0xba: {  	s31 =	sshll.u32 s1, $0xD;
	s1 =	sshrl.u32 s1, $0x2  }
0xbb: {  	s3 =	sand.u32 $0x4000, s31;
	s1 =	sadd.s32 s1, s30  }
0xbc: {  	s0 =	sor.u32 s3, s0;
	s1 =	sshll.u32 s1, $0x11  }
0xbd: {  	s0 =	sor.u32 s1, s0  }
0xbe: {  	s0 =	sadd.s32 $0x8F2B, s0  }
0xbf: {  	[sflag:s0] =	ssyncadd.remote.s32 $0x1  }
0xc0: {  	_ =	sfence.sel $0xFFFF  }
0xc1: {  	[dreg:$0x0] =	wrdreg $0xFFFFFFFF;
	(pc) =	sbr.abs _section_cstart, $3  }
0xc2: {  	[dreg:$0x1] =	wrdreg $0xFFFFFFFF  }
0xc3: {  	_ =	task.clear_ibuf [dreg:s8], $0x2FFFF;
	_ =	strace $0x9FFFFFFF  }
0xc4: {  	(tm) =	ssettm $0x7FFFFFFF  }
0xc5: {  	_ =	shalt  }
tec
execute0_lowered:
.L_overlay_start_1:
0x0: {  	(tag) =	ssettag $0x1  }
0x1: {  	s0 =	rddreg [dreg:$0x0]  }
0x2: {  	s1 =	rddreg [dreg:$0x1]  }
0x3: {  	s2 =	rddreg [dreg:$0x2]  }
0x4: {  	s4 =	srdreg.scid;
	s3 =	simm.s32 $0x0;
	s6 =	stileid.u32  }
0x5: {  	s13 =	simm.s32 $0x4;
	s14 =	simm.s32 $0x7F7FC99E;
	s15 =	simm.s32 $0x8000  }
0x6: {  	s16 =	simm.s32 $0x1;
	s17 =	simm.s32 $0x2;
	s18 =	simm.s32 $0x10  }
0x7: {  	s19 =	simm.s32 $0x1C000;
	s20 =	simm.s32 $0x1C080;
	s21 =	simm.s32 $0x3  }
0x8: {  	s22 =	simm.s32 $0x13000;
	s23 =	simm.s32 $0x0;
	s4 =	sand.u32 $0x1, s4  }
0x9: {  	[smem:$0x7FF] =	sst s3;
	s6 =	sshll.u32 s6, $0x1;
	s5 =	ssub.s32 $0x2, s4  }
0xa: {  	_ =	strace $0x80000047;
	s6 =	sor.u32 s4, s6;
	s4 =	sadd.s32 $0x188000, s0  }
0xb: {  	s7 =	sshrl.u32 s5, $0x1;
	s10 =	sshll.u32 s6, $0xC;
	s8 =	sshll.u32 s6, $0x9  }
0xc: {  	s6 =	sshll.u32 s6, $0xF;
	s7 =	ssub.s32 s5, s7;
	s1 =	sadd.s32 s1, s8  }
0xd: {  	v0 =	vimm.f32 $0.0e+00;
	v1 =	vimm.f32 $3.399999950e+38;
	v2 =	vimm.s32 $0x7FFFFFFF;
	s5 =	sadd.s32 s4, s10;
	s0 =	sadd.s32 s0, s10;
	[dreg:$0x4] =	wrdreg s1  }
0xe: {  	v3 =	vlaneseq.u32;
	vm2 =	vcmask $0xF0C;
	vm3 =	vcmask $0x1310;
	s8 =	sor.u32 $0x200000, s6;
	s31 =	sadd.s32 $0x20000, s5;
	[dreg:$0x6] =	wrdreg s0  }
0xf: {  	vm4 =	vcmask $0x1714;
	vm5 =	vcmask $0x1B18;
	vm6 =	vcmask $0x1F1C;
	s9 =	sor.u32 $0x300000, s6;
	s11 =	smax.u32 s7, $0x1;
	[dreg:$0x5] =	wrdreg s31  }
.LBB2_1:
0x10: {  	s0 =	rddreg [dreg:$0x4];
	s1 =	simm.s32 $0x1B000  }
0x11: {  	[tilespmem:s1], [sflag:$0x4] =	stream.linear.gather [hbm4b:s0+s3], $0x1000, $0x38;
	[tilespmem:$0x1C100] =	vst v63  }
0x12: {  	_ =	swait.ge [sflag:s13], $0x1000  }
0x13: {  	[sflag:s13] =	ssyncset.done $0x0  }
0x14: {  	s0 =	simm.s32 $0x0;
	[sflag:s13] =	ssyncadd.s32 $0xFFFFF000  }
.LBB2_2:
0x15: {  	s1 =	sshll.u32 s0, $0xA;
	s6 =	sshll.u32 s0, $0x7  }
0x16: {  	s1 =	sand.u32 $0x6000, s1;
	s6 =	sand.u32 $0x380, s6  }
0x17: {  	s6 =	sor.u32 s6, s1;
	s1 =	simm.s32 $0x0  }
0x18: {  	s6 =	sadd.s32 $0x13000, s6;
	s7 =	sand.u32 $0x1C00, s1  }
0x19: {  	s24 =	sand.u32 $0x70, s1;
	s7 =	sadd.s32 s7, s6  }
0x1a: {  	s12 =	simm.s32 $0x10;
	s7 =	sadd.s32 s24, s7  }
.LBB2_3:
0x1b: {  	p0 =	sne.s32 s12, $0x3F0  }
0x1c: {  	[tilespmem:s7+$0x0] =	vst v0;
	s1 =	sadd.s32 $0x80, s1;
	s7 =	smov.u32 s12;
	s12 =	sadd.s32 $0x10, s12  }
.Ltmp0:
0x1d: {  	(pc) =	sbr.rel @p0 .LBB2_3-.Ltmp0, $4  }
0x1e: {  	_ = 	snop  }
0x1f: {  	s24 =	sand.u32 $0x1C00, s1  }
0x20: {  	s7 =	sand.u32 $0x70, s7;
	s24 =	sadd.s32 s24, s6  }
0x21: {  	s7 =	sadd.s32 s7, s24  }
0x22: {  	s0 =	sadd.s32 $0x1, s0  }
0x23: {  	p0 =	sne.s32 s0, $0x20  }
.Ltmp1:
0x24: {  	_ = 	snop;
	(pc) =	sbr.rel @p0 .LBB2_2-.Ltmp1, $2  }
0x25: {  	_ =	sdelay $0x2  }
0x26: {  	[tilespmem:s7+$0x0] =	vst v0  }
0x27: {  	s0 =	simm.s32 $0x40;
	s6 =	simm.s32 $0x0  }
.LBB2_6:
0x28: {  	p0 =	sne.s32 s0, $0x5FC0;
	[tilespmem:s6+$0x10000] =	vst v1;
	s1 =	smov.u32 s0;
	s0 =	sadd.s32 $0x40, s0  }
.Ltmp2:
0x29: {  	[tilespmem:s6+$0x11800] =	vst v2;
	(pc) =	sbr.rel @p0 .LBB2_6-.Ltmp2, $2  }
0x2a: {  	_ =	sdelay $0x2  }
0x2b: {  	s6 =	sshra.s32 s1, $0x2  }
0x2c: {  	[tilespmem:s6+$0x10000] =	vst v1;
	s1 =	simm.s32 $0x0  }
0x2d: {  	[tilespmem:s6+$0x11800] =	vst v2;
	s0 =	simm.s32 $0x4;
	[smem:s1] =	sst s14  }
.LBB2_8:
0x2e: {  	p0 =	sne.s32 s0, $0x7C  }
0x2f: {  	[smem:s1+$0x80] =	sst s3;
	s1 =	smov.u32 s0;
	s0 =	sadd.s32 $0x4, s0  }
.Ltmp3:
0x30: {  	(pc) =	sbr.rel @p0 .LBB2_8-.Ltmp3, $3  }
0x31: {  	_ =	sdelay $0x1  }
0x32: {  	s1 =	sshra.s32 s1, $0x2  }
0x33: {  	[smem:s1] =	sst s14  }
0x34: {  	s24 =	simm.s32 $0x0;
	s0 =	rddreg [dreg:$0x5]  }
0x35: {  	[tilespmem:s24], [sflag:$0x1] =	stream.linear.gather [hbm4b:s5+s24], $0x8000, $0x38;
	[tilespmem:$0x1C100] =	vst v63  }
0x36: {  	[smem:s1+$0x80] =	sst s3  }
0x37: {  	[tilespmem:s15], [sflag:$0x2] =	stream.linear.gather [hbm4b:s0+s24], $0x8000, $0x38;
	[tilespmem:$0x1C100] =	vst v63  }
.LBB2_10:
.Ltmp4:
0x38: {  	(pc) =	sbr.rel .LBB2_11-.Ltmp4, $4  }
0x39: {  	_ = 	snop  }
0x3a: {  	_ =	swait.ge [sflag:s16], $0x8000  }
0x3b: {  	s25 =	sshll.u32 s24, $0xB;
	s26 =	simm.s32 $0x10000;
	[sflag:s16] =	ssyncset.done $0x0  }
0x3c: {  	s28 =	simm.s32 $0x11800;
	s29 =	simm.s32 $0x0;
	[sflag:s16] =	ssyncadd.s32 $0xFFFF8000  }
.LBB2_22:
0x3d: {  	[smem:s29] =	sst s30  }
0x3e: {  	[smem:s29+$0x80] =	sst s12  }
.LBB2_23:
0x3f: {  	s29 =	sadd.s32 $0x1, s29  }
0x40: {  	p0 =	sne.s32 s29, $0x20  }
.Ltmp5:
0x41: {  	_ = 	snop;
	(pc) =	sbr.rel @!p0 .LBB2_24-.Ltmp5, $2  }
0x42: {  	_ =	sdelay $0x2  }
0x43: {  	s26 =	sadd.s32 $0xC0, s26;
	s28 =	sadd.s32 $0xC0, s28  }
.LBB2_11:
0x44: {  	s0 =	sshll.u32 s29, $0xA;
	s1 =	sshll.u32 s29, $0x7  }
0x45: {  	s6 =	sand.u32 $0x6000, s0;
	s12 =	sand.u32 $0x380, s1  }
0x46: {  	s1 =	sor.u32 s12, s6  }
0x47: {  	v4 =	vld [tilespmem:s1+$0x0]  }
0x48: {  	v5 =	vld [tilespmem:s1+$0x10]  }
0x49: {  	v6 =	vld [tilespmem:s1+$0x20]  }
0x4a: {  	v7 =	vld [tilespmem:s1+$0x30]  }
0x4b: {  	v8 =	vld [tilespmem:s1+$0x40]  }
0x4c: {  	v9 =	vld [tilespmem:s1+$0x50]  }
0x4d: {  	v10 =	vld [tilespmem:s1+$0x60]  }
0x4e: {  	v11 =	vld [tilespmem:s1+$0x70]  }
0x4f: {  	v12 =	vld [tilespmem:s1+$0x400]  }
0x50: {  	v13 =	vld [tilespmem:s1+$0x410]  }
0x51: {  	v14 =	vld [tilespmem:s1+$0x420]  }
0x52: {  	v15 =	vld [tilespmem:s1+$0x430]  }
0x53: {  	v16 =	vld [tilespmem:s1+$0x440]  }
0x54: {  	v17 =	vld [tilespmem:s1+$0x450]  }
0x55: {  	v18 =	vld [tilespmem:s1+$0x460]  }
0x56: {  	v19 =	vld [tilespmem:s1+$0x470]  }
0x57: {  	v20 =	vld [tilespmem:s1+$0x800]  }
0x58: {  	v21 =	vld [tilespmem:s1+$0x810]  }
0x59: {  	v22 =	vld [tilespmem:s1+$0x820]  }
0x5a: {  	v23 =	vld [tilespmem:s1+$0x830]  }
0x5b: {  	v24 =	vld [tilespmem:s1+$0x840]  }
0x5c: {  	v25 =	vld [tilespmem:s1+$0x850]  }
0x5d: {  	v26 =	vld [tilespmem:s1+$0x860]  }
0x5e: {  	v27 =	vld [tilespmem:s1+$0x870]  }
0x5f: {  	v28 =	vld [tilespmem:s1+$0xC00]  }
0x60: {  	s30 =	sld [smem:s29+$0x0];
	v29 =	vld [tilespmem:s1+$0xC10]  }
0x61: {  	v30 =	vld [tilespmem:s1+$0xC20]  }
0x62: {  	v51 =	vld [tilespmem:s1+$0x1800]  }
0x63: {  	v31 =	vld [tilespmem:s1+$0xC30];
	vm7 =	vlt.f32 v4, s30  }
0x64: {  	v35 =	vld [tilespmem:s1+$0xC60];
	vm8 =	vlt.f32 v5, s30;
	vm9 =	vlt.f32 v6, s30;
	vm10 =	vlt.f32 v7, s30  }
0x65: {  	v36 =	vld [tilespmem:s1+$0xC70];
	vm11 =	vlt.f32 v8, s30;
	vm12 =	vlt.f32 v9, s30;
	vm13 =	vlt.f32 v10, s30  }
0x66: {  	v37 =	vld [tilespmem:s1+$0x1000];
	vm14 =	vlt.f32 v11, s30;
	vm15 =	vlt.f32 v12, s30;
	vm0 =	vlt.f32 v13, s30  }
0x67: {  	v38 =	vld [tilespmem:s1+$0x1010];
	vm1 =	vlt.f32 v51, s30;
	vm0 =	vmor vm8, vm0;
	vm8 =	vlt.f32 v14, s30  }
0x68: {  	v39 =	vld [tilespmem:s1+$0x1020];
	vm7 =	vmor vm7, vm15;
	vm15 =	vlt.f32 v15, s30;
	vm8 =	vmor vm9, vm8  }
0x69: {  	v40 =	vld [tilespmem:s1+$0x1030];
	vm9 =	vlt.f32 v16, s30;
	vm10 =	vmor vm10, vm15;
	vm15 =	vlt.f32 v18, s30  }
0x6a: {  	v41 =	vld [tilespmem:s1+$0x1040];
	vm9 =	vmor vm11, vm9;
	vm11 =	vlt.f32 v17, s30;
	vm13 =	vmor vm13, vm15  }
0x6b: {  	v42 =	vld [tilespmem:s1+$0x1050];
	vm15 =	vlt.f32 v21, s30;
	vm11 =	vmor vm12, vm11;
	vm12 =	vlt.f32 v19, s30  }
0x6c: {  	v43 =	vld [tilespmem:s1+$0x1060];
	vm0 =	vmor vm0, vm15;
	vm12 =	vmor vm14, vm12;
	vm14 =	vlt.f32 v20, s30  }
0x6d: {  	v44 =	vld [tilespmem:s1+$0x1070];
	vm15 =	vlt.f32 v24, s30;
	vm7 =	vmor vm7, vm14;
	vm14 =	vlt.f32 v22, s30  }
0x6e: {  	v5 =	vld [tilespmem:s1+$0xC50];
	vm9 =	vmor vm9, vm15;
	vm8 =	vmor vm8, vm14;
	vm14 =	vlt.f32 v23, s30  }
0x6f: {  	v4 =	vld [tilespmem:s1+$0xC40];
	vm15 =	vlt.f32 v27, s30;
	vm10 =	vmor vm10, vm14;
	vm14 =	vlt.f32 v25, s30  }
0x70: {  	v45 =	vld [tilespmem:s1+$0x1400];
	vm12 =	vmor vm12, vm15;
	vm11 =	vmor vm11, vm14;
	vm14 =	vlt.f32 v26, s30  }
0x71: {  	v46 =	vld [tilespmem:s1+$0x1410];
	vm15 =	vlt.f32 v30, s30;
	vm13 =	vmor vm13, vm14;
	vm14 =	vlt.f32 v28, s30  }
0x72: {  	v47 =	vld [tilespmem:s1+$0x1420];
	vm8 =	vmor vm8, vm15;
	vm7 =	vmor vm7, vm14;
	vm14 =	vlt.f32 v29, s30  }
0x73: {  	v48 =	vld [tilespmem:s1+$0x1430];
	vm15 =	vlt.f32 v5, s30;
	vm0 =	vmor vm0, vm14;
	vm14 =	vlt.f32 v31, s30  }
0x74: {  	v49 =	vld [tilespmem:s1+$0x1460];
	vm11 =	vmor vm11, vm15;
	vm10 =	vmor vm10, vm14;
	vm14 =	vlt.f32 v4, s30  }
0x75: {  	v50 =	vld [tilespmem:s1+$0x1470];
	vm15 =	vlt.f32 v37, s30;
	vm9 =	vmor vm9, vm14;
	vm14 =	vlt.f32 v35, s30  }
0x76: {  	v52 =	vld [tilespmem:s1+$0x1810];
	vm7 =	vmor vm7, vm15;
	vm13 =	vmor vm13, vm14;
	vm14 =	vlt.f32 v36, s30  }
0x77: {  	v53 =	vld [tilespmem:s1+$0x1820];
	vm15 =	vlt.f32 v40, s30;
	vm12 =	vmor vm12, vm14;
	vm14 =	vlt.f32 v38, s30  }
0x78: {  	v4 =	vld [tilespmem:s1+$0x1440];
	vm10 =	vmor vm10, vm15;
	vm0 =	vmor vm0, vm14;
	vm14 =	vlt.f32 v39, s30  }
0x79: {  	v54 =	vld [tilespmem:s1+$0x1830];
	vm15 =	vlt.f32 v43, s30;
	vm8 =	vmor vm8, vm14;
	vm14 =	vlt.f32 v41, s30  }
0x7a: {  	v5 =	vld [tilespmem:s1+$0x1450];
	vm13 =	vmor vm13, vm15;
	vm9 =	vmor vm9, vm14;
	vm14 =	vlt.f32 v42, s30  }
0x7b: {  	v55 =	vld [tilespmem:s1+$0x1840];
	vm15 =	vlt.f32 v46, s30;
	vm11 =	vmor vm11, vm14;
	vm14 =	vlt.f32 v44, s30  }
0x7c: {  	s0 =	sor.u32 s0, s12;
	v56 =	vld [tilespmem:s1+$0x1850];
	vm0 =	vmor vm0, vm15;
	vm12 =	vmor vm12, vm14;
	vm14 =	vlt.f32 v45, s30  }
0x7d: {  	v57 =	vld [tilespmem:s1+$0x1860];
	s10 =	sor.u32 $0x1C10, s0;
	vm15 =	vlt.f32 v4, s30;
	vm14 =	vmor vm7, vm14;
	vm7 =	vlt.f32 v47, s30  }
0x7e: {  	s12 =	sor.u32 $0x1C20, s0;
	v58 =	vld [tilespmem:s10+$0x0];
	vm9 =	vmor vm9, vm15;
	vm8 =	vmor vm8, vm7;
	vm7 =	vlt.f32 v48, s30  }
0x7f: {  	s7 =	sor.u32 $0x1C00, s0;
	v59 =	vld [tilespmem:s12+$0x0];
	vm15 =	vlt.f32 v50, s30;
	vm10 =	vmor vm10, vm7;
	vm7 =	vlt.f32 v5, s30  }
0x80: {  	s31 =	sor.u32 $0x1C30, s0;
	s10 =	sor.u32 $0x1C50, s0;
	vm1 =	vmor vm14, vm1;
	v5 =	vld [tilespmem:s7+$0x0];
	vm11 =	vmor vm11, vm7;
	vm7 =	vlt.f32 v49, s30  }
0x81: {  	v60 =	vld [tilespmem:s31+$0x0];
	s12 =	sor.u32 $0x1C60, s0;
	s7 =	sor.u32 $0x1C40, s0;
	s0 =	sor.u32 $0x1C70, s0;
	vm13 =	vmor vm13, vm7;
	vm7 =	vmor vm12, vm15;
	vm12 =	vlt.f32 v52, s30  }
0x82: {  	vm14 =	vlt.f32 v53, s30;
	v63 =	vld [tilespmem:s0+$0x0];
	vm0 =	vmor vm0, vm12;
	vm12 =	vlt.f32 v54, s30  }
0x83: {  	vm8 =	vmor vm8, vm14;
	v61 =	vld [tilespmem:s7+$0x0];
	vm10 =	vmor vm10, vm12;
	vm12 =	vlt.f32 v55, s30  }
0x84: {  	v4 =	vld [tilespmem:s1+$0x1870];
	vm14 =	vlt.f32 v56, s30;
	vm9 =	vmor vm9, vm12;
	vm12 =	vlt.f32 v57, s30  }
0x85: {  	v62 =	vld [tilespmem:s10+$0x0];
	vm11 =	vmor vm11, vm14;
	vm12 =	vmor vm13, vm12;
	vm13 =	vlt.f32 v5, s30  }
0x86: {  	vm14 =	vlt.f32 v58, s30;
	v5 =	vld [tilespmem:s12+$0x0];
	vm1 =	vmor vm1, vm13;
	vm13 =	vlt.f32 v59, s30  }
0x87: {  	vm0 =	vmor vm0, vm14;
	vm15 =	vlt.f32 v63, s30;
	vm8 =	vmor vm8, vm13  }
0x88: {  	vm13 =	vlt.f32 v60, s30;
	vm0 =	vmor vm1, vm0;
	vm1 =	vlt.f32 v61, s30  }
0x89: {  	vm10 =	vmor vm10, vm13;
	vm13 =	vlt.f32 v4, s30;
	vm0 =	vmor vm0, vm8  }
0x8a: {  	vm8 =	vlt.f32 v62, s30;
	vm1 =	vmor vm9, vm1;
	vm0 =	vmor vm0, vm10  }
0x8b: {  	vm8 =	vmor vm11, vm8;
	vm14 =	vlt.f32 v5, s30;
	vm0 =	vmor vm0, vm1  }
0x8c: {  	vm7 =	vmor vm7, vm13;
	vm1 =	vmor vm12, vm14;
	vm0 =	vmor vm0, vm8  }
0x8d: {  	vm7 =	vmor vm7, vm15;
	vm0 =	vmor vm0, vm1  }
0x8e: {  	vm0 =	vmor vm0, vm7  }
0x8f: {  	v4 =	vsel vm0, $0x3F800000, v0  }
0x90: {  	(xrf0) =	vmax.scan.msk.f32 $0xffff, v4;
	_ =	sdelay $0x5  }
0x91: {  	v4, _, _ =	vpop (xrf0)  }
0x92: {  	(v2sf) =	vpush v4, $0xF;
	_ =	sdelay $0xe  }
0x93: {  	s31 =	spop (v2sf)  }
0x94: {  	p0 =	sgt.f32 s31, $0.0e+00  }
.Ltmp6:
0x95: {  	_ = 	snop;
	(pc) =	sbr.rel @!p0 .LBB2_23-.Ltmp6, $1  }
0x96: {  	_ =	sdelay $0x3  }
.Ltmp7:
0x97: {  	(pc) =	sbr.rel .LBB2_13-.Ltmp7, $3  }
0x98: {  	v6 =	vmov s26  }
0x99: {  	s0 =	smul.u32 $0xC0, s29;
	v7 =	vmov s28;
	_ =	sdelay $0x1  }
0x9a: {  	v4 =	vmov s1;
	s12 =	sld [smem:s29+$0x80];
	s1 =	simm.s32 $0x0;
	v5 =	vmov s0  }
.LBB2_21:
0x9b: {  	s1 =	sadd.s32 $0x1, s1  }
0x9c: {  	p1 =	sne.s32 s1, $0x8  }
.Ltmp8:
0x9d: {  	_ = 	snop;
	(pc) =	sbr.rel @!p1 .LBB2_22-.Ltmp8, $3  }
0x9e: {  	_ =	sdelay $0x1  }
0x9f: {  	p0 =	sgt.s32 s12, $0x2F  }
0xa0: {  	s12 =	simm.s32 @p0 $0x10  }
.LBB2_13:
0xa1: {  	_ =	sdelay $0x1  }
0xa2: {  	s6 =	sshll.u32 s1, $0xA  }
0xa3: {  	s6 =	sand.u32 $0x3FFFFC00, s6  }
0xa4: {  	v15 =	vld.idx.msk [tilespmem:v4+s6+$0x0 ss:$0x1], $0xffff  }
0xa5: {  	v14 =	vld.idx.msk [tilespmem:v4+s6+$0x10 ss:$0x1], $0xffff  }
0xa6: {  	v13 =	vld.idx.msk [tilespmem:v4+s6+$0x20 ss:$0x1], $0xffff  }
0xa7: {  	v12 =	vld.idx.msk [tilespmem:v4+s6+$0x30 ss:$0x1], $0xffff  }
0xa8: {  	v11 =	vld.idx.msk [tilespmem:v4+s6+$0x40 ss:$0x1], $0xffff  }
0xa9: {  	v10 =	vld.idx.msk [tilespmem:v4+s6+$0x50 ss:$0x1], $0xffff  }
0xaa: {  	v9 =	vld.idx.msk [tilespmem:v4+s6+$0x60 ss:$0x1], $0xffff;
	vm0 =	vlt.f32 v15, s30;
	vm1 =	vlt.f32 v14, s30  }
0xab: {  	v8 =	vld.idx.msk [tilespmem:v4+s6+$0x70 ss:$0x1], $0xffff;
	vm7 =	vlt.f32 v13, s30;
	vm0 =	vmor vm0, vm1  }
0xac: {  	vm1 =	vlt.f32 v12, s30;
	vm0 =	vmor vm0, vm7  }
0xad: {  	vm7 =	vlt.f32 v11, s30;
	vm0 =	vmor vm0, vm1  }
0xae: {  	vm1 =	vlt.f32 v10, s30;
	vm0 =	vmor vm0, vm7  }
0xaf: {  	vm7 =	vlt.f32 v9, s30;
	vm0 =	vmor vm0, vm1  }
0xb0: {  	vm1 =	vlt.f32 v8, s30;
	vm0 =	vmor vm0, vm7  }
0xb1: {  	vm0 =	vmor vm0, vm1  }
0xb2: {  	v16 =	vsel vm0, $0x3F800000, v0  }
0xb3: {  	(xrf0) =	vmax.scan.msk.f32 $0xffff, v16;
	_ =	sdelay $0x5  }
0xb4: {  	v16, _, _ =	vpop (xrf0)  }
0xb5: {  	(v2sf) =	vpush v16, $0xF;
	_ =	sdelay $0xe  }
0xb6: {  	s31 =	spop (v2sf)  }
0xb7: {  	p0 =	sgt.f32 s31, $0.0e+00  }
.Ltmp9:
0xb8: {  	_ = 	snop;
	(pc) =	sbr.rel @!p0 .LBB2_15-.Ltmp9, $1  }
0xb9: {  	_ =	sdelay $0x3  }
0xba: {  	v16 =	vmov s30  }
0xbb: {  	vm0 =	vlt.f32 v15, v16  }
0xbc: {  	v17 =	vmpcnt.ones.xlane vm0  }
0xbd: {  	vm13 =	vlt.f32 v14, v16  }
0xbe: {  	v50 =	vmpcnt.ones.xlane vm13;
	(v2sf) =	vpush v17, $0x0  }
0xbf: {  	vm12 =	vlt.f32 v13, v16  }
0xc0: {  	v51 =	vmpcnt.ones.xlane vm12;
	(v2sf) =	vpush v50, $0x0  }
0xc1: {  	vm11 =	vlt.f32 v12, v16  }
0xc2: {  	v52 =	vmpcnt.ones.xlane vm11;
	(v2sf) =	vpush v51, $0x0  }
0xc3: {  	vm10 =	vlt.f32 v11, v16  }
0xc4: {  	v53 =	vmpcnt.ones.xlane vm10;
	(v2sf) =	vpush v52, $0x0  }
0xc5: {  	vm9 =	vlt.f32 v10, v16  }
0xc6: {  	v54 =	vmpcnt.ones.xlane vm9;
	(v2sf) =	vpush v53, $0x0  }
0xc7: {  	vm8 =	vlt.f32 v9, v16  }
0xc8: {  	v55 =	vmpcnt.ones.xlane vm8;
	(v2sf) =	vpush v54, $0x0  }
0xc9: {  	vm7 =	vlt.f32 v8, v16  }
0xca: {  	v16 =	vmpcnt.ones.xlane vm7;
	(v2sf) =	vpush v55, $0x0  }
0xcb: {  	s6 =	sshll.u32 s1, $0x7  }
0xcc: {  	s6 =	sadd.s32 s25, s6;
	(v2sf) =	vpush v16, $0x0  }
0xcd: {  	v56 =	vor.u32 s6, v3;
	[tilespmem:v5+s12+$0x10000 ss:$0x1] =	vst.idx.msk vm0, v15;
	s7 =	spop (v2sf)  }
0xce: {  	s10 =	sor.u32 $0x10, s6;
	[tilespmem:v5+s12+$0x11800 ss:$0x1] =	vst.idx.msk vm0, v56;
	s7 =	sadd.s32 s12, s7  }
0xcf: {  	v57 =	vor.u32 s10, v3;
	s31 =	spop (v2sf);
	[tilespmem:v5+s7+$0x10000 ss:$0x1] =	vst.idx.msk vm13, v14  }
0xd0: {  	s12 =	sor.u32 $0x20, s6;
	[tilespmem:v5+s7+$0x11800 ss:$0x1] =	vst.idx.msk vm13, v57;
	s7 =	sadd.s32 s31, s7  }
0xd1: {  	s10 =	spop (v2sf);
	v58 =	vor.u32 s12, v3;
	[tilespmem:v5+s7+$0x10000 ss:$0x1] =	vst.idx.msk vm12, v13  }
0xd2: {  	s12 =	sor.u32 $0x30, s6;
	[tilespmem:v5+s7+$0x11800 ss:$0x1] =	vst.idx.msk vm12, v58;
	s7 =	sadd.s32 s10, s7  }
0xd3: {  	v59 =	vor.u32 s12, v3;
	s10 =	spop (v2sf);
	[tilespmem:v5+s7+$0x10000 ss:$0x1] =	vst.idx.msk vm11, v12  }
0xd4: {  	s12 =	sor.u32 $0x40, s6;
	[tilespmem:v5+s7+$0x11800 ss:$0x1] =	vst.idx.msk vm11, v59;
	s7 =	sadd.s32 s10, s7  }
0xd5: {  	v60 =	vor.u32 s12, v3;
	s10 =	spop (v2sf);
	[tilespmem:v5+s7+$0x10000 ss:$0x1] =	vst.idx.msk vm10, v11  }
0xd6: {  	s12 =	sor.u32 $0x50, s6;
	[tilespmem:v5+s7+$0x11800 ss:$0x1] =	vst.idx.msk vm10, v60;
	s7 =	sadd.s32 s10, s7  }
0xd7: {  	v61 =	vor.u32 s12, v3;
	s10 =	spop (v2sf);
	[tilespmem:v5+s7+$0x10000 ss:$0x1] =	vst.idx.msk vm9, v10  }
0xd8: {  	s12 =	sor.u32 $0x60, s6;
	[tilespmem:v5+s7+$0x11800 ss:$0x1] =	vst.idx.msk vm9, v61;
	s7 =	sadd.s32 s10, s7  }
0xd9: {  	v62 =	vor.u32 s12, v3;
	s10 =	spop (v2sf);
	[tilespmem:v5+s7+$0x10000 ss:$0x1] =	vst.idx.msk vm8, v9  }
0xda: {  	s6 =	sor.u32 $0x70, s6;
	[tilespmem:v5+s7+$0x11800 ss:$0x1] =	vst.idx.msk vm8, v62;
	s7 =	sadd.s32 s10, s7  }
0xdb: {  	v63 =	vor.u32 s6, v3;
	s31 =	spop (v2sf);
	[tilespmem:v5+s7+$0x10000 ss:$0x1] =	vst.idx.msk vm7, v8  }
0xdc: {  	s12 =	sadd.s32 s31, s7;
	[tilespmem:v5+s7+$0x11800 ss:$0x1] =	vst.idx.msk vm7, v63  }
.LBB2_15:
0xdd: {  	p0 =	slt.s32 s12, $0x30  }
.Ltmp10:
0xde: {  	_ = 	snop;
	(pc) =	sbr.rel @p0 .LBB2_21-.Ltmp10, $1  }
0xdf: {  	_ =	sdelay $0x3  }
0xe0: {  	v8 =	vimm.f32 $3.399999950e+38  }
0xe1: {  	s30 =	simm.s32 $0x0;
	v9 =	vimm.s32 $0x7FFFFFFF;
	s6 =	simm.f32 $-3.399999950e+38;
	s31 =	simm.s32 $0x80000000  }
.LBB2_17:
0xe2: {  	_ =	sdelay $0x2  }
0xe3: {  	s7 =	simm.s32 $0x0  }
0xe4: {  	v13 =	vld.idx.msk [tilespmem:v6+s7+$0x0 ss:$0x1], $0xffff  }
0xe5: {  	v14 =	vld.idx.msk [tilespmem:v7+s7+$0x0 ss:$0x1], $0xffff;
	_ =	sdelay $0x3  }
0xe6: {  	v10 =	vmov s6;
	v11 =	vmov s31  }
0xe7: {  	vm0 =	veq.f32 v13, v10;
	vm1 =	vgt.s32 v14, v11  }
0xe8: {  	s10 =	simm.s32 $0x10;
	vm7 =	vgt.f32 v13, v10;
	vm0 =	vmand vm0, vm1  }
0xe9: {  	v12 =	vld.idx.msk [tilespmem:v6+s10+$0x0 ss:$0x1], $0xffff;
	vm0 =	vmor vm7, vm0  }
0xea: {  	v16 =	vnsel vm0, $0x7F7FC99E, v13;
	v13 =	vld.idx.msk [tilespmem:v7+s10+$0x0 ss:$0x1], $0xffff;
	_ =	sdelay $0x1  }
0xeb: {  	s31 =	simm.s32 $0x80;
	v15 =	vimm.f32 $3.399999950e+38;
	v17 =	vnsel vm0, $0x7FFFFFFF, v14;
	v14 =	vimm.s32 $0x7FFFFFFF  }
.LBB2_18:
0xec: {  	s6 =	sshra.s32 s31, $0x2;
	vm0 =	veq.f32 v16, v15;
	vm1 =	vlt.s32 v17, v14;
	p0 =	sne.s32 s31, $0x2C0  }
.Ltmp11:
0xed: {  	s31 =	sadd.s32 $0x40, s31;
	vm7 =	vgt.f32 v12, v10;
	vm8 =	vlt.f32 v16, v15;
	v18 =	vmovc v12;
	vm0 =	vmand vm0, vm1;
	v12 =	vld.idx.msk [tilespmem:v6+s6+$0x0 ss:$0x1], $0xffff;
	(pc) =	sbr.rel @p0 .LBB2_18-.Ltmp11, $4  }
0xee: {  	vm1 =	veq.f32 v18, v10;
	vm9 =	vgt.s32 v13, v11;
	v19 =	vmovc v13;
	vm0 =	vmor vm8, vm0;
	v13 =	vld.idx.msk [tilespmem:v7+s6+$0x0 ss:$0x1], $0xffff  }
0xef: {  	vm1 =	vmand vm1, vm9;
	v15 =	vsel vm0, v16, v15;
	v14 =	vsel vm0, v17, v14  }
0xf0: {  	vm0 =	vmor vm7, vm1  }
0xf1: {  	v16 =	vnsel vm0, $0x7F7FC99E, v18;
	v17 =	vnsel vm0, $0x7FFFFFFF, v19  }
0xf2: {  	vm0 =	veq.f32 v16, v15;
	vm1 =	vlt.s32 v17, v14;
	vm7 =	vlt.f32 v16, v15  }
0xf3: {  	vm0 =	vmand vm0, vm1;
	vm1 =	veq.f32 v12, v10;
	vm8 =	vgt.s32 v13, v11  }
0xf4: {  	vm9 =	vgt.f32 v12, v10;
	vm0 =	vmor vm7, vm0;
	vm1 =	vmand vm1, vm8  }
0xf5: {  	v10 =	vsel vm0, v16, v15;
	vm1 =	vmor vm9, vm1  }
0xf6: {  	v11 =	vsel vm0, v17, v14;
	v60 =	vnsel vm1, $0x7F7FC99E, v12;
	v61 =	vnsel vm1, $0x7FFFFFFF, v13  }
0xf7: {  	vm0 =	veq.f32 v60, v10;
	vm1 =	vlt.s32 v61, v11  }
0xf8: {  	vm7 =	vlt.f32 v60, v10;
	vm0 =	vmand vm0, vm1  }
0xf9: {  	vm0 =	vmor vm7, vm0  }
0xfa: {  	v10 =	vsel vm0, v60, v10  }
0xfb: {  	(xrf0) =	vmin.scan.msk.f32 $0xffff, v10;
	_ =	sdelay $0x5  }
0xfc: {  	v62, _, _ =	vpop (xrf0)  }
0xfd: {  	v63 =	vbroadcast v62, $0xF  }
0xfe: {  	v11 =	vsel vm0, v61, v11  }
0xff: {  	vm0 =	veq.f32 v10, v63;
	v10 =	vxor.u32 $0x80000000, v11  }
0x100: {  	v10 =	vnsel vm0, $0xFFFFFFFF, v10  }
0x101: {  	(xrf0) =	vmin.scan.msk.u32 $0xffff, v10;
	_ =	sdelay $0x5  }
0x102: {  	(v2sf) =	vpush v62, $0xF;
	v10, _, _ =	vpop (xrf0)  }
0x103: {  	(v2sf) =	vpush v10, $0xF;
	_ =	sdelay $0xa  }
0x104: {  	v10 =	vmov s30;
	s30 =	sadd.s32 $0x1, s30  }
0x105: {  	p0 =	sne.s32 s30, $0x8  }
.Ltmp12:
0x106: {  	_ = 	snop;
	(pc) =	sbr.rel @p0 .LBB2_17-.Ltmp12, $4  }
0x107: {  	s6 =	spop (v2sf)  }
0x108: {  	s7 =	spop (v2sf)  }
0x109: {  	vm0 =	veq.s32 v10, v3;
	s31 =	sxor.u32 $0x80000000, s7  }
0x10a: {  	v8 =	vsel vm0, v63, v8;
	v9 =	vsel vm0, s31, v9  }
0x10b: {  	[tilespmem:s0+$0x10000] =	vst v8  }
0x10c: {  	[tilespmem:s0+$0x11800] =	vst v9  }
0x10d: {  	[tilespmem:s0+$0x10010] =	vst v1  }
0x10e: {  	[tilespmem:s0+$0x11810] =	vst v2  }
0x10f: {  	[tilespmem:s0+$0x10020] =	vst v1  }
0x110: {  	[tilespmem:s0+$0x11820] =	vst v2  }
0x111: {  	[tilespmem:s0+$0x10030] =	vst v1  }
0x112: {  	[tilespmem:s0+$0x11830] =	vst v2  }
0x113: {  	[tilespmem:s0+$0x10040] =	vst v1;
	(v2sf) =	vpush v8, $0x7  }
0x114: {  	[tilespmem:s0+$0x11840] =	vst v2  }
0x115: {  	[tilespmem:s0+$0x10050] =	vst v1  }
0x116: {  	[tilespmem:s0+$0x11850] =	vst v2  }
0x117: {  	[tilespmem:s0+$0x10060] =	vst v1  }
0x118: {  	[tilespmem:s0+$0x11860] =	vst v2  }
0x119: {  	[tilespmem:s0+$0x10070] =	vst v1  }
0x11a: {  	[tilespmem:s0+$0x11870] =	vst v2  }
0x11b: {  	[tilespmem:s0+$0x10080] =	vst v1  }
0x11c: {  	[tilespmem:s0+$0x11880] =	vst v2  }
0x11d: {  	[tilespmem:s0+$0x10090] =	vst v1  }
.Ltmp13:
0x11e: {  	[tilespmem:s0+$0x11890] =	vst v2;
	(pc) =	sbr.rel .LBB2_21-.Ltmp13, $4  }
0x11f: {  	[tilespmem:s0+$0x100A0] =	vst v1  }
0x120: {  	[tilespmem:s0+$0x118A0] =	vst v2  }
0x121: {  	[tilespmem:s0+$0x100B0] =	vst v1  }
0x122: {  	[tilespmem:s0+$0x118B0] =	vst v2;
	s30 =	spop (v2sf)  }
.LBB2_24:
0x123: {  	s26 =	sshll.u32 s24, $0x15;
	p0 =	seq.s32 s24, $0x30  }
0x124: {  	s0 =	sadd.s32 @!p0 s8, s26  }
0x125: {  	s0 =	sshrl.u32 @!p0 s0, $0x3  }
.Ltmp14:
0x126: {  	s1 =	simm.s32 @!p0 $0x0;
	s0 =	sadd.s32 @!p0 s4, s0;
	(pc) =	sbr.rel .LBB2_25-.Ltmp14, $4  }
0x127: {  	[tilespmem:s1], [sflag:$0x1] =	stream.linear.gather @!p0 [hbm4b:s0+s1], $0x8000, $0x38;
	[tilespmem:$0x1C100] =	vst v63  }
0x128: {  	_ =	swait.ge [sflag:s17], $0x8000  }
0x129: {  	s28 =	simm.s32 $0x0;
	[sflag:s17] =	ssyncset.done $0x0  }
0x12a: {  	s29 =	simm.s32 $0x10000;
	s30 =	simm.s32 $0x11800;
	[sflag:s17] =	ssyncadd.s32 $0xFFFF8000  }
.LBB2_36:
0x12b: {  	[smem:s28] =	sst s31  }
0x12c: {  	[smem:s28+$0x80] =	sst s12  }
.LBB2_37:
0x12d: {  	s28 =	sadd.s32 $0x1, s28  }
0x12e: {  	p1 =	sne.s32 s28, $0x20  }
.Ltmp15:
0x12f: {  	_ = 	snop;
	(pc) =	sbr.rel @!p1 .LBB2_38-.Ltmp15, $2  }
0x130: {  	_ =	sdelay $0x2  }
0x131: {  	s29 =	sadd.s32 $0xC0, s29;
	s30 =	sadd.s32 $0xC0, s30  }
.LBB2_25:
0x132: {  	s0 =	sshll.u32 s28, $0xA;
	s1 =	sshll.u32 s28, $0x7  }
0x133: {  	s6 =	sand.u32 $0x6000, s0;
	s12 =	sand.u32 $0x380, s1  }
0x134: {  	s1 =	sor.u32 s12, s6  }
0x135: {  	v4 =	vld [tilespmem:s1+$0x8000]  }
0x136: {  	v5 =	vld [tilespmem:s1+$0x8010]  }
0x137: {  	v6 =	vld [tilespmem:s1+$0x8020]  }
0x138: {  	v7 =	vld [tilespmem:s1+$0x8030]  }
0x139: {  	v8 =	vld [tilespmem:s1+$0x8040]  }
0x13a: {  	v9 =	vld [tilespmem:s1+$0x8050]  }
0x13b: {  	v10 =	vld [tilespmem:s1+$0x8060]  }
0x13c: {  	v11 =	vld [tilespmem:s1+$0x8070]  }
0x13d: {  	v12 =	vld [tilespmem:s1+$0x8400]  }
0x13e: {  	v13 =	vld [tilespmem:s1+$0x8410]  }
0x13f: {  	v14 =	vld [tilespmem:s1+$0x8420]  }
0x140: {  	v15 =	vld [tilespmem:s1+$0x8430]  }
0x141: {  	v16 =	vld [tilespmem:s1+$0x8440]  }
0x142: {  	v17 =	vld [tilespmem:s1+$0x8450]  }
0x143: {  	v18 =	vld [tilespmem:s1+$0x8460]  }
0x144: {  	v19 =	vld [tilespmem:s1+$0x8470]  }
0x145: {  	v20 =	vld [tilespmem:s1+$0x8800]  }
0x146: {  	v21 =	vld [tilespmem:s1+$0x8810]  }
0x147: {  	v22 =	vld [tilespmem:s1+$0x8820]  }
0x148: {  	v23 =	vld [tilespmem:s1+$0x8830]  }
0x149: {  	v24 =	vld [tilespmem:s1+$0x8840]  }
0x14a: {  	v25 =	vld [tilespmem:s1+$0x8850]  }
0x14b: {  	v26 =	vld [tilespmem:s1+$0x8860]  }
0x14c: {  	v27 =	vld [tilespmem:s1+$0x8870]  }
0x14d: {  	v28 =	vld [tilespmem:s1+$0x8C00]  }
0x14e: {  	s31 =	sld [smem:s28+$0x0];
	v29 =	vld [tilespmem:s1+$0x8C10]  }
0x14f: {  	v30 =	vld [tilespmem:s1+$0x8C20]  }
0x150: {  	v51 =	vld [tilespmem:s1+$0x9800]  }
0x151: {  	v31 =	vld [tilespmem:s1+$0x8C30];
	vm0 =	vlt.f32 v4, s31  }
0x152: {  	v35 =	vld [tilespmem:s1+$0x8C60];
	vm1 =	vlt.f32 v5, s31;
	vm7 =	vlt.f32 v6, s31;
	vm8 =	vlt.f32 v7, s31  }
0x153: {  	v36 =	vld [tilespmem:s1+$0x8C70];
	vm9 =	vlt.f32 v8, s31;
	vm10 =	vlt.f32 v9, s31;
	vm11 =	vlt.f32 v10, s31  }
0x154: {  	v37 =	vld [tilespmem:s1+$0x9000];
	vm12 =	vlt.f32 v11, s31;
	vm13 =	vlt.f32 v12, s31;
	vm14 =	vlt.f32 v13, s31  }
0x155: {  	v38 =	vld [tilespmem:s1+$0x9010];
	vm15 =	vlt.f32 v51, s31;
	vm0 =	vmor vm0, vm13;
	vm13 =	vlt.f32 v14, s31  }
0x156: {  	v39 =	vld [tilespmem:s1+$0x9020];
	vm1 =	vmor vm1, vm14;
	vm14 =	vlt.f32 v15, s31;
	vm7 =	vmor vm7, vm13  }
0x157: {  	v40 =	vld [tilespmem:s1+$0x9030];
	vm13 =	vlt.f32 v16, s31;
	vm8 =	vmor vm8, vm14;
	vm14 =	vlt.f32 v18, s31  }
0x158: {  	v41 =	vld [tilespmem:s1+$0x9040];
	vm9 =	vmor vm9, vm13;
	vm13 =	vlt.f32 v17, s31;
	vm11 =	vmor vm11, vm14  }
0x159: {  	v42 =	vld [tilespmem:s1+$0x9050];
	vm14 =	vlt.f32 v21, s31;
	vm10 =	vmor vm10, vm13;
	vm13 =	vlt.f32 v19, s31  }
0x15a: {  	v43 =	vld [tilespmem:s1+$0x9060];
	vm1 =	vmor vm1, vm14;
	vm12 =	vmor vm12, vm13;
	vm13 =	vlt.f32 v20, s31  }
0x15b: {  	v44 =	vld [tilespmem:s1+$0x9070];
	vm14 =	vlt.f32 v24, s31;
	vm0 =	vmor vm0, vm13;
	vm13 =	vlt.f32 v22, s31  }
0x15c: {  	v5 =	vld [tilespmem:s1+$0x8C50];
	vm9 =	vmor vm9, vm14;
	vm7 =	vmor vm7, vm13;
	vm13 =	vlt.f32 v23, s31  }
0x15d: {  	v4 =	vld [tilespmem:s1+$0x8C40];
	vm14 =	vlt.f32 v27, s31;
	vm8 =	vmor vm8, vm13;
	vm13 =	vlt.f32 v25, s31  }
0x15e: {  	v45 =	vld [tilespmem:s1+$0x9400];
	vm12 =	vmor vm12, vm14;
	vm10 =	vmor vm10, vm13;
	vm13 =	vlt.f32 v26, s31  }
0x15f: {  	v46 =	vld [tilespmem:s1+$0x9410];
	vm14 =	vlt.f32 v30, s31;
	vm11 =	vmor vm11, vm13;
	vm13 =	vlt.f32 v28, s31  }
0x160: {  	v47 =	vld [tilespmem:s1+$0x9420];
	vm7 =	vmor vm7, vm14;
	vm0 =	vmor vm0, vm13;
	vm13 =	vlt.f32 v29, s31  }
0x161: {  	v48 =	vld [tilespmem:s1+$0x9430];
	vm14 =	vlt.f32 v5, s31;
	vm1 =	vmor vm1, vm13;
	vm13 =	vlt.f32 v31, s31  }
0x162: {  	v49 =	vld [tilespmem:s1+$0x9460];
	vm10 =	vmor vm10, vm14;
	vm8 =	vmor vm8, vm13;
	vm13 =	vlt.f32 v4, s31  }
0x163: {  	v50 =	vld [tilespmem:s1+$0x9470];
	vm14 =	vlt.f32 v37, s31;
	vm9 =	vmor vm9, vm13;
	vm13 =	vlt.f32 v35, s31  }
0x164: {  	v52 =	vld [tilespmem:s1+$0x9810];
	vm0 =	vmor vm0, vm14;
	vm11 =	vmor vm11, vm13;
	vm13 =	vlt.f32 v36, s31  }
0x165: {  	v53 =	vld [tilespmem:s1+$0x9820];
	vm14 =	vlt.f32 v40, s31;
	vm12 =	vmor vm12, vm13;
	vm13 =	vlt.f32 v38, s31  }
0x166: {  	v4 =	vld [tilespmem:s1+$0x9440];
	vm8 =	vmor vm8, vm14;
	vm1 =	vmor vm1, vm13;
	vm13 =	vlt.f32 v39, s31  }
0x167: {  	v54 =	vld [tilespmem:s1+$0x9830];
	vm14 =	vlt.f32 v43, s31;
	vm7 =	vmor vm7, vm13;
	vm13 =	vlt.f32 v41, s31  }
0x168: {  	v5 =	vld [tilespmem:s1+$0x9450];
	vm11 =	vmor vm11, vm14;
	vm9 =	vmor vm9, vm13;
	vm13 =	vlt.f32 v42, s31  }
0x169: {  	v55 =	vld [tilespmem:s1+$0x9840];
	vm14 =	vlt.f32 v46, s31;
	vm10 =	vmor vm10, vm13;
	vm13 =	vlt.f32 v44, s31  }
0x16a: {  	s0 =	sor.u32 s0, s12;
	v56 =	vld [tilespmem:s1+$0x9850];
	vm1 =	vmor vm1, vm14;
	vm12 =	vmor vm12, vm13;
	vm13 =	vlt.f32 v45, s31  }
0x16b: {  	v57 =	vld [tilespmem:s1+$0x9860];
	s12 =	sor.u32 $0x1C10, s0;
	vm14 =	vlt.f32 v4, s31;
	vm0 =	vmor vm0, vm13;
	vm13 =	vlt.f32 v47, s31  }
0x16c: {  	s7 =	sor.u32 $0x1C20, s0;
	v58 =	vld [tilespmem:s12+$0x8000];
	vm9 =	vmor vm9, vm14;
	vm13 =	vmor vm7, vm13;
	vm7 =	vlt.f32 v48, s31  }
0x16d: {  	s10 =	sor.u32 $0x1C00, s0;
	v59 =	vld [tilespmem:s7+$0x8000];
	vm14 =	vlt.f32 v50, s31;
	vm8 =	vmor vm8, vm7;
	vm7 =	vlt.f32 v5, s31  }
0x16e: {  	s12 =	sor.u32 $0x1C40, s0;
	vm0 =	vmor vm0, vm15;
	v5 =	vld [tilespmem:s10+$0x8000];
	s10 =	sor.u32 $0x1C30, s0;
	vm10 =	vmor vm10, vm7;
	vm7 =	vlt.f32 v49, s31  }
0x16f: {  	s7 =	sor.u32 $0x1C50, s0;
	v60 =	vld [tilespmem:s10+$0x8000];
	s10 =	sor.u32 $0x1C60, s0;
	s0 =	sor.u32 $0x1C70, s0;
	vm11 =	vmor vm11, vm7;
	vm7 =	vmor vm12, vm14;
	vm12 =	vlt.f32 v52, s31  }
0x170: {  	vm14 =	vlt.f32 v53, s31;
	v63 =	vld [tilespmem:s0+$0x8000];
	vm1 =	vmor vm1, vm12;
	vm12 =	vlt.f32 v54, s31  }
0x171: {  	v61 =	vld [tilespmem:s12+$0x8000];
	vm13 =	vmor vm13, vm14;
	vm8 =	vmor vm8, vm12;
	vm12 =	vlt.f32 v55, s31  }
0x172: {  	v4 =	vld [tilespmem:s1+$0x9870];
	vm14 =	vlt.f32 v56, s31;
	vm9 =	vmor vm9, vm12;
	vm12 =	vlt.f32 v57, s31  }
0x173: {  	v62 =	vld [tilespmem:s7+$0x8000];
	vm10 =	vmor vm10, vm14;
	vm11 =	vmor vm11, vm12;
	vm12 =	vlt.f32 v5, s31  }
0x174: {  	vm14 =	vlt.f32 v58, s31;
	v5 =	vld [tilespmem:s10+$0x8000];
	vm0 =	vmor vm0, vm12;
	vm12 =	vlt.f32 v59, s31  }
0x175: {  	vm1 =	vmor vm1, vm14;
	vm15 =	vlt.f32 v63, s31;
	vm12 =	vmor vm13, vm12  }
0x176: {  	vm13 =	vlt.f32 v60, s31;
	vm0 =	vmor vm0, vm1;
	vm1 =	vlt.f32 v61, s31  }
0x177: {  	vm8 =	vmor vm8, vm13;
	vm13 =	vlt.f32 v4, s31;
	vm0 =	vmor vm0, vm12  }
0x178: {  	vm12 =	vlt.f32 v62, s31;
	vm1 =	vmor vm9, vm1;
	vm0 =	vmor vm0, vm8  }
0x179: {  	vm8 =	vmor vm10, vm12;
	vm14 =	vlt.f32 v5, s31;
	vm0 =	vmor vm0, vm1  }
0x17a: {  	vm7 =	vmor vm7, vm13;
	vm1 =	vmor vm11, vm14;
	vm0 =	vmor vm0, vm8  }
0x17b: {  	vm7 =	vmor vm7, vm15;
	vm0 =	vmor vm0, vm1  }
0x17c: {  	vm0 =	vmor vm0, vm7  }
0x17d: {  	v4 =	vsel vm0, $0x3F800000, v0  }
0x17e: {  	(xrf0) =	vmax.scan.msk.f32 $0xffff, v4;
	_ =	sdelay $0x5  }
0x17f: {  	v4, _, _ =	vpop (xrf0)  }
0x180: {  	(v2sf) =	vpush v4, $0xF;
	_ =	sdelay $0xe  }
0x181: {  	s12 =	spop (v2sf)  }
0x182: {  	p1 =	sgt.f32 s12, $0.0e+00  }
.Ltmp16:
0x183: {  	_ = 	snop;
	(pc) =	sbr.rel @!p1 .LBB2_37-.Ltmp16, $1  }
0x184: {  	_ =	sdelay $0x3  }
.Ltmp17:
0x185: {  	(pc) =	sbr.rel .LBB2_27-.Ltmp17, $4  }
0x186: {  	v6 =	vmov s29  }
0x187: {  	s0 =	smul.u32 $0xC0, s28;
	v7 =	vmov s30  }
0x188: {  	s1 =	sor.u32 $0x8000, s1  }
0x189: {  	s12 =	sld [smem:s28+$0x80];
	v4 =	vmov s1;
	s1 =	simm.s32 $0x0;
	v5 =	vmov s0  }
.LBB2_35:
0x18a: {  	s1 =	sadd.s32 $0x1, s1  }
0x18b: {  	p2 =	sne.s32 s1, $0x8  }
.Ltmp18:
0x18c: {  	_ = 	snop;
	(pc) =	sbr.rel @!p2 .LBB2_36-.Ltmp18, $3  }
0x18d: {  	_ =	sdelay $0x1  }
0x18e: {  	p1 =	sgt.s32 s12, $0x2F  }
0x18f: {  	s12 =	simm.s32 @p1 $0x10  }
.LBB2_27:
0x190: {  	_ =	sdelay $0x1  }
0x191: {  	s6 =	sshll.u32 s1, $0xA  }
0x192: {  	s6 =	sand.u32 $0x3FFFFC00, s6  }
0x193: {  	v15 =	vld.idx.msk [tilespmem:v4+s6+$0x0 ss:$0x1], $0xffff  }
0x194: {  	v14 =	vld.idx.msk [tilespmem:v4+s6+$0x10 ss:$0x1], $0xffff  }
0x195: {  	v13 =	vld.idx.msk [tilespmem:v4+s6+$0x20 ss:$0x1], $0xffff  }
0x196: {  	v12 =	vld.idx.msk [tilespmem:v4+s6+$0x30 ss:$0x1], $0xffff  }
0x197: {  	v11 =	vld.idx.msk [tilespmem:v4+s6+$0x40 ss:$0x1], $0xffff  }
0x198: {  	v10 =	vld.idx.msk [tilespmem:v4+s6+$0x50 ss:$0x1], $0xffff  }
0x199: {  	v9 =	vld.idx.msk [tilespmem:v4+s6+$0x60 ss:$0x1], $0xffff;
	vm0 =	vlt.f32 v15, s31;
	vm1 =	vlt.f32 v14, s31  }
0x19a: {  	v8 =	vld.idx.msk [tilespmem:v4+s6+$0x70 ss:$0x1], $0xffff;
	vm7 =	vlt.f32 v13, s31;
	vm0 =	vmor vm0, vm1  }
0x19b: {  	vm1 =	vlt.f32 v12, s31;
	vm0 =	vmor vm0, vm7  }
0x19c: {  	vm7 =	vlt.f32 v11, s31;
	vm0 =	vmor vm0, vm1  }
0x19d: {  	vm1 =	vlt.f32 v10, s31;
	vm0 =	vmor vm0, vm7  }
0x19e: {  	vm7 =	vlt.f32 v9, s31;
	vm0 =	vmor vm0, vm1  }
0x19f: {  	vm1 =	vlt.f32 v8, s31;
	vm0 =	vmor vm0, vm7  }
0x1a0: {  	vm0 =	vmor vm0, vm1  }
0x1a1: {  	v16 =	vsel vm0, $0x3F800000, v0  }
0x1a2: {  	(xrf0) =	vmax.scan.msk.f32 $0xffff, v16;
	_ =	sdelay $0x5  }
0x1a3: {  	v16, _, _ =	vpop (xrf0)  }
0x1a4: {  	(v2sf) =	vpush v16, $0xF;
	_ =	sdelay $0xe  }
0x1a5: {  	s10 =	spop (v2sf)  }
0x1a6: {  	p1 =	sgt.f32 s10, $0.0e+00  }
.Ltmp19:
0x1a7: {  	_ = 	snop;
	(pc) =	sbr.rel @!p1 .LBB2_29-.Ltmp19, $1  }
0x1a8: {  	_ =	sdelay $0x3  }
0x1a9: {  	v16 =	vmov s31  }
0x1aa: {  	vm0 =	vlt.f32 v15, v16  }
0x1ab: {  	v17 =	vmpcnt.ones.xlane vm0  }
0x1ac: {  	vm13 =	vlt.f32 v14, v16  }
0x1ad: {  	v50 =	vmpcnt.ones.xlane vm13;
	(v2sf) =	vpush v17, $0x0  }
0x1ae: {  	vm12 =	vlt.f32 v13, v16  }
0x1af: {  	v51 =	vmpcnt.ones.xlane vm12;
	(v2sf) =	vpush v50, $0x0  }
0x1b0: {  	vm11 =	vlt.f32 v12, v16  }
0x1b1: {  	v52 =	vmpcnt.ones.xlane vm11;
	(v2sf) =	vpush v51, $0x0  }
0x1b2: {  	vm10 =	vlt.f32 v11, v16  }
0x1b3: {  	v53 =	vmpcnt.ones.xlane vm10;
	(v2sf) =	vpush v52, $0x0  }
0x1b4: {  	vm9 =	vlt.f32 v10, v16  }
0x1b5: {  	v54 =	vmpcnt.ones.xlane vm9;
	(v2sf) =	vpush v53, $0x0  }
0x1b6: {  	vm8 =	vlt.f32 v9, v16  }
0x1b7: {  	v55 =	vmpcnt.ones.xlane vm8;
	(v2sf) =	vpush v54, $0x0  }
0x1b8: {  	vm7 =	vlt.f32 v8, v16  }
0x1b9: {  	s6 =	sshll.u32 s1, $0x7;
	v16 =	vmpcnt.ones.xlane vm7;
	(v2sf) =	vpush v55, $0x0  }
0x1ba: {  	s6 =	sadd.s32 s25, s6  }
0x1bb: {  	s7 =	sor.u32 $0x400, s6;
	(v2sf) =	vpush v16, $0x0  }
0x1bc: {  	v56 =	vor.u32 s7, v3;
	[tilespmem:v5+s12+$0x10000 ss:$0x1] =	vst.idx.msk vm0, v15;
	s10 =	spop (v2sf)  }
0x1bd: {  	[tilespmem:v5+s12+$0x11800 ss:$0x1] =	vst.idx.msk vm0, v56;
	s7 =	sadd.s32 s12, s10;
	s10 =	sor.u32 $0x410, s6  }
0x1be: {  	s12 =	spop (v2sf);
	v57 =	vor.u32 s10, v3;
	[tilespmem:v5+s7+$0x10000 ss:$0x1] =	vst.idx.msk vm13, v14  }
0x1bf: {  	s10 =	sor.u32 $0x420, s6;
	[tilespmem:v5+s7+$0x11800 ss:$0x1] =	vst.idx.msk vm13, v57;
	s7 =	sadd.s32 s12, s7  }
0x1c0: {  	s12 =	spop (v2sf);
	v58 =	vor.u32 s10, v3;
	[tilespmem:v5+s7+$0x10000 ss:$0x1] =	vst.idx.msk vm12, v13  }
0x1c1: {  	s10 =	sor.u32 $0x430, s6;
	[tilespmem:v5+s7+$0x11800 ss:$0x1] =	vst.idx.msk vm12, v58;
	s7 =	sadd.s32 s12, s7  }
0x1c2: {  	v59 =	vor.u32 s10, v3;
	s12 =	spop (v2sf);
	[tilespmem:v5+s7+$0x10000 ss:$0x1] =	vst.idx.msk vm11, v12  }
0x1c3: {  	s10 =	sor.u32 $0x440, s6;
	[tilespmem:v5+s7+$0x11800 ss:$0x1] =	vst.idx.msk vm11, v59;
	s7 =	sadd.s32 s12, s7  }
0x1c4: {  	v60 =	vor.u32 s10, v3;
	s12 =	spop (v2sf);
	[tilespmem:v5+s7+$0x10000 ss:$0x1] =	vst.idx.msk vm10, v11  }
0x1c5: {  	s10 =	sor.u32 $0x450, s6;
	[tilespmem:v5+s7+$0x11800 ss:$0x1] =	vst.idx.msk vm10, v60;
	s7 =	sadd.s32 s12, s7  }
0x1c6: {  	v61 =	vor.u32 s10, v3;
	s12 =	spop (v2sf);
	[tilespmem:v5+s7+$0x10000 ss:$0x1] =	vst.idx.msk vm9, v10  }
0x1c7: {  	s10 =	sor.u32 $0x460, s6;
	[tilespmem:v5+s7+$0x11800 ss:$0x1] =	vst.idx.msk vm9, v61;
	s7 =	sadd.s32 s12, s7  }
0x1c8: {  	v62 =	vor.u32 s10, v3;
	s12 =	spop (v2sf);
	[tilespmem:v5+s7+$0x10000 ss:$0x1] =	vst.idx.msk vm8, v9  }
0x1c9: {  	s6 =	sor.u32 $0x470, s6;
	[tilespmem:v5+s7+$0x11800 ss:$0x1] =	vst.idx.msk vm8, v62;
	s7 =	sadd.s32 s12, s7  }
0x1ca: {  	v63 =	vor.u32 s6, v3;
	s12 =	spop (v2sf);
	[tilespmem:v5+s7+$0x10000 ss:$0x1] =	vst.idx.msk vm7, v8  }
0x1cb: {  	s12 =	sadd.s32 s12, s7;
	[tilespmem:v5+s7+$0x11800 ss:$0x1] =	vst.idx.msk vm7, v63  }
.LBB2_29:
0x1cc: {  	p1 =	slt.s32 s12, $0x30  }
.Ltmp20:
0x1cd: {  	_ = 	snop;
	(pc) =	sbr.rel @p1 .LBB2_35-.Ltmp20, $1  }
0x1ce: {  	_ =	sdelay $0x3  }
0x1cf: {  	v8 =	vimm.f32 $3.399999950e+38  }
0x1d0: {  	s31 =	simm.s32 $0x0;
	v9 =	vimm.s32 $0x7FFFFFFF;
	s6 =	simm.f32 $-3.399999950e+38;
	s7 =	simm.s32 $0x80000000  }
.LBB2_31:
0x1d1: {  	_ =	sdelay $0x2  }
0x1d2: {  	s10 =	simm.s32 $0x0  }
0x1d3: {  	v13 =	vld.idx.msk [tilespmem:v6+s10+$0x0 ss:$0x1], $0xffff  }
0x1d4: {  	v14 =	vld.idx.msk [tilespmem:v7+s10+$0x0 ss:$0x1], $0xffff;
	_ =	sdelay $0x3  }
0x1d5: {  	v10 =	vmov s6;
	v11 =	vmov s7  }
0x1d6: {  	vm0 =	veq.f32 v13, v10;
	vm1 =	vgt.s32 v14, v11  }
0x1d7: {  	s10 =	simm.s32 $0x10;
	vm7 =	vgt.f32 v13, v10;
	vm0 =	vmand vm0, vm1  }
0x1d8: {  	v12 =	vld.idx.msk [tilespmem:v6+s10+$0x0 ss:$0x1], $0xffff;
	vm0 =	vmor vm7, vm0  }
0x1d9: {  	v16 =	vnsel vm0, $0x7F7FC99E, v13;
	v13 =	vld.idx.msk [tilespmem:v7+s10+$0x0 ss:$0x1], $0xffff;
	_ =	sdelay $0x1  }
0x1da: {  	s6 =	simm.s32 $0x80;
	v15 =	vimm.f32 $3.399999950e+38;
	v17 =	vnsel vm0, $0x7FFFFFFF, v14;
	v14 =	vimm.s32 $0x7FFFFFFF  }
.LBB2_32:
0x1db: {  	s7 =	sshra.s32 s6, $0x2;
	vm0 =	veq.f32 v16, v15;
	vm1 =	vlt.s32 v17, v14;
	p1 =	sne.s32 s6, $0x2C0  }
.Ltmp21:
0x1dc: {  	s6 =	sadd.s32 $0x40, s6;
	vm7 =	vgt.f32 v12, v10;
	vm8 =	vlt.f32 v16, v15;
	v18 =	vmovc v12;
	vm0 =	vmand vm0, vm1;
	v12 =	vld.idx.msk [tilespmem:v6+s7+$0x0 ss:$0x1], $0xffff;
	(pc) =	sbr.rel @p1 .LBB2_32-.Ltmp21, $4  }
0x1dd: {  	vm1 =	veq.f32 v18, v10;
	vm9 =	vgt.s32 v13, v11;
	v19 =	vmovc v13;
	vm0 =	vmor vm8, vm0;
	v13 =	vld.idx.msk [tilespmem:v7+s7+$0x0 ss:$0x1], $0xffff  }
0x1de: {  	vm1 =	vmand vm1, vm9;
	v15 =	vsel vm0, v16, v15;
	v14 =	vsel vm0, v17, v14  }
0x1df: {  	vm0 =	vmor vm7, vm1  }
0x1e0: {  	v16 =	vnsel vm0, $0x7F7FC99E, v18;
	v17 =	vnsel vm0, $0x7FFFFFFF, v19  }
0x1e1: {  	vm0 =	veq.f32 v16, v15;
	vm1 =	vlt.s32 v17, v14;
	vm7 =	vlt.f32 v16, v15  }
0x1e2: {  	vm0 =	vmand vm0, vm1;
	vm1 =	veq.f32 v12, v10;
	vm8 =	vgt.s32 v13, v11  }
0x1e3: {  	vm9 =	vgt.f32 v12, v10;
	vm0 =	vmor vm7, vm0;
	vm1 =	vmand vm1, vm8  }
0x1e4: {  	v10 =	vsel vm0, v16, v15;
	vm1 =	vmor vm9, vm1  }
0x1e5: {  	v11 =	vsel vm0, v17, v14;
	v60 =	vnsel vm1, $0x7F7FC99E, v12;
	v61 =	vnsel vm1, $0x7FFFFFFF, v13  }
0x1e6: {  	vm0 =	veq.f32 v60, v10;
	vm1 =	vlt.s32 v61, v11  }
0x1e7: {  	vm7 =	vlt.f32 v60, v10;
	vm0 =	vmand vm0, vm1  }
0x1e8: {  	vm0 =	vmor vm7, vm0  }
0x1e9: {  	v10 =	vsel vm0, v60, v10  }
0x1ea: {  	(xrf0) =	vmin.scan.msk.f32 $0xffff, v10;
	_ =	sdelay $0x5  }
0x1eb: {  	v62, _, _ =	vpop (xrf0)  }
0x1ec: {  	v63 =	vbroadcast v62, $0xF  }
0x1ed: {  	v11 =	vsel vm0, v61, v11  }
0x1ee: {  	vm0 =	veq.f32 v10, v63;
	v10 =	vxor.u32 $0x80000000, v11  }
0x1ef: {  	v10 =	vnsel vm0, $0xFFFFFFFF, v10  }
0x1f0: {  	(xrf0) =	vmin.scan.msk.u32 $0xffff, v10;
	_ =	sdelay $0x5  }
0x1f1: {  	(v2sf) =	vpush v62, $0xF;
	v10, _, _ =	vpop (xrf0)  }
0x1f2: {  	(v2sf) =	vpush v10, $0xF;
	_ =	sdelay $0xa  }
0x1f3: {  	v10 =	vmov s31;
	s31 =	sadd.s32 $0x1, s31  }
0x1f4: {  	p1 =	sne.s32 s31, $0x8  }
.Ltmp22:
0x1f5: {  	_ = 	snop;
	(pc) =	sbr.rel @p1 .LBB2_31-.Ltmp22, $4  }
0x1f6: {  	s6 =	spop (v2sf)  }
0x1f7: {  	s7 =	spop (v2sf)  }
0x1f8: {  	vm0 =	veq.s32 v10, v3;
	s7 =	sxor.u32 $0x80000000, s7  }
0x1f9: {  	v8 =	vsel vm0, v63, v8;
	v9 =	vsel vm0, s7, v9  }
0x1fa: {  	[tilespmem:s0+$0x10000] =	vst v8  }
0x1fb: {  	[tilespmem:s0+$0x11800] =	vst v9  }
0x1fc: {  	[tilespmem:s0+$0x10010] =	vst v1  }
0x1fd: {  	[tilespmem:s0+$0x11810] =	vst v2  }
0x1fe: {  	[tilespmem:s0+$0x10020] =	vst v1  }
0x1ff: {  	[tilespmem:s0+$0x11820] =	vst v2  }
0x200: {  	[tilespmem:s0+$0x10030] =	vst v1  }
0x201: {  	[tilespmem:s0+$0x11830] =	vst v2  }
0x202: {  	[tilespmem:s0+$0x10040] =	vst v1;
	(v2sf) =	vpush v8, $0x7  }
0x203: {  	[tilespmem:s0+$0x11840] =	vst v2  }
0x204: {  	[tilespmem:s0+$0x10050] =	vst v1  }
0x205: {  	[tilespmem:s0+$0x11850] =	vst v2  }
0x206: {  	[tilespmem:s0+$0x10060] =	vst v1  }
0x207: {  	[tilespmem:s0+$0x11860] =	vst v2  }
0x208: {  	[tilespmem:s0+$0x10070] =	vst v1  }
0x209: {  	[tilespmem:s0+$0x11870] =	vst v2  }
0x20a: {  	[tilespmem:s0+$0x10080] =	vst v1  }
0x20b: {  	[tilespmem:s0+$0x11880] =	vst v2  }
0x20c: {  	[tilespmem:s0+$0x10090] =	vst v1  }
.Ltmp23:
0x20d: {  	[tilespmem:s0+$0x11890] =	vst v2;
	(pc) =	sbr.rel .LBB2_35-.Ltmp23, $4  }
0x20e: {  	[tilespmem:s0+$0x100A0] =	vst v1  }
0x20f: {  	[tilespmem:s0+$0x118A0] =	vst v2  }
0x210: {  	[tilespmem:s0+$0x100B0] =	vst v1  }
0x211: {  	[tilespmem:s0+$0x118B0] =	vst v2;
	s31 =	spop (v2sf)  }
.LBB2_38:
.Ltmp24:
0x212: {  	(pc) =	sbr.rel @p0 .LBB2_39-.Ltmp24, $1  }
0x213: {  	_ =	sdelay $0x3  }
.Ltmp25:
0x214: {  	(pc) =	sbr.rel .LBB2_10-.Ltmp25, $4  }
0x215: {  	s0 =	sadd.s32 s9, s26  }
0x216: {  	s0 =	sshrl.u32 s0, $0x3  }
0x217: {  	s24 =	sadd.s32 $0x1, s24;
	s0 =	sadd.s32 s4, s0  }
0x218: {  	[tilespmem:s15], [sflag:$0x2] =	stream.linear.gather [hbm4b:s0+s3], $0x8000, $0x38;
	[tilespmem:$0x1C100] =	vst v63  }
.LBB2_39:
0x219: {  	s0 =	simm.s32 $0x0;
	s1 =	simm.s32 $0x10000;
	s12 =	simm.s32 $0x11800  }
.LBB2_40:
0x21a: {  	v6 =	vmov s1  }
0x21b: {  	v7 =	vmov s12  }
0x21c: {  	v5 =	vimm.f32 $3.399999950e+38  }
0x21d: {  	v4 =	vimm.s32 $0x7FFFFFFF;
	s6 =	simm.f32 $-3.399999950e+38;
	s25 =	simm.s32 $0x80000000;
	s24 =	simm.s32 $0x0  }
.LBB2_41:
0x21e: {  	_ =	sdelay $0x2  }
0x21f: {  	s7 =	simm.s32 $0x0  }
0x220: {  	v11 =	vld.idx.msk [tilespmem:v6+s7+$0x0 ss:$0x1], $0xffff  }
0x221: {  	v12 =	vld.idx.msk [tilespmem:v7+s7+$0x0 ss:$0x1], $0xffff;
	_ =	sdelay $0x3  }
0x222: {  	v8 =	vmov s6;
	v9 =	vmov s25  }
0x223: {  	vm0 =	veq.f32 v11, v8;
	vm1 =	vgt.s32 v12, v9  }
0x224: {  	s31 =	simm.s32 $0x10;
	vm7 =	vgt.f32 v11, v8;
	vm0 =	vmand vm0, vm1  }
0x225: {  	v10 =	vld.idx.msk [tilespmem:v6+s31+$0x0 ss:$0x1], $0xffff;
	vm0 =	vmor vm7, vm0  }
0x226: {  	v14 =	vnsel vm0, $0x7F7FC99E, v11;
	v11 =	vld.idx.msk [tilespmem:v7+s31+$0x0 ss:$0x1], $0xffff;
	_ =	sdelay $0x1  }
0x227: {  	s6 =	simm.s32 $0x80;
	v13 =	vimm.f32 $3.399999950e+38;
	v15 =	vnsel vm0, $0x7FFFFFFF, v12;
	v12 =	vimm.s32 $0x7FFFFFFF  }
.LBB2_42:
0x228: {  	s7 =	sshra.s32 s6, $0x2;
	vm0 =	veq.f32 v14, v13;
	vm1 =	vlt.s32 v15, v12;
	p0 =	sne.s32 s6, $0x2C0  }
.Ltmp26:
0x229: {  	s6 =	sadd.s32 $0x40, s6;
	vm7 =	vgt.f32 v10, v8;
	vm8 =	vlt.f32 v14, v13;
	v16 =	vmovc v10;
	vm0 =	vmand vm0, vm1;
	v10 =	vld.idx.msk [tilespmem:v6+s7+$0x0 ss:$0x1], $0xffff;
	(pc) =	sbr.rel @p0 .LBB2_42-.Ltmp26, $4  }
0x22a: {  	vm1 =	veq.f32 v16, v8;
	vm9 =	vgt.s32 v11, v9;
	v17 =	vmovc v11;
	vm0 =	vmor vm8, vm0;
	v11 =	vld.idx.msk [tilespmem:v7+s7+$0x0 ss:$0x1], $0xffff  }
0x22b: {  	vm1 =	vmand vm1, vm9;
	v13 =	vsel vm0, v14, v13;
	v12 =	vsel vm0, v15, v12  }
0x22c: {  	vm0 =	vmor vm7, vm1  }
0x22d: {  	v14 =	vnsel vm0, $0x7F7FC99E, v16;
	v15 =	vnsel vm0, $0x7FFFFFFF, v17  }
0x22e: {  	vm0 =	veq.f32 v14, v13;
	vm1 =	vlt.s32 v15, v12;
	vm7 =	vlt.f32 v14, v13  }
0x22f: {  	vm0 =	vmand vm0, vm1;
	vm1 =	veq.f32 v10, v8;
	vm8 =	vgt.s32 v11, v9  }
0x230: {  	vm9 =	vgt.f32 v10, v8;
	vm0 =	vmor vm7, vm0;
	vm1 =	vmand vm1, vm8  }
0x231: {  	v8 =	vsel vm0, v14, v13;
	vm1 =	vmor vm9, vm1  }
0x232: {  	v59 =	vsel vm0, v15, v12;
	v60 =	vnsel vm1, $0x7F7FC99E, v10;
	v61 =	vnsel vm1, $0x7FFFFFFF, v11  }
0x233: {  	vm0 =	veq.f32 v60, v8;
	vm1 =	vlt.s32 v61, v59  }
0x234: {  	vm7 =	vlt.f32 v60, v8;
	vm0 =	vmand vm0, vm1  }
0x235: {  	vm0 =	vmor vm7, vm0  }
0x236: {  	v8 =	vsel vm0, v60, v8  }
0x237: {  	(xrf0) =	vmin.scan.msk.f32 $0xffff, v8;
	_ =	sdelay $0x5  }
0x238: {  	v62, _, _ =	vpop (xrf0)  }
0x239: {  	v63 =	vbroadcast v62, $0xF  }
0x23a: {  	v9 =	vsel vm0, v61, v59  }
0x23b: {  	vm0 =	veq.f32 v8, v63;
	v8 =	vxor.u32 $0x80000000, v9  }
0x23c: {  	v8 =	vnsel vm0, $0xFFFFFFFF, v8  }
0x23d: {  	(xrf0) =	vmin.scan.msk.u32 $0xffff, v8;
	_ =	sdelay $0x5  }
0x23e: {  	(v2sf) =	vpush v62, $0xF;
	v8, _, _ =	vpop (xrf0)  }
0x23f: {  	(v2sf) =	vpush v8, $0xF;
	_ =	sdelay $0xa  }
0x240: {  	v8 =	vmov s24;
	s24 =	sadd.s32 $0x1, s24  }
0x241: {  	p0 =	sne.s32 s24, $0x8  }
.Ltmp27:
0x242: {  	_ = 	snop;
	(pc) =	sbr.rel @p0 .LBB2_41-.Ltmp27, $4  }
0x243: {  	s6 =	spop (v2sf)  }
0x244: {  	s7 =	spop (v2sf)  }
0x245: {  	vm0 =	veq.s32 v8, v3;
	s25 =	sxor.u32 $0x80000000, s7  }
0x246: {  	v5 =	vsel vm0, v63, v5;
	v4 =	vsel vm0, s25, v4  }
0x247: {  	s6 =	sshll.u32 s0, $0x7  }
0x248: {  	s6 =	sand.u32 $0x3FFFFF80, s6  }
0x249: {  	v6 =	vld [tilespmem:s6+$0x1B000];
	_ =	sdelay $0x4  }
0x24a: {  	v6 =	vmul.f32 v6, v6;
	_ =	sdelay $0x1  }
0x24b: {  	(xrf2) =	vadd.scan.msk.f32 $0xffff, v6;
	_ =	sdelay $0x9  }
0x24c: {  	v6, _, _ =	vpop (xrf2)  }
0x24d: {  	v6 =	vbroadcast v6, $0xF;
	_ =	sdelay $0x1  }
0x24e: {  	v5 =	vadd.f32 v6, v5;
	_ =	sdelay $0x1  }
0x24f: {  	v5 =	vmax.f32 v5, $9.999999970e-07  }
0x250: {  	(erf) = vrcp.f32 v5;
	_ =	sdelay $0x4  }
0x251: {  	vm0 =	vmmov $0xff  }
0x252: {  	v4 =	vnsel vm0, $0x0, v4;
	_ =	sdelay $0x1  }
0x253: {  	[tilespmem:$0x1C000] =	vst v4  }
0x254: {  	[tilespmem:s20], [sflag:$0x3] =	stream.indirect.gather [hbm4b:s2+s18], $0x1, s19, s18, $0xb8;
	v4 =	vpop (erf);
	[tilespmem:$0x1C100] =	vst v63  }
0x255: {  	_ =	swait.ge [sflag:s21], $0x10  }
0x256: {  	[sflag:s21] =	ssyncset.done $0x0  }
0x257: {  	[sflag:s21] =	ssyncadd.s32 $0xFFFFFFF0  }
0x258: {  	v5 =	vld [tilespmem:$0x1C080];
	_ =	sdelay $0x3  }
0x259: {  	v63 =	vmov s0  }
0x25a: {  	v7 =	vshll.u32 v63, $0xA;
	v8 =	vshll.u32 v5, $0x3  }
0x25b: {  	v7 =	vand.u32 $0x6000, v7;
	v6 =	vshll.u32 v63, $0x7;
	v8 =	vand.u32 $0xFFFFFC00, v8  }
0x25c: {  	v6 =	vand.u32 $0x380, v6;
	v7 =	vadd.s32 v7, v8  }
0x25d: {  	v5 =	vand.u32 $0x7F, v5;
	v6 =	vor.u32 v6, v7  }
0x25e: {  	vm0 =	vcmask $0x704;
	v5 =	vor.u32 v5, v6;
	_ =	sdelay $0x4  }
0x25f: {  	[tilespmem:v5+s22+$0x0] =	vst.idx.add.f32.msk $0x1, v4  }
0x260: {  	[tilespmem:v5+s22+$0x0] =	vst.idx.add.f32.msk vm0, v4;
	vm0 =	vcmask $0xB08;
	_ =	sdelay $0x4  }
0x261: {  	s0 =	sadd.s32 $0x1, s0  }
0x262: {  	p0 =	sne.s32 s0, $0x20;
	[tilespmem:v5+s22+$0x0] =	vst.idx.add.f32.msk vm0, v4  }
.Ltmp28:
0x263: {  	[tilespmem:v5+s22+$0x0] =	vst.idx.add.f32.msk vm2, v4;
	(pc) =	sbr.rel @p0 .LBB2_40-.Ltmp28, $4  }
0x264: {  	[tilespmem:v5+s22+$0x0] =	vst.idx.add.f32.msk vm3, v4  }
0x265: {  	[tilespmem:v5+s22+$0x0] =	vst.idx.add.f32.msk vm4, v4  }
0x266: {  	[tilespmem:v5+s22+$0x0] =	vst.idx.add.f32.msk vm5, v4  }
0x267: {  	s1 =	sadd.s32 $0xC0, s1;
	s12 =	sadd.s32 $0xC0, s12;
	[tilespmem:v5+s22+$0x0] =	vst.idx.add.f32.msk vm6, v4  }
0x268: {  	s23 =	sadd.s32 $0x1, s23  }
0x269: {  	p0 =	sne.s32 s23, s11  }
.Ltmp29:
0x26a: {  	s0 =	rddreg [dreg:$0x6];
	(pc) =	sbr.rel @p0 .LBB2_1-.Ltmp29, $4  }
0x26b: {  	[hbm4b:s0+s3] =	stream.linear.scatter [tilespmem:s22], [sflag:$0x4], $0x8000, $0x38;
	[tilespmem:$0x1C100] =	vst v63  }
0x26c: {  	_ =	swait.ge [sflag:s13], $0x8000  }
0x26d: {  	[sflag:s13] =	ssyncset.done $0x0  }
0x26e: {  	[sflag:s13] =	ssyncadd.s32 $0xFFFF8000  }
0x26f: {  	_ =	sfence.sel $0x180000  }
0x270: {  	[bflag:$0x0] =	sbarrier.arrive $0xFFFF  }
0x271: {  	_ =	strace $0x90000047  }
0x272: {  	s0 =	stileid.u32;
	[bflag:$0x2] =	sbarrier.arrive $0xFFFF  }
0x273: {  	p0 =	sne.s32 s0, $0x0;
	s0 =	rddreg [dreg:$0x3]  }
0x274: {  	s0 =	sadd.s32 @!p0 $0x100000, s0  }
0x275: {  	[sflag:s0] =	ssyncadd.tile.s32 @!p0 $0x1;
	_ =	shalt  }
.Lfunc_end2:
_tile_overlayer_lowered:
.L_overlay_start_2:
0x276: {  	(tag) =	ssettag $0x2  }
0x277: {  	s0 =	rddreg [dreg:$0x0];
	s2 =	stileid.u32  }
0x278: {  	s1 =	rddreg [dreg:$0x1];
	p0 =	sne.s32 s2, $0x0  }
0x279: {  	s3 =	rddreg [dreg:$0x2];
	[bflag:$0x3] =	sbarrier.arrive $0xFFFF;
	s2 =	simm.s32 @!p0 $0x1C04  }
0x27a: {  	[timem:s3], [sflag:s2] =	dma.local @!p0 [hbm:s0], s1  }
0x27b: {  	s0 =	simm.s32 @!p0 $0x4  }
0x27c: {  	_ =	swait.ge @!p0 [sflag:s0], s1  }
0x27d: {  	s1 =	ssub.s32 @!p0 $0x0, s1;
	[sflag:s0] =	ssyncset.done @!p0 $0x0  }
0x27e: {  	[sflag:s0] =	ssyncadd.s32 @!p0 s1  }
0x27f: {  	[bflag:$0x3] =	sbarrier.arrive $0xFFFF  }
0x280: {  	_ =	shalt  }

</sc_bundles>
